<compile_context>
chip_gen: v7x
topology: tpu7x:2x2x1
jax: 0.10.2.dev20260603
libtpu: 0.0.44.dev20260713+nightly
codegen_flags: <defaults>
</compile_context>

<pallas_src>
import functools

import jax
import jax.numpy as jnp
from jax import lax
from jax.experimental import pallas as pl
from jax.experimental.pallas import tpu as pltpu
from jax.experimental.pallas import tpu_sc as plsc

N_NODES = 10000
N_EDGES = 320000
D_IN = 128
D_HID = 128
D_OUT = 16

NC = 2
NS = 16
NW = NC * NS
EPW = N_EDGES // NW
K = 80
CHUNKS = EPW // K
NBUF = 8
S0 = 632
S_LAST = N_NODES - 15 * S0

_MESH = dict(core_axis_name="c", subcore_axis_name="s")


def _striped_copy(s, src_slc, dst_slc):
    @pl.when(s < 15)
    def _():
        start = pl.multiple_of(s * S0, 8)
        pltpu.sync_copy(src_slc(start, S0), dst_slc(start, S0))

    @pl.when(s == 15)
    def _():
        pltpu.sync_copy(src_slc(15 * S0, S_LAST), dst_slc(15 * S0, S_LAST))


def _make_deg_kernel(k_sz=K):
    chunks = EPW // k_sz

    @functools.partial(
        pl.kernel,
        mesh=plsc.VectorSubcoreMesh(**_MESH),
        out_type=jax.ShapeDtypeStruct((NC, N_NODES, 8), jnp.float32),
        scratch_types=[
            pltpu.VMEM((chunks, k_sz), jnp.int32),
            pltpu.VMEM((k_sz, 8), jnp.float32),
            pltpu.VMEM_SHARED((N_NODES, 8), jnp.float32),
            pltpu.SemaphoreType.DMA,
        ],
        compiler_params=pltpu.CompilerParams(use_tc_tiling_on_sc=False),
    )
    def k(dstg_hbm, zeros_hbm, ones_hbm, out_hbm, di_all, ones_v, acc_sh, sem):
        c = lax.axis_index("c")
        s = lax.axis_index("s")
        wid = c * NS + s
        pltpu.sync_copy(ones_hbm, ones_v)
        pltpu.sync_copy(dstg_hbm.at[wid], di_all)
        _striped_copy(s, lambda b, n: zeros_hbm.at[pl.ds(b, n)],
                      lambda b, n: acc_sh.at[pl.ds(b, n)])
        plsc.subcore_barrier()

        def group(g, carry):
            for b in range(NBUF):
                pltpu.async_copy(ones_v, acc_sh.at[di_all.at[g * NBUF + b]],
                                 sem, add=True)
            for b in range(NBUF):
                pltpu.make_async_copy(zeros_hbm.at[pl.ds(0, k_sz)], ones_v,
                                      sem).wait()
            return carry

        lax.fori_loop(0, chunks // NBUF, group, 0)
        for t in range(chunks % NBUF):
            pltpu.async_copy(ones_v,
                             acc_sh.at[di_all.at[(chunks // NBUF) * NBUF + t]],
                             sem, add=True)
        for t in range(chunks % NBUF):
            pltpu.make_async_copy(zeros_hbm.at[pl.ds(0, k_sz)], ones_v,
                                  sem).wait()
        plsc.subcore_barrier()
        _striped_copy(s, lambda b, n: acc_sh.at[pl.ds(b, n)],
                      lambda b, n: out_hbm.at[c, pl.ds(b, n)])

    return k


def _make_scatter_kernel(depth, nbuf, k_sz=K):
    chunks = EPW // k_sz
    groups = chunks // nbuf
    tail = chunks % nbuf

    @functools.partial(
        pl.kernel,
        mesh=plsc.VectorSubcoreMesh(**_MESH),
        out_type=jax.ShapeDtypeStruct((NC, N_NODES, depth), jnp.float32),
        scratch_types=[
            pltpu.VMEM((chunks, k_sz), jnp.int32),
            pltpu.VMEM((chunks, k_sz), jnp.int32),
            pltpu.VMEM((nbuf, k_sz, depth), jnp.float32),
            pltpu.VMEM_SHARED((N_NODES, depth), jnp.float32),
            pltpu.SemaphoreType.DMA((nbuf,)),
        ],
        compiler_params=pltpu.CompilerParams(use_tc_tiling_on_sc=False),
    )
    def k(rows_hbm, srcg_hbm, dstg_hbm, zeros_hbm, out_hbm,
          si_all, di_all, rows_s, acc_sh, gsem):
        c = lax.axis_index("c")
        s = lax.axis_index("s")
        wid = c * NS + s
        pltpu.sync_copy(srcg_hbm.at[wid], si_all)
        pltpu.sync_copy(dstg_hbm.at[wid], di_all)

        @pl.when(c == 0)
        def _():
            _striped_copy(s, lambda b, n: rows_hbm.at[pl.ds(b, n)],
                          lambda b, n: acc_sh.at[pl.ds(b, n)])

        @pl.when(c == 1)
        def _():
            _striped_copy(s, lambda b, n: zeros_hbm.at[pl.ds(b, n)],
                          lambda b, n: acc_sh.at[pl.ds(b, n)])

        plsc.subcore_barrier()

        for b in range(nbuf):
            pltpu.async_copy(rows_hbm.at[si_all.at[b]], rows_s.at[b],
                             gsem.at[b])

        def group(g, carry):
            for b in range(nbuf):
                j = g * nbuf + b
                pltpu.make_async_copy(rows_hbm.at[pl.ds(0, k_sz)],
                                      rows_s.at[b], gsem.at[b]).wait()
                pltpu.sync_copy(rows_s.at[b], acc_sh.at[di_all.at[j]],
                                add=True)

                @pl.when(j + nbuf < chunks)
                def _():
                    pltpu.async_copy(rows_hbm.at[si_all.at[j + nbuf]],
                                     rows_s.at[b], gsem.at[b])

            return carry

        lax.fori_loop(0, groups, group, 0)
        for t in range(tail):
            j = groups * nbuf + t
            b = j % nbuf
            pltpu.make_async_copy(rows_hbm.at[pl.ds(0, k_sz)], rows_s.at[b],
                                  gsem.at[b]).wait()
            pltpu.sync_copy(rows_s.at[b], acc_sh.at[di_all.at[j]], add=True)
        plsc.subcore_barrier()
        _striped_copy(s, lambda b, n: acc_sh.at[pl.ds(b, n)],
                      lambda b, n: out_hbm.at[c, pl.ds(b, n)])

    return k


_deg_kernel = _make_deg_kernel(125)
_scatter128 = _make_scatter_kernel(D_HID, 3)
_scatter16 = _make_scatter_kernel(D_OUT, 8, 125)

_NB = 5000


def _d_block(degp_ref):
    deg = degp_ref[0, :, 0:1] + degp_ref[1, :, 0:1] + 1.0
    return lax.rsqrt(deg)


def _tc1(x, W1, degp):
    def body(x_ref, w_ref, degp_ref, out_ref):
        out_ref[...] = jnp.dot(x_ref[...], w_ref[...],
                               preferred_element_type=jnp.float32) * _d_block(degp_ref)

    return pl.pallas_call(
        body,
        grid=(N_NODES // _NB,),
        in_specs=[
            pl.BlockSpec((_NB, D_IN), lambda i: (i, 0)),
            pl.BlockSpec((D_IN, D_HID), lambda i: (0, 0)),
            pl.BlockSpec((NC, _NB, 8), lambda i: (0, i, 0)),
        ],
        out_specs=pl.BlockSpec((_NB, D_HID), lambda i: (i, 0)),
        out_shape=jax.ShapeDtypeStruct((N_NODES, D_HID), jnp.float32),
    )(x, W1, degp)


def _tc2(p, degp, b1, W2):
    def body(p_ref, degp_ref, b1_ref, w_ref, out_ref):
        d = _d_block(degp_ref)
        z = (p_ref[0] + p_ref[1]) * d + b1_ref[...]
        z = jnp.maximum(z, 0.0)
        out_ref[...] = jnp.dot(z, w_ref[...],
                               preferred_element_type=jnp.float32) * d

    return pl.pallas_call(
        body,
        grid=(N_NODES // _NB,),
        in_specs=[
            pl.BlockSpec((NC, _NB, D_HID), lambda i: (0, i, 0)),
            pl.BlockSpec((NC, _NB, 8), lambda i: (0, i, 0)),
            pl.BlockSpec((1, D_HID), lambda i: (0, 0)),
            pl.BlockSpec((D_HID, D_OUT), lambda i: (0, 0)),
        ],
        out_specs=pl.BlockSpec((_NB, D_OUT), lambda i: (i, 0)),
        out_shape=jax.ShapeDtypeStruct((N_NODES, D_OUT), jnp.float32),
    )(p, degp, b1, W2)


def _tc3(q, degp, b2):
    def body(q_ref, degp_ref, b2_ref, out_ref):
        d = _d_block(degp_ref)
        out_ref[...] = (q_ref[0] + q_ref[1]) * d + b2_ref[...]

    return pl.pallas_call(
        body,
        grid=(N_NODES // _NB,),
        in_specs=[
            pl.BlockSpec((NC, _NB, D_OUT), lambda i: (0, i, 0)),
            pl.BlockSpec((NC, _NB, 8), lambda i: (0, i, 0)),
            pl.BlockSpec((1, D_OUT), lambda i: (0, 0)),
        ],
        out_specs=pl.BlockSpec((_NB, D_OUT), lambda i: (i, 0)),
        out_shape=jax.ShapeDtypeStruct((N_NODES, D_OUT), jnp.float32),
    )(q, degp, b2)


def kernel(x, edge_index, W1, b1, W2, b2):
    ei = edge_index.astype(jnp.int32)
    srcg = ei[0].reshape(NW, CHUNKS, K)
    dstg = ei[1].reshape(NW, CHUNKS, K)
    srcg125 = ei[0].reshape(NW, EPW // 125, 125)
    dstg125 = ei[1].reshape(NW, EPW // 125, 125)
    zeros16 = jnp.zeros((N_NODES, 16), jnp.float32)
    zeros8 = jnp.zeros((N_NODES, 8), jnp.float32)
    zeros128 = jnp.zeros((N_NODES, D_HID), jnp.float32)
    ones8 = jnp.ones((125, 8), jnp.float32)

    degp = _deg_kernel(dstg125, zeros8, ones8)
    hp1 = _tc1(x, W1, degp)
    p = _scatter128(hp1, srcg, dstg, zeros128)
    hp2 = _tc2(p, degp, b1.reshape(1, D_HID), W2)
    q = _scatter16(hp2, srcg125, dstg125, zeros16)
    return _tc3(q, degp, b2.reshape(1, D_OUT))

# --- scband reference (transcript-rebuilt; emitter-appended) ---
"""Pipeline reference for scband-gcn-net-48524540511071 (READ-ONLY COPY).

The authoritative reference and input builder live on the scoring server;
editing this copy changes nothing except your own understanding.
"""

import jax, jax.numpy as jnp
import numpy as np

NUM_NODES = 10000
D_IN = 128
D_HID = 128
D_OUT = 16
N_EDGES = 320000


def setup_inputs(seed: int = 0) -> dict:
    key = jax.random.key(seed)
    k1, k2, k3, k4 = jax.random.split(key, 4)
    x = jax.random.normal(k1, (NUM_NODES, D_IN), dtype=jnp.float32)
    edge_index = jax.random.randint(k2, (2, N_EDGES), 0, NUM_NODES, dtype=jnp.int64)
    # GCNConv weights: lin.weight stored as [out, in] in torch, applied as x @ W.T; here store as [in, out]
    W1 = jax.random.normal(k3, (D_IN, D_HID), dtype=jnp.float32) * (1.0 / np.sqrt(D_IN))
    b1 = jnp.zeros((D_HID,), dtype=jnp.float32)
    W2 = jax.random.normal(k4, (D_HID, D_OUT), dtype=jnp.float32) * (1.0 / np.sqrt(D_HID))
    b2 = jnp.zeros((D_OUT,), dtype=jnp.float32)
    return {"x": x, "edge_index": edge_index, "W1": W1, "b1": b1, "W2": W2, "b2": b2}


def _gcn_conv(x, edge_index, W, b, num_nodes):
    # Faithful PyG GCNConv: add self-loops, symmetric normalization, linear transform, scatter-add aggregation, bias
    loop = jnp.arange(num_nodes, dtype=edge_index.dtype)
    src = jnp.concatenate([edge_index[0], loop])
    dst = jnp.concatenate([edge_index[1], loop])
    h = x @ W
    deg = jnp.zeros((num_nodes,), dtype=h.dtype).at[dst].add(1.0)
    deg_inv_sqrt = jnp.where(deg > 0, 1.0 / jnp.sqrt(deg), 0.0)
    norm = deg_inv_sqrt[src] * deg_inv_sqrt[dst]
    msg = h[src] * norm[:, None]
    out = jnp.zeros((num_nodes, h.shape[1]), dtype=h.dtype).at[dst].add(msg)
    return out + b


def reference(x, edge_index, W1, b1, W2, b2):
    num_nodes = x.shape[0]
    h = _gcn_conv(x, edge_index, W1, b1, num_nodes)
    h = jax.nn.relu(h)
    # dropout is identity in eval mode
    out = _gcn_conv(h, edge_index, W2, b2, num_nodes)
    return out

if __name__ == "__main__":
    import jax
    _d = setup_inputs()
    print(jax.jit(kernel)(*tuple(_d.values())))

</pallas_src>

<mosaic_0001>
#map = affine_map<(d0, d1) -> (0, 0, 0)>
#map1 = affine_map<(d0, d1) -> (0, 0)>
module attributes {stable_mosaic.version = 14 : i64} {
  func.func @k(%arg0: i32, %arg1: i32, %arg2: memref<32x80x125xi32, #tpu.memory_space<hbm>>, %arg3: memref<10000x8xf32, #tpu.memory_space<hbm>>, %arg4: memref<125x8xf32, #tpu.memory_space<hbm>>, %arg5: memref<2x10000x8xf32, #tpu.memory_space<hbm>>, %arg6: memref<80x125xi32, #tpu.memory_space<vmem>>, %arg7: memref<125x8xf32, #tpu.memory_space<vmem>>, %arg8: memref<10000x8xf32, #tpu.memory_space<vmem_shared>>, %arg9: memref<!tpu.dma_semaphore, #tpu.memory_space<semaphore_mem>>) attributes {dimension_semantics = [#tpu.dimension_semantics<core_parallel>, #tpu.dimension_semantics<subcore_parallel>], iteration_bounds = array<i64: 2, 16>, scalar_prefetch = 0 : i64, scratch_operands = 4 : i64, tpu.core_type = #tpu.core_type<sc_vector_subcore>, window_params = [{transform_indices = #map}, {transform_indices = #map1}, {transform_indices = #map1}, {transform_indices = #map}]} {
    %mul3A = arith.constant 16 : i32
    %mul3A_0 = arith.muli %arg0, %mul3A : i32
    %add3A = arith.addi %mul3A_0, %arg1 : i32
    "tpu.region"() ({
      %run_scoped3A = tpu.sem_alloc : memref<!tpu.dma_semaphore, #tpu.memory_space<semaphore_mem>>
      tpu.enqueue_dma source(%arg4 : memref<125x8xf32, #tpu.memory_space<hbm>>) target(%arg7 : memref<125x8xf32, #tpu.memory_space<vmem>>) target_semaphore(%run_scoped3A : memref<!tpu.dma_semaphore, #tpu.memory_space<semaphore_mem>>)
      tpu.wait_dma2 semaphore(%run_scoped3A : memref<!tpu.dma_semaphore, #tpu.memory_space<semaphore_mem>>) src(%arg4 : memref<125x8xf32, #tpu.memory_space<hbm>>) dst(%arg7 : memref<125x8xf32, #tpu.memory_space<vmem>>)
      tpu.yield
    }) : () -> ()
    "tpu.region"() ({
      %run_scoped3A = tpu.sem_alloc : memref<!tpu.dma_semaphore, #tpu.memory_space<semaphore_mem>>
      %dma_start3A = arith.constant 0 : i32
      %dma_start3A_23 = arith.constant 0 : i32
      %dma_start3A_24 = tpu.memref_slice %arg2[%add3A, %dma_start3A, %dma_start3A_23] : memref<32x80x125xi32, #tpu.memory_space<hbm>> -> memref<1x80x125xi32, #tpu.memory_space<hbm>>
      %dma_start3A_25 = tpu.memref_squeeze %dma_start3A_24 : memref<1x80x125xi32, #tpu.memory_space<hbm>> -> memref<80x125xi32, #tpu.memory_space<hbm>>
      %dma_start3A_26 = arith.constant 0 : i32
      %dma_start3A_27 = arith.constant 0 : i32
      %dma_start3A_28 = tpu.memref_slice %arg2[%add3A, %dma_start3A_26, %dma_start3A_27] : memref<32x80x125xi32, #tpu.memory_space<hbm>> -> memref<1x80x125xi32, #tpu.memory_space<hbm>>
      %dma_start3A_29 = tpu.memref_squeeze %dma_start3A_28 : memref<1x80x125xi32, #tpu.memory_space<hbm>> -> memref<80x125xi32, #tpu.memory_space<hbm>>
      tpu.enqueue_dma source(%dma_start3A_29 : memref<80x125xi32, #tpu.memory_space<hbm>>) target(%arg6 : memref<80x125xi32, #tpu.memory_space<vmem>>) target_semaphore(%run_scoped3A : memref<!tpu.dma_semaphore, #tpu.memory_space<semaphore_mem>>)
      %dma_wait3A = arith.constant 0 : i32
      %dma_wait3A_30 = arith.constant 0 : i32
      %dma_wait3A_31 = tpu.memref_slice %arg2[%add3A, %dma_wait3A, %dma_wait3A_30] : memref<32x80x125xi32, #tpu.memory_space<hbm>> -> memref<1x80x125xi32, #tpu.memory_space<hbm>>
      %dma_wait3A_32 = tpu.memref_squeeze %dma_wait3A_31 : memref<1x80x125xi32, #tpu.memory_space<hbm>> -> memref<80x125xi32, #tpu.memory_space<hbm>>
      %dma_wait3A_33 = arith.constant 0 : i32
      %dma_wait3A_34 = arith.constant 0 : i32
      %dma_wait3A_35 = tpu.memref_slice %arg2[%add3A, %dma_wait3A_33, %dma_wait3A_34] : memref<32x80x125xi32, #tpu.memory_space<hbm>> -> memref<1x80x125xi32, #tpu.memory_space<hbm>>
      %dma_wait3A_36 = tpu.memref_squeeze %dma_wait3A_35 : memref<1x80x125xi32, #tpu.memory_space<hbm>> -> memref<80x125xi32, #tpu.memory_space<hbm>>
      tpu.wait_dma2 semaphore(%run_scoped3A : memref<!tpu.dma_semaphore, #tpu.memory_space<semaphore_mem>>) src(%dma_wait3A_36 : memref<80x125xi32, #tpu.memory_space<hbm>>) dst(%arg6 : memref<80x125xi32, #tpu.memory_space<vmem>>)
      tpu.yield
    }) : () -> ()
    %lt3A = arith.constant 15 : i32
    %lt3A_1 = arith.cmpi slt, %arg1, %lt3A : i32
    %convert_element_type3A = arith.extui %lt3A_1 : i1 to i32
    %cond3A = arith.constant 0 : i32
    %cond3A_2 = arith.cmpi ne, %convert_element_type3A, %cond3A : i32
    scf.if %cond3A_2 {
      %mul3A_23 = arith.constant 632 : i32
      %mul3A_24 = arith.muli %arg1, %mul3A_23 : i32
      %multiple_of3A = tpu.assume_multiple %mul3A_24, 8 : i32
      "tpu.region"() ({
        %run_scoped3A = tpu.sem_alloc : memref<!tpu.dma_semaphore, #tpu.memory_space<semaphore_mem>>
        %dma_start3A = arith.constant 0 : i32
        %dma_start3A_25 = tpu.memref_slice %arg8[%multiple_of3A, %dma_start3A] : memref<10000x8xf32, #tpu.memory_space<vmem_shared>> -> memref<632x8xf32, #tpu.memory_space<vmem_shared>>
        %dma_start3A_26 = arith.constant 0 : i32
        %dma_start3A_27 = tpu.memref_slice %arg3[%multiple_of3A, %dma_start3A_26] : memref<10000x8xf32, #tpu.memory_space<hbm>> -> memref<632x8xf32, #tpu.memory_space<hbm>>
        tpu.enqueue_dma source(%dma_start3A_27 : memref<632x8xf32, #tpu.memory_space<hbm>>) target(%dma_start3A_25 : memref<632x8xf32, #tpu.memory_space<vmem_shared>>) target_semaphore(%run_scoped3A : memref<!tpu.dma_semaphore, #tpu.memory_space<semaphore_mem>>)
        %dma_wait3A = arith.constant 0 : i32
        %dma_wait3A_28 = tpu.memref_slice %arg8[%multiple_of3A, %dma_wait3A] : memref<10000x8xf32, #tpu.memory_space<vmem_shared>> -> memref<632x8xf32, #tpu.memory_space<vmem_shared>>
        %dma_wait3A_29 = arith.constant 0 : i32
        %dma_wait3A_30 = tpu.memref_slice %arg3[%multiple_of3A, %dma_wait3A_29] : memref<10000x8xf32, #tpu.memory_space<hbm>> -> memref<632x8xf32, #tpu.memory_space<hbm>>
        tpu.wait_dma2 semaphore(%run_scoped3A : memref<!tpu.dma_semaphore, #tpu.memory_space<semaphore_mem>>) src(%dma_wait3A_30 : memref<632x8xf32, #tpu.memory_space<hbm>>) dst(%dma_wait3A_28 : memref<632x8xf32, #tpu.memory_space<vmem_shared>>)
        tpu.yield
      }) : () -> ()
    } else {
    }
    %eq3A = arith.constant 15 : i32
    %eq3A_3 = arith.cmpi eq, %arg1, %eq3A : i32
    %convert_element_type3A_4 = arith.extui %eq3A_3 : i1 to i32
    %cond3A_5 = arith.constant 0 : i32
    %cond3A_6 = arith.cmpi ne, %convert_element_type3A_4, %cond3A_5 : i32
    scf.if %cond3A_6 {
      "tpu.region"() ({
        %run_scoped3A = tpu.sem_alloc : memref<!tpu.dma_semaphore, #tpu.memory_space<semaphore_mem>>
        %dma_start3A = arith.constant 9480 : i32
        %dma_start3A_23 = arith.constant 0 : i32
        %dma_start3A_24 = tpu.memref_slice %arg8[%dma_start3A, %dma_start3A_23] : memref<10000x8xf32, #tpu.memory_space<vmem_shared>> -> memref<520x8xf32, #tpu.memory_space<vmem_shared>>
        %dma_start3A_25 = arith.constant 9480 : i32
        %dma_start3A_26 = arith.constant 0 : i32
        %dma_start3A_27 = tpu.memref_slice %arg3[%dma_start3A_25, %dma_start3A_26] : memref<10000x8xf32, #tpu.memory_space<hbm>> -> memref<520x8xf32, #tpu.memory_space<hbm>>
        tpu.enqueue_dma source(%dma_start3A_27 : memref<520x8xf32, #tpu.memory_space<hbm>>) target(%dma_start3A_24 : memref<520x8xf32, #tpu.memory_space<vmem_shared>>) target_semaphore(%run_scoped3A : memref<!tpu.dma_semaphore, #tpu.memory_space<semaphore_mem>>)
        %dma_wait3A = arith.constant 9480 : i32
        %dma_wait3A_28 = arith.constant 0 : i32
        %dma_wait3A_29 = tpu.memref_slice %arg8[%dma_wait3A, %dma_wait3A_28] : memref<10000x8xf32, #tpu.memory_space<vmem_shared>> -> memref<520x8xf32, #tpu.memory_space<vmem_shared>>
        %dma_wait3A_30 = arith.constant 9480 : i32
        %dma_wait3A_31 = arith.constant 0 : i32
        %dma_wait3A_32 = tpu.memref_slice %arg3[%dma_wait3A_30, %dma_wait3A_31] : memref<10000x8xf32, #tpu.memory_space<hbm>> -> memref<520x8xf32, #tpu.memory_space<hbm>>
        tpu.wait_dma2 semaphore(%run_scoped3A : memref<!tpu.dma_semaphore, #tpu.memory_space<semaphore_mem>>) src(%dma_wait3A_32 : memref<520x8xf32, #tpu.memory_space<hbm>>) dst(%dma_wait3A_29 : memref<520x8xf32, #tpu.memory_space<vmem_shared>>)
        tpu.yield
      }) : () -> ()
    } else {
    }
    %barrier3A = arith.constant 0 : index
    tpu.barrier barrier_id(%barrier3A)
    %scan3A = arith.constant 0 : i32
    %scan3A_7 = arith.constant 0 : i32
    %scan3A_8 = arith.constant 10 : i32
    %scan3A_9 = arith.addi %scan3A_7, %scan3A_8 : i32
    %scan3A_10 = arith.constant 1 : i32
    scf.for %scan3A_23 = %scan3A_7 to %scan3A_9 step %scan3A_10  : i32 {
      %mul3A_24 = arith.constant 8 : i32
      %mul3A_25 = arith.muli %scan3A_23, %mul3A_24 : i32
      %add3A_26 = arith.constant 0 : i32
      %add3A_27 = arith.addi %mul3A_25, %add3A_26 : i32
      %dma_start3A = arith.constant 0 : i32
      %dma_start3A_28 = tpu.memref_slice %arg6[%add3A_27, %dma_start3A] : memref<80x125xi32, #tpu.memory_space<vmem>> -> memref<1x125xi32, #tpu.memory_space<vmem>>
      %dma_start3A_29 = tpu.memref_squeeze %dma_start3A_28 : memref<1x125xi32, #tpu.memory_space<vmem>> -> memref<125xi32, #tpu.memory_space<vmem>>
      %dma_start3A_30 = arith.constant 0 : i32
      %dma_start3A_31 = arith.constant 0 : i32
      %dma_start3A_32 = tpu.memref_slice %arg8[%dma_start3A_30, %dma_start3A_31] : memref<10000x8xf32, #tpu.memory_space<vmem_shared>> -> memref<10000x8xf32, #tpu.memory_space<vmem_shared>>
      tpu.enqueue_indirect_dma source(%arg7 : memref<125x8xf32, #tpu.memory_space<vmem>>) target(%dma_start3A_32 : memref<10000x8xf32, #tpu.memory_space<vmem_shared>>) offsets(%dma_start3A_29 : memref<125xi32, #tpu.memory_space<vmem>>) semaphore(%arg9 : memref<!tpu.dma_semaphore, #tpu.memory_space<semaphore_mem>>) {add = true}
      %mul3A_33 = arith.constant 8 : i32
      %mul3A_34 = arith.muli %scan3A_23, %mul3A_33 : i32
      %add3A_35 = arith.constant 1 : i32
      %add3A_36 = arith.addi %mul3A_34, %add3A_35 : i32
      %dma_start3A_37 = arith.constant 0 : i32
      %dma_start3A_38 = tpu.memref_slice %arg6[%add3A_36, %dma_start3A_37] : memref<80x125xi32, #tpu.memory_space<vmem>> -> memref<1x125xi32, #tpu.memory_space<vmem>>
      %dma_start3A_39 = tpu.memref_squeeze %dma_start3A_38 : memref<1x125xi32, #tpu.memory_space<vmem>> -> memref<125xi32, #tpu.memory_space<vmem>>
      %dma_start3A_40 = arith.constant 0 : i32
      %dma_start3A_41 = arith.constant 0 : i32
      %dma_start3A_42 = tpu.memref_slice %arg8[%dma_start3A_40, %dma_start3A_41] : memref<10000x8xf32, #tpu.memory_space<vmem_shared>> -> memref<10000x8xf32, #tpu.memory_space<vmem_shared>>
      tpu.enqueue_indirect_dma source(%arg7 : memref<125x8xf32, #tpu.memory_space<vmem>>) target(%dma_start3A_42 : memref<10000x8xf32, #tpu.memory_space<vmem_shared>>) offsets(%dma_start3A_39 : memref<125xi32, #tpu.memory_space<vmem>>) semaphore(%arg9 : memref<!tpu.dma_semaphore, #tpu.memory_space<semaphore_mem>>) {add = true}
      %mul3A_43 = arith.constant 8 : i32
      %mul3A_44 = arith.muli %scan3A_23, %mul3A_43 : i32
      %add3A_45 = arith.constant 2 : i32
      %add3A_46 = arith.addi %mul3A_44, %add3A_45 : i32
      %dma_start3A_47 = arith.constant 0 : i32
      %dma_start3A_48 = tpu.memref_slice %arg6[%add3A_46, %dma_start3A_47] : memref<80x125xi32, #tpu.memory_space<vmem>> -> memref<1x125xi32, #tpu.memory_space<vmem>>
      %dma_start3A_49 = tpu.memref_squeeze %dma_start3A_48 : memref<1x125xi32, #tpu.memory_space<vmem>> -> memref<125xi32, #tpu.memory_space<vmem>>
      %dma_start3A_50 = arith.constant 0 : i32
      %dma_start3A_51 = arith.constant 0 : i32
      %dma_start3A_52 = tpu.memref_slice %arg8[%dma_start3A_50, %dma_start3A_51] : memref<10000x8xf32, #tpu.memory_space<vmem_shared>> -> memref<10000x8xf32, #tpu.memory_space<vmem_shared>>
      tpu.enqueue_indirect_dma source(%arg7 : memref<125x8xf32, #tpu.memory_space<vmem>>) target(%dma_start3A_52 : memref<10000x8xf32, #tpu.memory_space<vmem_shared>>) offsets(%dma_start3A_49 : memref<125xi32, #tpu.memory_space<vmem>>) semaphore(%arg9 : memref<!tpu.dma_semaphore, #tpu.memory_space<semaphore_mem>>) {add = true}
      %mul3A_53 = arith.constant 8 : i32
      %mul3A_54 = arith.muli %scan3A_23, %mul3A_53 : i32
      %add3A_55 = arith.constant 3 : i32
      %add3A_56 = arith.addi %mul3A_54, %add3A_55 : i32
      %dma_start3A_57 = arith.constant 0 : i32
      %dma_start3A_58 = tpu.memref_slice %arg6[%add3A_56, %dma_start3A_57] : memref<80x125xi32, #tpu.memory_space<vmem>> -> memref<1x125xi32, #tpu.memory_space<vmem>>
      %dma_start3A_59 = tpu.memref_squeeze %dma_start3A_58 : memref<1x125xi32, #tpu.memory_space<vmem>> -> memref<125xi32, #tpu.memory_space<vmem>>
      %dma_start3A_60 = arith.constant 0 : i32
      %dma_start3A_61 = arith.constant 0 : i32
      %dma_start3A_62 = tpu.memref_slice %arg8[%dma_start3A_60, %dma_start3A_61] : memref<10000x8xf32, #tpu.memory_space<vmem_shared>> -> memref<10000x8xf32, #tpu.memory_space<vmem_shared>>
      tpu.enqueue_indirect_dma source(%arg7 : memref<125x8xf32, #tpu.memory_space<vmem>>) target(%dma_start3A_62 : memref<10000x8xf32, #tpu.memory_space<vmem_shared>>) offsets(%dma_start3A_59 : memref<125xi32, #tpu.memory_space<vmem>>) semaphore(%arg9 : memref<!tpu.dma_semaphore, #tpu.memory_space<semaphore_mem>>) {add = true}
      %mul3A_63 = arith.constant 8 : i32
      %mul3A_64 = arith.muli %scan3A_23, %mul3A_63 : i32
      %add3A_65 = arith.constant 4 : i32
      %add3A_66 = arith.addi %mul3A_64, %add3A_65 : i32
      %dma_start3A_67 = arith.constant 0 : i32
      %dma_start3A_68 = tpu.memref_slice %arg6[%add3A_66, %dma_start3A_67] : memref<80x125xi32, #tpu.memory_space<vmem>> -> memref<1x125xi32, #tpu.memory_space<vmem>>
      %dma_start3A_69 = tpu.memref_squeeze %dma_start3A_68 : memref<1x125xi32, #tpu.memory_space<vmem>> -> memref<125xi32, #tpu.memory_space<vmem>>
      %dma_start3A_70 = arith.constant 0 : i32
      %dma_start3A_71 = arith.constant 0 : i32
      %dma_start3A_72 = tpu.memref_slice %arg8[%dma_start3A_70, %dma_start3A_71] : memref<10000x8xf32, #tpu.memory_space<vmem_shared>> -> memref<10000x8xf32, #tpu.memory_space<vmem_shared>>
      tpu.enqueue_indirect_dma source(%arg7 : memref<125x8xf32, #tpu.memory_space<vmem>>) target(%dma_start3A_72 : memref<10000x8xf32, #tpu.memory_space<vmem_shared>>) offsets(%dma_start3A_69 : memref<125xi32, #tpu.memory_space<vmem>>) semaphore(%arg9 : memref<!tpu.dma_semaphore, #tpu.memory_space<semaphore_mem>>) {add = true}
      %mul3A_73 = arith.constant 8 : i32
      %mul3A_74 = arith.muli %scan3A_23, %mul3A_73 : i32
      %add3A_75 = arith.constant 5 : i32
      %add3A_76 = arith.addi %mul3A_74, %add3A_75 : i32
      %dma_start3A_77 = arith.constant 0 : i32
      %dma_start3A_78 = tpu.memref_slice %arg6[%add3A_76, %dma_start3A_77] : memref<80x125xi32, #tpu.memory_space<vmem>> -> memref<1x125xi32, #tpu.memory_space<vmem>>
      %dma_start3A_79 = tpu.memref_squeeze %dma_start3A_78 : memref<1x125xi32, #tpu.memory_space<vmem>> -> memref<125xi32, #tpu.memory_space<vmem>>
      %dma_start3A_80 = arith.constant 0 : i32
      %dma_start3A_81 = arith.constant 0 : i32
      %dma_start3A_82 = tpu.memref_slice %arg8[%dma_start3A_80, %dma_start3A_81] : memref<10000x8xf32, #tpu.memory_space<vmem_shared>> -> memref<10000x8xf32, #tpu.memory_space<vmem_shared>>
      tpu.enqueue_indirect_dma source(%arg7 : memref<125x8xf32, #tpu.memory_space<vmem>>) target(%dma_start3A_82 : memref<10000x8xf32, #tpu.memory_space<vmem_shared>>) offsets(%dma_start3A_79 : memref<125xi32, #tpu.memory_space<vmem>>) semaphore(%arg9 : memref<!tpu.dma_semaphore, #tpu.memory_space<semaphore_mem>>) {add = true}
      %mul3A_83 = arith.constant 8 : i32
      %mul3A_84 = arith.muli %scan3A_23, %mul3A_83 : i32
      %add3A_85 = arith.constant 6 : i32
      %add3A_86 = arith.addi %mul3A_84, %add3A_85 : i32
      %dma_start3A_87 = arith.constant 0 : i32
      %dma_start3A_88 = tpu.memref_slice %arg6[%add3A_86, %dma_start3A_87] : memref<80x125xi32, #tpu.memory_space<vmem>> -> memref<1x125xi32, #tpu.memory_space<vmem>>
      %dma_start3A_89 = tpu.memref_squeeze %dma_start3A_88 : memref<1x125xi32, #tpu.memory_space<vmem>> -> memref<125xi32, #tpu.memory_space<vmem>>
      %dma_start3A_90 = arith.constant 0 : i32
      %dma_start3A_91 = arith.constant 0 : i32
      %dma_start3A_92 = tpu.memref_slice %arg8[%dma_start3A_90, %dma_start3A_91] : memref<10000x8xf32, #tpu.memory_space<vmem_shared>> -> memref<10000x8xf32, #tpu.memory_space<vmem_shared>>
      tpu.enqueue_indirect_dma source(%arg7 : memref<125x8xf32, #tpu.memory_space<vmem>>) target(%dma_start3A_92 : memref<10000x8xf32, #tpu.memory_space<vmem_shared>>) offsets(%dma_start3A_89 : memref<125xi32, #tpu.memory_space<vmem>>) semaphore(%arg9 : memref<!tpu.dma_semaphore, #tpu.memory_space<semaphore_mem>>) {add = true}
      %mul3A_93 = arith.constant 8 : i32
      %mul3A_94 = arith.muli %scan3A_23, %mul3A_93 : i32
      %add3A_95 = arith.constant 7 : i32
      %add3A_96 = arith.addi %mul3A_94, %add3A_95 : i32
      %dma_start3A_97 = arith.constant 0 : i32
      %dma_start3A_98 = tpu.memref_slice %arg6[%add3A_96, %dma_start3A_97] : memref<80x125xi32, #tpu.memory_space<vmem>> -> memref<1x125xi32, #tpu.memory_space<vmem>>
      %dma_start3A_99 = tpu.memref_squeeze %dma_start3A_98 : memref<1x125xi32, #tpu.memory_space<vmem>> -> memref<125xi32, #tpu.memory_space<vmem>>
      %dma_start3A_100 = arith.constant 0 : i32
      %dma_start3A_101 = arith.constant 0 : i32
      %dma_start3A_102 = tpu.memref_slice %arg8[%dma_start3A_100, %dma_start3A_101] : memref<10000x8xf32, #tpu.memory_space<vmem_shared>> -> memref<10000x8xf32, #tpu.memory_space<vmem_shared>>
      tpu.enqueue_indirect_dma source(%arg7 : memref<125x8xf32, #tpu.memory_space<vmem>>) target(%dma_start3A_102 : memref<10000x8xf32, #tpu.memory_space<vmem_shared>>) offsets(%dma_start3A_99 : memref<125xi32, #tpu.memory_space<vmem>>) semaphore(%arg9 : memref<!tpu.dma_semaphore, #tpu.memory_space<semaphore_mem>>) {add = true}
      %dma_wait3A = arith.constant 0 : i32
      %dma_wait3A_103 = arith.constant 0 : i32
      %dma_wait3A_104 = tpu.memref_slice %arg3[%dma_wait3A, %dma_wait3A_103] : memref<10000x8xf32, #tpu.memory_space<hbm>> -> memref<125x8xf32, #tpu.memory_space<hbm>>
      %dma_wait3A_105 = arith.constant 0 : i32
      %dma_wait3A_106 = arith.constant 0 : i32
      %dma_wait3A_107 = tpu.memref_slice %arg3[%dma_wait3A_105, %dma_wait3A_106] : memref<10000x8xf32, #tpu.memory_space<hbm>> -> memref<125x8xf32, #tpu.memory_space<hbm>>
      tpu.wait_dma2 semaphore(%arg9 : memref<!tpu.dma_semaphore, #tpu.memory_space<semaphore_mem>>) src(%dma_wait3A_107 : memref<125x8xf32, #tpu.memory_space<hbm>>) dst(%arg7 : memref<125x8xf32, #tpu.memory_space<vmem>>)
      %dma_wait3A_108 = arith.constant 0 : i32
      %dma_wait3A_109 = arith.constant 0 : i32
      %dma_wait3A_110 = tpu.memref_slice %arg3[%dma_wait3A_108, %dma_wait3A_109] : memref<10000x8xf32, #tpu.memory_space<hbm>> -> memref<125x8xf32, #tpu.memory_space<hbm>>
      %dma_wait3A_111 = arith.constant 0 : i32
      %dma_wait3A_112 = arith.constant 0 : i32
      %dma_wait3A_113 = tpu.memref_slice %arg3[%dma_wait3A_111, %dma_wait3A_112] : memref<10000x8xf32, #tpu.memory_space<hbm>> -> memref<125x8xf32, #tpu.memory_space<hbm>>
      tpu.wait_dma2 semaphore(%arg9 : memref<!tpu.dma_semaphore, #tpu.memory_space<semaphore_mem>>) src(%dma_wait3A_113 : memref<125x8xf32, #tpu.memory_space<hbm>>) dst(%arg7 : memref<125x8xf32, #tpu.memory_space<vmem>>)
      %dma_wait3A_114 = arith.constant 0 : i32
      %dma_wait3A_115 = arith.constant 0 : i32
      %dma_wait3A_116 = tpu.memref_slice %arg3[%dma_wait3A_114, %dma_wait3A_115] : memref<10000x8xf32, #tpu.memory_space<hbm>> -> memref<125x8xf32, #tpu.memory_space<hbm>>
      %dma_wait3A_117 = arith.constant 0 : i32
      %dma_wait3A_118 = arith.constant 0 : i32
      %dma_wait3A_119 = tpu.memref_slice %arg3[%dma_wait3A_117, %dma_wait3A_118] : memref<10000x8xf32, #tpu.memory_space<hbm>> -> memref<125x8xf32, #tpu.memory_space<hbm>>
      tpu.wait_dma2 semaphore(%arg9 : memref<!tpu.dma_semaphore, #tpu.memory_space<semaphore_mem>>) src(%dma_wait3A_119 : memref<125x8xf32, #tpu.memory_space<hbm>>) dst(%arg7 : memref<125x8xf32, #tpu.memory_space<vmem>>)
      %dma_wait3A_120 = arith.constant 0 : i32
      %dma_wait3A_121 = arith.constant 0 : i32
      %dma_wait3A_122 = tpu.memref_slice %arg3[%dma_wait3A_120, %dma_wait3A_121] : memref<10000x8xf32, #tpu.memory_space<hbm>> -> memref<125x8xf32, #tpu.memory_space<hbm>>
      %dma_wait3A_123 = arith.constant 0 : i32
      %dma_wait3A_124 = arith.constant 0 : i32
      %dma_wait3A_125 = tpu.memref_slice %arg3[%dma_wait3A_123, %dma_wait3A_124] : memref<10000x8xf32, #tpu.memory_space<hbm>> -> memref<125x8xf32, #tpu.memory_space<hbm>>
      tpu.wait_dma2 semaphore(%arg9 : memref<!tpu.dma_semaphore, #tpu.memory_space<semaphore_mem>>) src(%dma_wait3A_125 : memref<125x8xf32, #tpu.memory_space<hbm>>) dst(%arg7 : memref<125x8xf32, #tpu.memory_space<vmem>>)
      %dma_wait3A_126 = arith.constant 0 : i32
      %dma_wait3A_127 = arith.constant 0 : i32
      %dma_wait3A_128 = tpu.memref_slice %arg3[%dma_wait3A_126, %dma_wait3A_127] : memref<10000x8xf32, #tpu.memory_space<hbm>> -> memref<125x8xf32, #tpu.memory_space<hbm>>
      %dma_wait3A_129 = arith.constant 0 : i32
      %dma_wait3A_130 = arith.constant 0 : i32
      %dma_wait3A_131 = tpu.memref_slice %arg3[%dma_wait3A_129, %dma_wait3A_130] : memref<10000x8xf32, #tpu.memory_space<hbm>> -> memref<125x8xf32, #tpu.memory_space<hbm>>
      tpu.wait_dma2 semaphore(%arg9 : memref<!tpu.dma_semaphore, #tpu.memory_space<semaphore_mem>>) src(%dma_wait3A_131 : memref<125x8xf32, #tpu.memory_space<hbm>>) dst(%arg7 : memref<125x8xf32, #tpu.memory_space<vmem>>)
      %dma_wait3A_132 = arith.constant 0 : i32
      %dma_wait3A_133 = arith.constant 0 : i32
      %dma_wait3A_134 = tpu.memref_slice %arg3[%dma_wait3A_132, %dma_wait3A_133] : memref<10000x8xf32, #tpu.memory_space<hbm>> -> memref<125x8xf32, #tpu.memory_space<hbm>>
      %dma_wait3A_135 = arith.constant 0 : i32
      %dma_wait3A_136 = arith.constant 0 : i32
      %dma_wait3A_137 = tpu.memref_slice %arg3[%dma_wait3A_135, %dma_wait3A_136] : memref<10000x8xf32, #tpu.memory_space<hbm>> -> memref<125x8xf32, #tpu.memory_space<hbm>>
      tpu.wait_dma2 semaphore(%arg9 : memref<!tpu.dma_semaphore, #tpu.memory_space<semaphore_mem>>) src(%dma_wait3A_137 : memref<125x8xf32, #tpu.memory_space<hbm>>) dst(%arg7 : memref<125x8xf32, #tpu.memory_space<vmem>>)
      %dma_wait3A_138 = arith.constant 0 : i32
      %dma_wait3A_139 = arith.constant 0 : i32
      %dma_wait3A_140 = tpu.memref_slice %arg3[%dma_wait3A_138, %dma_wait3A_139] : memref<10000x8xf32, #tpu.memory_space<hbm>> -> memref<125x8xf32, #tpu.memory_space<hbm>>
      %dma_wait3A_141 = arith.constant 0 : i32
      %dma_wait3A_142 = arith.constant 0 : i32
      %dma_wait3A_143 = tpu.memref_slice %arg3[%dma_wait3A_141, %dma_wait3A_142] : memref<10000x8xf32, #tpu.memory_space<hbm>> -> memref<125x8xf32, #tpu.memory_space<hbm>>
      tpu.wait_dma2 semaphore(%arg9 : memref<!tpu.dma_semaphore, #tpu.memory_space<semaphore_mem>>) src(%dma_wait3A_143 : memref<125x8xf32, #tpu.memory_space<hbm>>) dst(%arg7 : memref<125x8xf32, #tpu.memory_space<vmem>>)
      %dma_wait3A_144 = arith.constant 0 : i32
      %dma_wait3A_145 = arith.constant 0 : i32
      %dma_wait3A_146 = tpu.memref_slice %arg3[%dma_wait3A_144, %dma_wait3A_145] : memref<10000x8xf32, #tpu.memory_space<hbm>> -> memref<125x8xf32, #tpu.memory_space<hbm>>
      %dma_wait3A_147 = arith.constant 0 : i32
      %dma_wait3A_148 = arith.constant 0 : i32
      %dma_wait3A_149 = tpu.memref_slice %arg3[%dma_wait3A_147, %dma_wait3A_148] : memref<10000x8xf32, #tpu.memory_space<hbm>> -> memref<125x8xf32, #tpu.memory_space<hbm>>
      tpu.wait_dma2 semaphore(%arg9 : memref<!tpu.dma_semaphore, #tpu.memory_space<semaphore_mem>>) src(%dma_wait3A_149 : memref<125x8xf32, #tpu.memory_space<hbm>>) dst(%arg7 : memref<125x8xf32, #tpu.memory_space<vmem>>)
    }
    %scan3A_11 = arith.constant 10 : i32
    %barrier3A_12 = arith.constant 0 : index
    tpu.barrier barrier_id(%barrier3A_12)
    %lt3A_13 = arith.constant 15 : i32
    %lt3A_14 = arith.cmpi slt, %arg1, %lt3A_13 : i32
    %convert_element_type3A_15 = arith.extui %lt3A_14 : i1 to i32
    %cond3A_16 = arith.constant 0 : i32
    %cond3A_17 = arith.cmpi ne, %convert_element_type3A_15, %cond3A_16 : i32
    scf.if %cond3A_17 {
      %mul3A_23 = arith.constant 632 : i32
      %mul3A_24 = arith.muli %arg1, %mul3A_23 : i32
      %multiple_of3A = tpu.assume_multiple %mul3A_24, 8 : i32
      "tpu.region"() ({
        %run_scoped3A = tpu.sem_alloc : memref<!tpu.dma_semaphore, #tpu.memory_space<semaphore_mem>>
        %dma_start3A = arith.constant 0 : i32
        %dma_start3A_25 = tpu.memref_slice %arg5[%arg0, %multiple_of3A, %dma_start3A] : memref<2x10000x8xf32, #tpu.memory_space<hbm>> -> memref<1x632x8xf32, #tpu.memory_space<hbm>>
        %dma_start3A_26 = tpu.memref_squeeze %dma_start3A_25 : memref<1x632x8xf32, #tpu.memory_space<hbm>> -> memref<632x8xf32, #tpu.memory_space<hbm>>
        %dma_start3A_27 = arith.constant 0 : i32
        %dma_start3A_28 = tpu.memref_slice %arg8[%multiple_of3A, %dma_start3A_27] : memref<10000x8xf32, #tpu.memory_space<vmem_shared>> -> memref<632x8xf32, #tpu.memory_space<vmem_shared>>
        tpu.enqueue_dma source(%dma_start3A_28 : memref<632x8xf32, #tpu.memory_space<vmem_shared>>) target(%dma_start3A_26 : memref<632x8xf32, #tpu.memory_space<hbm>>) target_semaphore(%run_scoped3A : memref<!tpu.dma_semaphore, #tpu.memory_space<semaphore_mem>>)
        %dma_wait3A = arith.constant 0 : i32
        %dma_wait3A_29 = tpu.memref_slice %arg5[%arg0, %multiple_of3A, %dma_wait3A] : memref<2x10000x8xf32, #tpu.memory_space<hbm>> -> memref<1x632x8xf32, #tpu.memory_space<hbm>>
        %dma_wait3A_30 = tpu.memref_squeeze %dma_wait3A_29 : memref<1x632x8xf32, #tpu.memory_space<hbm>> -> memref<632x8xf32, #tpu.memory_space<hbm>>
        %dma_wait3A_31 = arith.constant 0 : i32
        %dma_wait3A_32 = tpu.memref_slice %arg8[%multiple_of3A, %dma_wait3A_31] : memref<10000x8xf32, #tpu.memory_space<vmem_shared>> -> memref<632x8xf32, #tpu.memory_space<vmem_shared>>
        tpu.wait_dma2 semaphore(%run_scoped3A : memref<!tpu.dma_semaphore, #tpu.memory_space<semaphore_mem>>) src(%dma_wait3A_32 : memref<632x8xf32, #tpu.memory_space<vmem_shared>>) dst(%dma_wait3A_30 : memref<632x8xf32, #tpu.memory_space<hbm>>)
        tpu.yield
      }) : () -> ()
    } else {
    }
    %eq3A_18 = arith.constant 15 : i32
    %eq3A_19 = arith.cmpi eq, %arg1, %eq3A_18 : i32
    %convert_element_type3A_20 = arith.extui %eq3A_19 : i1 to i32
    %cond3A_21 = arith.constant 0 : i32
    %cond3A_22 = arith.cmpi ne, %convert_element_type3A_20, %cond3A_21 : i32
    scf.if %cond3A_22 {
      "tpu.region"() ({
        %run_scoped3A = tpu.sem_alloc : memref<!tpu.dma_semaphore, #tpu.memory_space<semaphore_mem>>
        %dma_start3A = arith.constant 9480 : i32
        %dma_start3A_23 = arith.constant 0 : i32
        %dma_start3A_24 = tpu.memref_slice %arg5[%arg0, %dma_start3A, %dma_start3A_23] : memref<2x10000x8xf32, #tpu.memory_space<hbm>> -> memref<1x520x8xf32, #tpu.memory_space<hbm>>
        %dma_start3A_25 = tpu.memref_squeeze %dma_start3A_24 : memref<1x520x8xf32, #tpu.memory_space<hbm>> -> memref<520x8xf32, #tpu.memory_space<hbm>>
        %dma_start3A_26 = arith.constant 9480 : i32
        %dma_start3A_27 = arith.constant 0 : i32
        %dma_start3A_28 = tpu.memref_slice %arg8[%dma_start3A_26, %dma_start3A_27] : memref<10000x8xf32, #tpu.memory_space<vmem_shared>> -> memref<520x8xf32, #tpu.memory_space<vmem_shared>>
        tpu.enqueue_dma source(%dma_start3A_28 : memref<520x8xf32, #tpu.memory_space<vmem_shared>>) target(%dma_start3A_25 : memref<520x8xf32, #tpu.memory_space<hbm>>) target_semaphore(%run_scoped3A : memref<!tpu.dma_semaphore, #tpu.memory_space<semaphore_mem>>)
        %dma_wait3A = arith.constant 9480 : i32
        %dma_wait3A_29 = arith.constant 0 : i32
        %dma_wait3A_30 = tpu.memref_slice %arg5[%arg0, %dma_wait3A, %dma_wait3A_29] : memref<2x10000x8xf32, #tpu.memory_space<hbm>> -> memref<1x520x8xf32, #tpu.memory_space<hbm>>
        %dma_wait3A_31 = tpu.memref_squeeze %dma_wait3A_30 : memref<1x520x8xf32, #tpu.memory_space<hbm>> -> memref<520x8xf32, #tpu.memory_space<hbm>>
        %dma_wait3A_32 = arith.constant 9480 : i32
        %dma_wait3A_33 = arith.constant 0 : i32
        %dma_wait3A_34 = tpu.memref_slice %arg8[%dma_wait3A_32, %dma_wait3A_33] : memref<10000x8xf32, #tpu.memory_space<vmem_shared>> -> memref<520x8xf32, #tpu.memory_space<vmem_shared>>
        tpu.wait_dma2 semaphore(%run_scoped3A : memref<!tpu.dma_semaphore, #tpu.memory_space<semaphore_mem>>) src(%dma_wait3A_34 : memref<520x8xf32, #tpu.memory_space<vmem_shared>>) dst(%dma_wait3A_31 : memref<520x8xf32, #tpu.memory_space<hbm>>)
        tpu.yield
      }) : () -> ()
    } else {
    }
    return
  }
}

#map = affine_map<(d0, d1) -> (0, 0)>
#map1 = affine_map<(d0, d1) -> (0, 0, 0)>
module attributes {stable_mosaic.version = 14 : i64} {
  func.func @k(%arg0: i32, %arg1: i32, %arg2: memref<10000x128xf32, #tpu.memory_space<hbm>>, %arg3: memref<32x125x80xi32, #tpu.memory_space<hbm>>, %arg4: memref<32x125x80xi32, #tpu.memory_space<hbm>>, %arg5: memref<10000x128xf32, #tpu.memory_space<hbm>>, %arg6: memref<2x10000x128xf32, #tpu.memory_space<hbm>>, %arg7: memref<125x80xi32, #tpu.memory_space<vmem>>, %arg8: memref<125x80xi32, #tpu.memory_space<vmem>>, %arg9: memref<3x80x128xf32, #tpu.memory_space<vmem>>, %arg10: memref<10000x128xf32, #tpu.memory_space<vmem_shared>>, %arg11: memref<3x!tpu.dma_semaphore, #tpu.memory_space<semaphore_mem>>) attributes {dimension_semantics = [#tpu.dimension_semantics<core_parallel>, #tpu.dimension_semantics<subcore_parallel>], iteration_bounds = array<i64: 2, 16>, scalar_prefetch = 0 : i64, scratch_operands = 5 : i64, tpu.core_type = #tpu.core_type<sc_vector_subcore>, window_params = [{transform_indices = #map}, {transform_indices = #map1}, {transform_indices = #map1}, {transform_indices = #map}, {transform_indices = #map1}]} {
    %mul3A = arith.constant 16 : i32
    %mul3A_0 = arith.muli %arg0, %mul3A : i32
    %add3A = arith.addi %mul3A_0, %arg1 : i32
    "tpu.region"() ({
      %run_scoped3A_105 = tpu.sem_alloc : memref<!tpu.dma_semaphore, #tpu.memory_space<semaphore_mem>>
      %dma_start3A_106 = arith.constant 0 : i32
      %dma_start3A_107 = arith.constant 0 : i32
      %dma_start3A_108 = tpu.memref_slice %arg3[%add3A, %dma_start3A_106, %dma_start3A_107] : memref<32x125x80xi32, #tpu.memory_space<hbm>> -> memref<1x125x80xi32, #tpu.memory_space<hbm>>
      %dma_start3A_109 = tpu.memref_squeeze %dma_start3A_108 : memref<1x125x80xi32, #tpu.memory_space<hbm>> -> memref<125x80xi32, #tpu.memory_space<hbm>>
      %dma_start3A_110 = arith.constant 0 : i32
      %dma_start3A_111 = arith.constant 0 : i32
      %dma_start3A_112 = tpu.memref_slice %arg3[%add3A, %dma_start3A_110, %dma_start3A_111] : memref<32x125x80xi32, #tpu.memory_space<hbm>> -> memref<1x125x80xi32, #tpu.memory_space<hbm>>
      %dma_start3A_113 = tpu.memref_squeeze %dma_start3A_112 : memref<1x125x80xi32, #tpu.memory_space<hbm>> -> memref<125x80xi32, #tpu.memory_space<hbm>>
      tpu.enqueue_dma source(%dma_start3A_113 : memref<125x80xi32, #tpu.memory_space<hbm>>) target(%arg7 : memref<125x80xi32, #tpu.memory_space<vmem>>) target_semaphore(%run_scoped3A_105 : memref<!tpu.dma_semaphore, #tpu.memory_space<semaphore_mem>>)
      %dma_wait3A_114 = arith.constant 0 : i32
      %dma_wait3A_115 = arith.constant 0 : i32
      %dma_wait3A_116 = tpu.memref_slice %arg3[%add3A, %dma_wait3A_114, %dma_wait3A_115] : memref<32x125x80xi32, #tpu.memory_space<hbm>> -> memref<1x125x80xi32, #tpu.memory_space<hbm>>
      %dma_wait3A_117 = tpu.memref_squeeze %dma_wait3A_116 : memref<1x125x80xi32, #tpu.memory_space<hbm>> -> memref<125x80xi32, #tpu.memory_space<hbm>>
      %dma_wait3A_118 = arith.constant 0 : i32
      %dma_wait3A_119 = arith.constant 0 : i32
      %dma_wait3A_120 = tpu.memref_slice %arg3[%add3A, %dma_wait3A_118, %dma_wait3A_119] : memref<32x125x80xi32, #tpu.memory_space<hbm>> -> memref<1x125x80xi32, #tpu.memory_space<hbm>>
      %dma_wait3A_121 = tpu.memref_squeeze %dma_wait3A_120 : memref<1x125x80xi32, #tpu.memory_space<hbm>> -> memref<125x80xi32, #tpu.memory_space<hbm>>
      tpu.wait_dma2 semaphore(%run_scoped3A_105 : memref<!tpu.dma_semaphore, #tpu.memory_space<semaphore_mem>>) src(%dma_wait3A_121 : memref<125x80xi32, #tpu.memory_space<hbm>>) dst(%arg7 : memref<125x80xi32, #tpu.memory_space<vmem>>)
      tpu.yield
    }) : () -> ()
    "tpu.region"() ({
      %run_scoped3A_105 = tpu.sem_alloc : memref<!tpu.dma_semaphore, #tpu.memory_space<semaphore_mem>>
      %dma_start3A_106 = arith.constant 0 : i32
      %dma_start3A_107 = arith.constant 0 : i32
      %dma_start3A_108 = tpu.memref_slice %arg4[%add3A, %dma_start3A_106, %dma_start3A_107] : memref<32x125x80xi32, #tpu.memory_space<hbm>> -> memref<1x125x80xi32, #tpu.memory_space<hbm>>
      %dma_start3A_109 = tpu.memref_squeeze %dma_start3A_108 : memref<1x125x80xi32, #tpu.memory_space<hbm>> -> memref<125x80xi32, #tpu.memory_space<hbm>>
      %dma_start3A_110 = arith.constant 0 : i32
      %dma_start3A_111 = arith.constant 0 : i32
      %dma_start3A_112 = tpu.memref_slice %arg4[%add3A, %dma_start3A_110, %dma_start3A_111] : memref<32x125x80xi32, #tpu.memory_space<hbm>> -> memref<1x125x80xi32, #tpu.memory_space<hbm>>
      %dma_start3A_113 = tpu.memref_squeeze %dma_start3A_112 : memref<1x125x80xi32, #tpu.memory_space<hbm>> -> memref<125x80xi32, #tpu.memory_space<hbm>>
      tpu.enqueue_dma source(%dma_start3A_113 : memref<125x80xi32, #tpu.memory_space<hbm>>) target(%arg8 : memref<125x80xi32, #tpu.memory_space<vmem>>) target_semaphore(%run_scoped3A_105 : memref<!tpu.dma_semaphore, #tpu.memory_space<semaphore_mem>>)
      %dma_wait3A_114 = arith.constant 0 : i32
      %dma_wait3A_115 = arith.constant 0 : i32
      %dma_wait3A_116 = tpu.memref_slice %arg4[%add3A, %dma_wait3A_114, %dma_wait3A_115] : memref<32x125x80xi32, #tpu.memory_space<hbm>> -> memref<1x125x80xi32, #tpu.memory_space<hbm>>
      %dma_wait3A_117 = tpu.memref_squeeze %dma_wait3A_116 : memref<1x125x80xi32, #tpu.memory_space<hbm>> -> memref<125x80xi32, #tpu.memory_space<hbm>>
      %dma_wait3A_118 = arith.constant 0 : i32
      %dma_wait3A_119 = arith.constant 0 : i32
      %dma_wait3A_120 = tpu.memref_slice %arg4[%add3A, %dma_wait3A_118, %dma_wait3A_119] : memref<32x125x80xi32, #tpu.memory_space<hbm>> -> memref<1x125x80xi32, #tpu.memory_space<hbm>>
      %dma_wait3A_121 = tpu.memref_squeeze %dma_wait3A_120 : memref<1x125x80xi32, #tpu.memory_space<hbm>> -> memref<125x80xi32, #tpu.memory_space<hbm>>
      tpu.wait_dma2 semaphore(%run_scoped3A_105 : memref<!tpu.dma_semaphore, #tpu.memory_space<semaphore_mem>>) src(%dma_wait3A_121 : memref<125x80xi32, #tpu.memory_space<hbm>>) dst(%arg8 : memref<125x80xi32, #tpu.memory_space<vmem>>)
      tpu.yield
    }) : () -> ()
    %eq3A = arith.constant 0 : i32
    %eq3A_1 = arith.cmpi eq, %arg0, %eq3A : i32
    %convert_element_type3A = arith.extui %eq3A_1 : i1 to i32
    %cond3A = arith.constant 0 : i32
    %cond3A_2 = arith.cmpi ne, %convert_element_type3A, %cond3A : i32
    scf.if %cond3A_2 {
      %lt3A_105 = arith.constant 15 : i32
      %lt3A_106 = arith.cmpi slt, %arg1, %lt3A_105 : i32
      %convert_element_type3A_107 = arith.extui %lt3A_106 : i1 to i32
      %cond3A_108 = arith.constant 0 : i32
      %cond3A_109 = arith.cmpi ne, %convert_element_type3A_107, %cond3A_108 : i32
      scf.if %cond3A_109 {
        %mul3A_115 = arith.constant 632 : i32
        %mul3A_116 = arith.muli %arg1, %mul3A_115 : i32
        %multiple_of3A = tpu.assume_multiple %mul3A_116, 8 : i32
        "tpu.region"() ({
          %run_scoped3A_117 = tpu.sem_alloc : memref<!tpu.dma_semaphore, #tpu.memory_space<semaphore_mem>>
          %dma_start3A_118 = arith.constant 0 : i32
          %dma_start3A_119 = tpu.memref_slice %arg10[%multiple_of3A, %dma_start3A_118] : memref<10000x128xf32, #tpu.memory_space<vmem_shared>> -> memref<632x128xf32, #tpu.memory_space<vmem_shared>>
          %dma_start3A_120 = arith.constant 0 : i32
          %dma_start3A_121 = tpu.memref_slice %arg2[%multiple_of3A, %dma_start3A_120] : memref<10000x128xf32, #tpu.memory_space<hbm>> -> memref<632x128xf32, #tpu.memory_space<hbm>>
          tpu.enqueue_dma source(%dma_start3A_121 : memref<632x128xf32, #tpu.memory_space<hbm>>) target(%dma_start3A_119 : memref<632x128xf32, #tpu.memory_space<vmem_shared>>) target_semaphore(%run_scoped3A_117 : memref<!tpu.dma_semaphore, #tpu.memory_space<semaphore_mem>>)
          %dma_wait3A_122 = arith.constant 0 : i32
          %dma_wait3A_123 = tpu.memref_slice %arg10[%multiple_of3A, %dma_wait3A_122] : memref<10000x128xf32, #tpu.memory_space<vmem_shared>> -> memref<632x128xf32, #tpu.memory_space<vmem_shared>>
          %dma_wait3A_124 = arith.constant 0 : i32
          %dma_wait3A_125 = tpu.memref_slice %arg2[%multiple_of3A, %dma_wait3A_124] : memref<10000x128xf32, #tpu.memory_space<hbm>> -> memref<632x128xf32, #tpu.memory_space<hbm>>
          tpu.wait_dma2 semaphore(%run_scoped3A_117 : memref<!tpu.dma_semaphore, #tpu.memory_space<semaphore_mem>>) src(%dma_wait3A_125 : memref<632x128xf32, #tpu.memory_space<hbm>>) dst(%dma_wait3A_123 : memref<632x128xf32, #tpu.memory_space<vmem_shared>>)
          tpu.yield
        }) : () -> ()
      } else {
      }
      %eq3A_110 = arith.constant 15 : i32
      %eq3A_111 = arith.cmpi eq, %arg1, %eq3A_110 : i32
      %convert_element_type3A_112 = arith.extui %eq3A_111 : i1 to i32
      %cond3A_113 = arith.constant 0 : i32
      %cond3A_114 = arith.cmpi ne, %convert_element_type3A_112, %cond3A_113 : i32
      scf.if %cond3A_114 {
        "tpu.region"() ({
          %run_scoped3A_115 = tpu.sem_alloc : memref<!tpu.dma_semaphore, #tpu.memory_space<semaphore_mem>>
          %dma_start3A_116 = arith.constant 9480 : i32
          %dma_start3A_117 = arith.constant 0 : i32
          %dma_start3A_118 = tpu.memref_slice %arg10[%dma_start3A_116, %dma_start3A_117] : memref<10000x128xf32, #tpu.memory_space<vmem_shared>> -> memref<520x128xf32, #tpu.memory_space<vmem_shared>>
          %dma_start3A_119 = arith.constant 9480 : i32
          %dma_start3A_120 = arith.constant 0 : i32
          %dma_start3A_121 = tpu.memref_slice %arg2[%dma_start3A_119, %dma_start3A_120] : memref<10000x128xf32, #tpu.memory_space<hbm>> -> memref<520x128xf32, #tpu.memory_space<hbm>>
          tpu.enqueue_dma source(%dma_start3A_121 : memref<520x128xf32, #tpu.memory_space<hbm>>) target(%dma_start3A_118 : memref<520x128xf32, #tpu.memory_space<vmem_shared>>) target_semaphore(%run_scoped3A_115 : memref<!tpu.dma_semaphore, #tpu.memory_space<semaphore_mem>>)
          %dma_wait3A_122 = arith.constant 9480 : i32
          %dma_wait3A_123 = arith.constant 0 : i32
          %dma_wait3A_124 = tpu.memref_slice %arg10[%dma_wait3A_122, %dma_wait3A_123] : memref<10000x128xf32, #tpu.memory_space<vmem_shared>> -> memref<520x128xf32, #tpu.memory_space<vmem_shared>>
          %dma_wait3A_125 = arith.constant 9480 : i32
          %dma_wait3A_126 = arith.constant 0 : i32
          %dma_wait3A_127 = tpu.memref_slice %arg2[%dma_wait3A_125, %dma_wait3A_126] : memref<10000x128xf32, #tpu.memory_space<hbm>> -> memref<520x128xf32, #tpu.memory_space<hbm>>
          tpu.wait_dma2 semaphore(%run_scoped3A_115 : memref<!tpu.dma_semaphore, #tpu.memory_space<semaphore_mem>>) src(%dma_wait3A_127 : memref<520x128xf32, #tpu.memory_space<hbm>>) dst(%dma_wait3A_124 : memref<520x128xf32, #tpu.memory_space<vmem_shared>>)
          tpu.yield
        }) : () -> ()
      } else {
      }
    } else {
    }
    %eq3A_3 = arith.constant 1 : i32
    %eq3A_4 = arith.cmpi eq, %arg0, %eq3A_3 : i32
    %convert_element_type3A_5 = arith.extui %eq3A_4 : i1 to i32
    %cond3A_6 = arith.constant 0 : i32
    %cond3A_7 = arith.cmpi ne, %convert_element_type3A_5, %cond3A_6 : i32
    scf.if %cond3A_7 {
      %lt3A_105 = arith.constant 15 : i32
      %lt3A_106 = arith.cmpi slt, %arg1, %lt3A_105 : i32
      %convert_element_type3A_107 = arith.extui %lt3A_106 : i1 to i32
      %cond3A_108 = arith.constant 0 : i32
      %cond3A_109 = arith.cmpi ne, %convert_element_type3A_107, %cond3A_108 : i32
      scf.if %cond3A_109 {
        %mul3A_115 = arith.constant 632 : i32
        %mul3A_116 = arith.muli %arg1, %mul3A_115 : i32
        %multiple_of3A = tpu.assume_multiple %mul3A_116, 8 : i32
        "tpu.region"() ({
          %run_scoped3A_117 = tpu.sem_alloc : memref<!tpu.dma_semaphore, #tpu.memory_space<semaphore_mem>>
          %dma_start3A_118 = arith.constant 0 : i32
          %dma_start3A_119 = tpu.memref_slice %arg10[%multiple_of3A, %dma_start3A_118] : memref<10000x128xf32, #tpu.memory_space<vmem_shared>> -> memref<632x128xf32, #tpu.memory_space<vmem_shared>>
          %dma_start3A_120 = arith.constant 0 : i32
          %dma_start3A_121 = tpu.memref_slice %arg5[%multiple_of3A, %dma_start3A_120] : memref<10000x128xf32, #tpu.memory_space<hbm>> -> memref<632x128xf32, #tpu.memory_space<hbm>>
          tpu.enqueue_dma source(%dma_start3A_121 : memref<632x128xf32, #tpu.memory_space<hbm>>) target(%dma_start3A_119 : memref<632x128xf32, #tpu.memory_space<vmem_shared>>) target_semaphore(%run_scoped3A_117 : memref<!tpu.dma_semaphore, #tpu.memory_space<semaphore_mem>>)
          %dma_wait3A_122 = arith.constant 0 : i32
          %dma_wait3A_123 = tpu.memref_slice %arg10[%multiple_of3A, %dma_wait3A_122] : memref<10000x128xf32, #tpu.memory_space<vmem_shared>> -> memref<632x128xf32, #tpu.memory_space<vmem_shared>>
          %dma_wait3A_124 = arith.constant 0 : i32
          %dma_wait3A_125 = tpu.memref_slice %arg5[%multiple_of3A, %dma_wait3A_124] : memref<10000x128xf32, #tpu.memory_space<hbm>> -> memref<632x128xf32, #tpu.memory_space<hbm>>
          tpu.wait_dma2 semaphore(%run_scoped3A_117 : memref<!tpu.dma_semaphore, #tpu.memory_space<semaphore_mem>>) src(%dma_wait3A_125 : memref<632x128xf32, #tpu.memory_space<hbm>>) dst(%dma_wait3A_123 : memref<632x128xf32, #tpu.memory_space<vmem_shared>>)
          tpu.yield
        }) : () -> ()
      } else {
      }
      %eq3A_110 = arith.constant 15 : i32
      %eq3A_111 = arith.cmpi eq, %arg1, %eq3A_110 : i32
      %convert_element_type3A_112 = arith.extui %eq3A_111 : i1 to i32
      %cond3A_113 = arith.constant 0 : i32
      %cond3A_114 = arith.cmpi ne, %convert_element_type3A_112, %cond3A_113 : i32
      scf.if %cond3A_114 {
        "tpu.region"() ({
          %run_scoped3A_115 = tpu.sem_alloc : memref<!tpu.dma_semaphore, #tpu.memory_space<semaphore_mem>>
          %dma_start3A_116 = arith.constant 9480 : i32
          %dma_start3A_117 = arith.constant 0 : i32
          %dma_start3A_118 = tpu.memref_slice %arg10[%dma_start3A_116, %dma_start3A_117] : memref<10000x128xf32, #tpu.memory_space<vmem_shared>> -> memref<520x128xf32, #tpu.memory_space<vmem_shared>>
          %dma_start3A_119 = arith.constant 9480 : i32
          %dma_start3A_120 = arith.constant 0 : i32
          %dma_start3A_121 = tpu.memref_slice %arg5[%dma_start3A_119, %dma_start3A_120] : memref<10000x128xf32, #tpu.memory_space<hbm>> -> memref<520x128xf32, #tpu.memory_space<hbm>>
          tpu.enqueue_dma source(%dma_start3A_121 : memref<520x128xf32, #tpu.memory_space<hbm>>) target(%dma_start3A_118 : memref<520x128xf32, #tpu.memory_space<vmem_shared>>) target_semaphore(%run_scoped3A_115 : memref<!tpu.dma_semaphore, #tpu.memory_space<semaphore_mem>>)
          %dma_wait3A_122 = arith.constant 9480 : i32
          %dma_wait3A_123 = arith.constant 0 : i32
          %dma_wait3A_124 = tpu.memref_slice %arg10[%dma_wait3A_122, %dma_wait3A_123] : memref<10000x128xf32, #tpu.memory_space<vmem_shared>> -> memref<520x128xf32, #tpu.memory_space<vmem_shared>>
          %dma_wait3A_125 = arith.constant 9480 : i32
          %dma_wait3A_126 = arith.constant 0 : i32
          %dma_wait3A_127 = tpu.memref_slice %arg5[%dma_wait3A_125, %dma_wait3A_126] : memref<10000x128xf32, #tpu.memory_space<hbm>> -> memref<520x128xf32, #tpu.memory_space<hbm>>
          tpu.wait_dma2 semaphore(%run_scoped3A_115 : memref<!tpu.dma_semaphore, #tpu.memory_space<semaphore_mem>>) src(%dma_wait3A_127 : memref<520x128xf32, #tpu.memory_space<hbm>>) dst(%dma_wait3A_124 : memref<520x128xf32, #tpu.memory_space<vmem_shared>>)
          tpu.yield
        }) : () -> ()
      } else {
      }
    } else {
    }
    %barrier3A = arith.constant 0 : index
    tpu.barrier barrier_id(%barrier3A)
    %dma_start3A = arith.constant 0 : i32
    %dma_start3A_8 = arith.constant 0 : i32
    %dma_start3A_9 = arith.constant 0 : i32
    %dma_start3A_10 = arith.constant 0 : i32
    %dma_start3A_11 = arith.constant 0 : i32
    %dma_start3A_12 = tpu.memref_slice %arg9[%dma_start3A_8, %dma_start3A_10, %dma_start3A_11] : memref<3x80x128xf32, #tpu.memory_space<vmem>> -> memref<1x80x128xf32, #tpu.memory_space<vmem>>
    %dma_start3A_13 = tpu.memref_squeeze %dma_start3A_12 : memref<1x80x128xf32, #tpu.memory_space<vmem>> -> memref<80x128xf32, #tpu.memory_space<vmem>>
    %dma_start3A_14 = arith.constant 0 : i32
    %dma_start3A_15 = tpu.memref_slice %arg7[%dma_start3A, %dma_start3A_14] : memref<125x80xi32, #tpu.memory_space<vmem>> -> memref<1x80xi32, #tpu.memory_space<vmem>>
    %dma_start3A_16 = tpu.memref_squeeze %dma_start3A_15 : memref<1x80xi32, #tpu.memory_space<vmem>> -> memref<80xi32, #tpu.memory_space<vmem>>
    %dma_start3A_17 = arith.constant 0 : i32
    %dma_start3A_18 = arith.constant 0 : i32
    %dma_start3A_19 = tpu.memref_slice %arg2[%dma_start3A_17, %dma_start3A_18] : memref<10000x128xf32, #tpu.memory_space<hbm>> -> memref<10000x128xf32, #tpu.memory_space<hbm>>
    %dma_start3A_20 = tpu.memref_slice %arg11[%dma_start3A_9] : memref<3x!tpu.dma_semaphore, #tpu.memory_space<semaphore_mem>> -> memref<1x!tpu.dma_semaphore, #tpu.memory_space<semaphore_mem>>
    %dma_start3A_21 = tpu.memref_squeeze %dma_start3A_20 : memref<1x!tpu.dma_semaphore, #tpu.memory_space<semaphore_mem>> -> memref<!tpu.dma_semaphore, #tpu.memory_space<semaphore_mem>>
    tpu.enqueue_indirect_dma source(%dma_start3A_19 : memref<10000x128xf32, #tpu.memory_space<hbm>>) target(%dma_start3A_13 : memref<80x128xf32, #tpu.memory_space<vmem>>) offsets(%dma_start3A_16 : memref<80xi32, #tpu.memory_space<vmem>>) semaphore(%dma_start3A_21 : memref<!tpu.dma_semaphore, #tpu.memory_space<semaphore_mem>>)
    %dma_start3A_22 = arith.constant 1 : i32
    %dma_start3A_23 = arith.constant 1 : i32
    %dma_start3A_24 = arith.constant 1 : i32
    %dma_start3A_25 = arith.constant 0 : i32
    %dma_start3A_26 = arith.constant 0 : i32
    %dma_start3A_27 = tpu.memref_slice %arg9[%dma_start3A_23, %dma_start3A_25, %dma_start3A_26] : memref<3x80x128xf32, #tpu.memory_space<vmem>> -> memref<1x80x128xf32, #tpu.memory_space<vmem>>
    %dma_start3A_28 = tpu.memref_squeeze %dma_start3A_27 : memref<1x80x128xf32, #tpu.memory_space<vmem>> -> memref<80x128xf32, #tpu.memory_space<vmem>>
    %dma_start3A_29 = arith.constant 0 : i32
    %dma_start3A_30 = tpu.memref_slice %arg7[%dma_start3A_22, %dma_start3A_29] : memref<125x80xi32, #tpu.memory_space<vmem>> -> memref<1x80xi32, #tpu.memory_space<vmem>>
    %dma_start3A_31 = tpu.memref_squeeze %dma_start3A_30 : memref<1x80xi32, #tpu.memory_space<vmem>> -> memref<80xi32, #tpu.memory_space<vmem>>
    %dma_start3A_32 = arith.constant 0 : i32
    %dma_start3A_33 = arith.constant 0 : i32
    %dma_start3A_34 = tpu.memref_slice %arg2[%dma_start3A_32, %dma_start3A_33] : memref<10000x128xf32, #tpu.memory_space<hbm>> -> memref<10000x128xf32, #tpu.memory_space<hbm>>
    %dma_start3A_35 = tpu.memref_slice %arg11[%dma_start3A_24] : memref<3x!tpu.dma_semaphore, #tpu.memory_space<semaphore_mem>> -> memref<1x!tpu.dma_semaphore, #tpu.memory_space<semaphore_mem>>
    %dma_start3A_36 = tpu.memref_squeeze %dma_start3A_35 : memref<1x!tpu.dma_semaphore, #tpu.memory_space<semaphore_mem>> -> memref<!tpu.dma_semaphore, #tpu.memory_space<semaphore_mem>>
    tpu.enqueue_indirect_dma source(%dma_start3A_34 : memref<10000x128xf32, #tpu.memory_space<hbm>>) target(%dma_start3A_28 : memref<80x128xf32, #tpu.memory_space<vmem>>) offsets(%dma_start3A_31 : memref<80xi32, #tpu.memory_space<vmem>>) semaphore(%dma_start3A_36 : memref<!tpu.dma_semaphore, #tpu.memory_space<semaphore_mem>>)
    %dma_start3A_37 = arith.constant 2 : i32
    %dma_start3A_38 = arith.constant 2 : i32
    %dma_start3A_39 = arith.constant 2 : i32
    %dma_start3A_40 = arith.constant 0 : i32
    %dma_start3A_41 = arith.constant 0 : i32
    %dma_start3A_42 = tpu.memref_slice %arg9[%dma_start3A_38, %dma_start3A_40, %dma_start3A_41] : memref<3x80x128xf32, #tpu.memory_space<vmem>> -> memref<1x80x128xf32, #tpu.memory_space<vmem>>
    %dma_start3A_43 = tpu.memref_squeeze %dma_start3A_42 : memref<1x80x128xf32, #tpu.memory_space<vmem>> -> memref<80x128xf32, #tpu.memory_space<vmem>>
    %dma_start3A_44 = arith.constant 0 : i32
    %dma_start3A_45 = tpu.memref_slice %arg7[%dma_start3A_37, %dma_start3A_44] : memref<125x80xi32, #tpu.memory_space<vmem>> -> memref<1x80xi32, #tpu.memory_space<vmem>>
    %dma_start3A_46 = tpu.memref_squeeze %dma_start3A_45 : memref<1x80xi32, #tpu.memory_space<vmem>> -> memref<80xi32, #tpu.memory_space<vmem>>
    %dma_start3A_47 = arith.constant 0 : i32
    %dma_start3A_48 = arith.constant 0 : i32
    %dma_start3A_49 = tpu.memref_slice %arg2[%dma_start3A_47, %dma_start3A_48] : memref<10000x128xf32, #tpu.memory_space<hbm>> -> memref<10000x128xf32, #tpu.memory_space<hbm>>
    %dma_start3A_50 = tpu.memref_slice %arg11[%dma_start3A_39] : memref<3x!tpu.dma_semaphore, #tpu.memory_space<semaphore_mem>> -> memref<1x!tpu.dma_semaphore, #tpu.memory_space<semaphore_mem>>
    %dma_start3A_51 = tpu.memref_squeeze %dma_start3A_50 : memref<1x!tpu.dma_semaphore, #tpu.memory_space<semaphore_mem>> -> memref<!tpu.dma_semaphore, #tpu.memory_space<semaphore_mem>>
    tpu.enqueue_indirect_dma source(%dma_start3A_49 : memref<10000x128xf32, #tpu.memory_space<hbm>>) target(%dma_start3A_43 : memref<80x128xf32, #tpu.memory_space<vmem>>) offsets(%dma_start3A_46 : memref<80xi32, #tpu.memory_space<vmem>>) semaphore(%dma_start3A_51 : memref<!tpu.dma_semaphore, #tpu.memory_space<semaphore_mem>>)
    %scan3A = arith.constant 0 : i32
    %scan3A_52 = arith.constant 0 : i32
    %scan3A_53 = arith.constant 41 : i32
    %scan3A_54 = arith.addi %scan3A_52, %scan3A_53 : i32
    %scan3A_55 = arith.constant 1 : i32
    scf.for %scan3A_105 = %scan3A_52 to %scan3A_54 step %scan3A_55  : i32 {
      %mul3A_106 = arith.constant 3 : i32
      %mul3A_107 = arith.muli %scan3A_105, %mul3A_106 : i32
      %add3A_108 = arith.constant 0 : i32
      %add3A_109 = arith.addi %mul3A_107, %add3A_108 : i32
      %dma_wait3A_110 = arith.constant 0 : i32
      %dma_wait3A_111 = arith.constant 0 : i32
      %dma_wait3A_112 = arith.constant 0 : i32
      %dma_wait3A_113 = arith.constant 0 : i32
      %dma_wait3A_114 = tpu.memref_slice %arg9[%dma_wait3A_110, %dma_wait3A_112, %dma_wait3A_113] : memref<3x80x128xf32, #tpu.memory_space<vmem>> -> memref<1x80x128xf32, #tpu.memory_space<vmem>>
      %dma_wait3A_115 = tpu.memref_squeeze %dma_wait3A_114 : memref<1x80x128xf32, #tpu.memory_space<vmem>> -> memref<80x128xf32, #tpu.memory_space<vmem>>
      %dma_wait3A_116 = arith.constant 0 : i32
      %dma_wait3A_117 = arith.constant 0 : i32
      %dma_wait3A_118 = tpu.memref_slice %arg2[%dma_wait3A_116, %dma_wait3A_117] : memref<10000x128xf32, #tpu.memory_space<hbm>> -> memref<80x128xf32, #tpu.memory_space<hbm>>
      %dma_wait3A_119 = tpu.memref_slice %arg11[%dma_wait3A_111] : memref<3x!tpu.dma_semaphore, #tpu.memory_space<semaphore_mem>> -> memref<1x!tpu.dma_semaphore, #tpu.memory_space<semaphore_mem>>
      %dma_wait3A_120 = tpu.memref_squeeze %dma_wait3A_119 : memref<1x!tpu.dma_semaphore, #tpu.memory_space<semaphore_mem>> -> memref<!tpu.dma_semaphore, #tpu.memory_space<semaphore_mem>>
      %dma_wait3A_121 = arith.constant 0 : i32
      %dma_wait3A_122 = arith.constant 0 : i32
      %dma_wait3A_123 = tpu.memref_slice %arg9[%dma_wait3A_110, %dma_wait3A_121, %dma_wait3A_122] : memref<3x80x128xf32, #tpu.memory_space<vmem>> -> memref<1x80x128xf32, #tpu.memory_space<vmem>>
      %dma_wait3A_124 = tpu.memref_squeeze %dma_wait3A_123 : memref<1x80x128xf32, #tpu.memory_space<vmem>> -> memref<80x128xf32, #tpu.memory_space<vmem>>
      %dma_wait3A_125 = arith.constant 0 : i32
      %dma_wait3A_126 = arith.constant 0 : i32
      %dma_wait3A_127 = tpu.memref_slice %arg2[%dma_wait3A_125, %dma_wait3A_126] : memref<10000x128xf32, #tpu.memory_space<hbm>> -> memref<80x128xf32, #tpu.memory_space<hbm>>
      tpu.wait_dma2 semaphore(%dma_wait3A_120 : memref<!tpu.dma_semaphore, #tpu.memory_space<semaphore_mem>>) src(%dma_wait3A_127 : memref<80x128xf32, #tpu.memory_space<hbm>>) dst(%dma_wait3A_124 : memref<80x128xf32, #tpu.memory_space<vmem>>)
      %run_scoped3A_128 = arith.constant 0 : i32
      "tpu.region"() ({
        %run_scoped3A_196 = tpu.sem_alloc : memref<!tpu.dma_semaphore, #tpu.memory_space<semaphore_mem>>
        %dma_start3A_197 = arith.constant 0 : i32
        %dma_start3A_198 = arith.constant 0 : i32
        %dma_start3A_199 = tpu.memref_slice %arg9[%run_scoped3A_128, %dma_start3A_197, %dma_start3A_198] : memref<3x80x128xf32, #tpu.memory_space<vmem>> -> memref<1x80x128xf32, #tpu.memory_space<vmem>>
        %dma_start3A_200 = tpu.memref_squeeze %dma_start3A_199 : memref<1x80x128xf32, #tpu.memory_space<vmem>> -> memref<80x128xf32, #tpu.memory_space<vmem>>
        %dma_start3A_201 = arith.constant 0 : i32
        %dma_start3A_202 = tpu.memref_slice %arg8[%add3A_109, %dma_start3A_201] : memref<125x80xi32, #tpu.memory_space<vmem>> -> memref<1x80xi32, #tpu.memory_space<vmem>>
        %dma_start3A_203 = tpu.memref_squeeze %dma_start3A_202 : memref<1x80xi32, #tpu.memory_space<vmem>> -> memref<80xi32, #tpu.memory_space<vmem>>
        %dma_start3A_204 = arith.constant 0 : i32
        %dma_start3A_205 = arith.constant 0 : i32
        %dma_start3A_206 = tpu.memref_slice %arg10[%dma_start3A_204, %dma_start3A_205] : memref<10000x128xf32, #tpu.memory_space<vmem_shared>> -> memref<10000x128xf32, #tpu.memory_space<vmem_shared>>
        tpu.enqueue_indirect_dma source(%dma_start3A_200 : memref<80x128xf32, #tpu.memory_space<vmem>>) target(%dma_start3A_206 : memref<10000x128xf32, #tpu.memory_space<vmem_shared>>) offsets(%dma_start3A_203 : memref<80xi32, #tpu.memory_space<vmem>>) semaphore(%run_scoped3A_196 : memref<!tpu.dma_semaphore, #tpu.memory_space<semaphore_mem>>) {add = true}
        %dma_wait3A_207 = arith.constant 0 : i32
        %dma_wait3A_208 = arith.constant 0 : i32
        %dma_wait3A_209 = tpu.memref_slice %arg9[%run_scoped3A_128, %dma_wait3A_207, %dma_wait3A_208] : memref<3x80x128xf32, #tpu.memory_space<vmem>> -> memref<1x80x128xf32, #tpu.memory_space<vmem>>
        %dma_wait3A_210 = tpu.memref_squeeze %dma_wait3A_209 : memref<1x80x128xf32, #tpu.memory_space<vmem>> -> memref<80x128xf32, #tpu.memory_space<vmem>>
        %dma_wait3A_211 = arith.constant 0 : i32
        %dma_wait3A_212 = tpu.memref_slice %arg8[%add3A_109, %dma_wait3A_211] : memref<125x80xi32, #tpu.memory_space<vmem>> -> memref<1x80xi32, #tpu.memory_space<vmem>>
        %dma_wait3A_213 = tpu.memref_squeeze %dma_wait3A_212 : memref<1x80xi32, #tpu.memory_space<vmem>> -> memref<80xi32, #tpu.memory_space<vmem>>
        %dma_wait3A_214 = arith.constant 0 : i32
        %dma_wait3A_215 = arith.constant 0 : i32
        %dma_wait3A_216 = tpu.memref_slice %arg10[%dma_wait3A_214, %dma_wait3A_215] : memref<10000x128xf32, #tpu.memory_space<vmem_shared>> -> memref<10000x128xf32, #tpu.memory_space<vmem_shared>>
        tpu.wait_indirect_dma semaphore(%run_scoped3A_196 : memref<!tpu.dma_semaphore, #tpu.memory_space<semaphore_mem>>) src(%dma_wait3A_210 : memref<80x128xf32, #tpu.memory_space<vmem>>) dst(%dma_wait3A_216 : memref<10000x128xf32, #tpu.memory_space<vmem_shared>>)
        tpu.yield
      }) : () -> ()
      %add3A_129 = arith.constant 3 : i32
      %add3A_130 = arith.addi %add3A_109, %add3A_129 : i32
      %lt3A_131 = arith.constant 125 : i32
      %lt3A_132 = arith.cmpi slt, %add3A_130, %lt3A_131 : i32
      %convert_element_type3A_133 = arith.extui %lt3A_132 : i1 to i32
      %cond3A_134 = arith.constant 0 : i32
      %cond3A_135 = arith.cmpi ne, %convert_element_type3A_133, %cond3A_134 : i32
      scf.if %cond3A_135 {
        %add3A_196 = arith.constant 3 : i32
        %add3A_197 = arith.addi %add3A_109, %add3A_196 : i32
        %dma_start3A_198 = arith.constant 0 : i32
        %dma_start3A_199 = arith.constant 0 : i32
        %dma_start3A_200 = arith.constant 0 : i32
        %dma_start3A_201 = arith.constant 0 : i32
        %dma_start3A_202 = tpu.memref_slice %arg9[%dma_start3A_198, %dma_start3A_200, %dma_start3A_201] : memref<3x80x128xf32, #tpu.memory_space<vmem>> -> memref<1x80x128xf32, #tpu.memory_space<vmem>>
        %dma_start3A_203 = tpu.memref_squeeze %dma_start3A_202 : memref<1x80x128xf32, #tpu.memory_space<vmem>> -> memref<80x128xf32, #tpu.memory_space<vmem>>
        %dma_start3A_204 = arith.constant 0 : i32
        %dma_start3A_205 = tpu.memref_slice %arg7[%add3A_197, %dma_start3A_204] : memref<125x80xi32, #tpu.memory_space<vmem>> -> memref<1x80xi32, #tpu.memory_space<vmem>>
        %dma_start3A_206 = tpu.memref_squeeze %dma_start3A_205 : memref<1x80xi32, #tpu.memory_space<vmem>> -> memref<80xi32, #tpu.memory_space<vmem>>
        %dma_start3A_207 = arith.constant 0 : i32
        %dma_start3A_208 = arith.constant 0 : i32
        %dma_start3A_209 = tpu.memref_slice %arg2[%dma_start3A_207, %dma_start3A_208] : memref<10000x128xf32, #tpu.memory_space<hbm>> -> memref<10000x128xf32, #tpu.memory_space<hbm>>
        %dma_start3A_210 = tpu.memref_slice %arg11[%dma_start3A_199] : memref<3x!tpu.dma_semaphore, #tpu.memory_space<semaphore_mem>> -> memref<1x!tpu.dma_semaphore, #tpu.memory_space<semaphore_mem>>
        %dma_start3A_211 = tpu.memref_squeeze %dma_start3A_210 : memref<1x!tpu.dma_semaphore, #tpu.memory_space<semaphore_mem>> -> memref<!tpu.dma_semaphore, #tpu.memory_space<semaphore_mem>>
        tpu.enqueue_indirect_dma source(%dma_start3A_209 : memref<10000x128xf32, #tpu.memory_space<hbm>>) target(%dma_start3A_203 : memref<80x128xf32, #tpu.memory_space<vmem>>) offsets(%dma_start3A_206 : memref<80xi32, #tpu.memory_space<vmem>>) semaphore(%dma_start3A_211 : memref<!tpu.dma_semaphore, #tpu.memory_space<semaphore_mem>>)
      } else {
      }
      %mul3A_136 = arith.constant 3 : i32
      %mul3A_137 = arith.muli %scan3A_105, %mul3A_136 : i32
      %add3A_138 = arith.constant 1 : i32
      %add3A_139 = arith.addi %mul3A_137, %add3A_138 : i32
      %dma_wait3A_140 = arith.constant 1 : i32
      %dma_wait3A_141 = arith.constant 1 : i32
      %dma_wait3A_142 = arith.constant 0 : i32
      %dma_wait3A_143 = arith.constant 0 : i32
      %dma_wait3A_144 = tpu.memref_slice %arg9[%dma_wait3A_140, %dma_wait3A_142, %dma_wait3A_143] : memref<3x80x128xf32, #tpu.memory_space<vmem>> -> memref<1x80x128xf32, #tpu.memory_space<vmem>>
      %dma_wait3A_145 = tpu.memref_squeeze %dma_wait3A_144 : memref<1x80x128xf32, #tpu.memory_space<vmem>> -> memref<80x128xf32, #tpu.memory_space<vmem>>
      %dma_wait3A_146 = arith.constant 0 : i32
      %dma_wait3A_147 = arith.constant 0 : i32
      %dma_wait3A_148 = tpu.memref_slice %arg2[%dma_wait3A_146, %dma_wait3A_147] : memref<10000x128xf32, #tpu.memory_space<hbm>> -> memref<80x128xf32, #tpu.memory_space<hbm>>
      %dma_wait3A_149 = tpu.memref_slice %arg11[%dma_wait3A_141] : memref<3x!tpu.dma_semaphore, #tpu.memory_space<semaphore_mem>> -> memref<1x!tpu.dma_semaphore, #tpu.memory_space<semaphore_mem>>
      %dma_wait3A_150 = tpu.memref_squeeze %dma_wait3A_149 : memref<1x!tpu.dma_semaphore, #tpu.memory_space<semaphore_mem>> -> memref<!tpu.dma_semaphore, #tpu.memory_space<semaphore_mem>>
      %dma_wait3A_151 = arith.constant 0 : i32
      %dma_wait3A_152 = arith.constant 0 : i32
      %dma_wait3A_153 = tpu.memref_slice %arg9[%dma_wait3A_140, %dma_wait3A_151, %dma_wait3A_152] : memref<3x80x128xf32, #tpu.memory_space<vmem>> -> memref<1x80x128xf32, #tpu.memory_space<vmem>>
      %dma_wait3A_154 = tpu.memref_squeeze %dma_wait3A_153 : memref<1x80x128xf32, #tpu.memory_space<vmem>> -> memref<80x128xf32, #tpu.memory_space<vmem>>
      %dma_wait3A_155 = arith.constant 0 : i32
      %dma_wait3A_156 = arith.constant 0 : i32
      %dma_wait3A_157 = tpu.memref_slice %arg2[%dma_wait3A_155, %dma_wait3A_156] : memref<10000x128xf32, #tpu.memory_space<hbm>> -> memref<80x128xf32, #tpu.memory_space<hbm>>
      tpu.wait_dma2 semaphore(%dma_wait3A_150 : memref<!tpu.dma_semaphore, #tpu.memory_space<semaphore_mem>>) src(%dma_wait3A_157 : memref<80x128xf32, #tpu.memory_space<hbm>>) dst(%dma_wait3A_154 : memref<80x128xf32, #tpu.memory_space<vmem>>)
      %run_scoped3A_158 = arith.constant 1 : i32
      "tpu.region"() ({
        %run_scoped3A_196 = tpu.sem_alloc : memref<!tpu.dma_semaphore, #tpu.memory_space<semaphore_mem>>
        %dma_start3A_197 = arith.constant 0 : i32
        %dma_start3A_198 = arith.constant 0 : i32
        %dma_start3A_199 = tpu.memref_slice %arg9[%run_scoped3A_158, %dma_start3A_197, %dma_start3A_198] : memref<3x80x128xf32, #tpu.memory_space<vmem>> -> memref<1x80x128xf32, #tpu.memory_space<vmem>>
        %dma_start3A_200 = tpu.memref_squeeze %dma_start3A_199 : memref<1x80x128xf32, #tpu.memory_space<vmem>> -> memref<80x128xf32, #tpu.memory_space<vmem>>
        %dma_start3A_201 = arith.constant 0 : i32
        %dma_start3A_202 = tpu.memref_slice %arg8[%add3A_139, %dma_start3A_201] : memref<125x80xi32, #tpu.memory_space<vmem>> -> memref<1x80xi32, #tpu.memory_space<vmem>>
        %dma_start3A_203 = tpu.memref_squeeze %dma_start3A_202 : memref<1x80xi32, #tpu.memory_space<vmem>> -> memref<80xi32, #tpu.memory_space<vmem>>
        %dma_start3A_204 = arith.constant 0 : i32
        %dma_start3A_205 = arith.constant 0 : i32
        %dma_start3A_206 = tpu.memref_slice %arg10[%dma_start3A_204, %dma_start3A_205] : memref<10000x128xf32, #tpu.memory_space<vmem_shared>> -> memref<10000x128xf32, #tpu.memory_space<vmem_shared>>
        tpu.enqueue_indirect_dma source(%dma_start3A_200 : memref<80x128xf32, #tpu.memory_space<vmem>>) target(%dma_start3A_206 : memref<10000x128xf32, #tpu.memory_space<vmem_shared>>) offsets(%dma_start3A_203 : memref<80xi32, #tpu.memory_space<vmem>>) semaphore(%run_scoped3A_196 : memref<!tpu.dma_semaphore, #tpu.memory_space<semaphore_mem>>) {add = true}
        %dma_wait3A_207 = arith.constant 0 : i32
        %dma_wait3A_208 = arith.constant 0 : i32
        %dma_wait3A_209 = tpu.memref_slice %arg9[%run_scoped3A_158, %dma_wait3A_207, %dma_wait3A_208] : memref<3x80x128xf32, #tpu.memory_space<vmem>> -> memref<1x80x128xf32, #tpu.memory_space<vmem>>
        %dma_wait3A_210 = tpu.memref_squeeze %dma_wait3A_209 : memref<1x80x128xf32, #tpu.memory_space<vmem>> -> memref<80x128xf32, #tpu.memory_space<vmem>>
        %dma_wait3A_211 = arith.constant 0 : i32
        %dma_wait3A_212 = tpu.memref_slice %arg8[%add3A_139, %dma_wait3A_211] : memref<125x80xi32, #tpu.memory_space<vmem>> -> memref<1x80xi32, #tpu.memory_space<vmem>>
        %dma_wait3A_213 = tpu.memref_squeeze %dma_wait3A_212 : memref<1x80xi32, #tpu.memory_space<vmem>> -> memref<80xi32, #tpu.memory_space<vmem>>
        %dma_wait3A_214 = arith.constant 0 : i32
        %dma_wait3A_215 = arith.constant 0 : i32
        %dma_wait3A_216 = tpu.memref_slice %arg10[%dma_wait3A_214, %dma_wait3A_215] : memref<10000x128xf32, #tpu.memory_space<vmem_shared>> -> memref<10000x128xf32, #tpu.memory_space<vmem_shared>>
        tpu.wait_indirect_dma semaphore(%run_scoped3A_196 : memref<!tpu.dma_semaphore, #tpu.memory_space<semaphore_mem>>) src(%dma_wait3A_210 : memref<80x128xf32, #tpu.memory_space<vmem>>) dst(%dma_wait3A_216 : memref<10000x128xf32, #tpu.memory_space<vmem_shared>>)
        tpu.yield
      }) : () -> ()
      %add3A_159 = arith.constant 3 : i32
      %add3A_160 = arith.addi %add3A_139, %add3A_159 : i32
      %lt3A_161 = arith.constant 125 : i32
      %lt3A_162 = arith.cmpi slt, %add3A_160, %lt3A_161 : i32
      %convert_element_type3A_163 = arith.extui %lt3A_162 : i1 to i32
      %cond3A_164 = arith.constant 0 : i32
      %cond3A_165 = arith.cmpi ne, %convert_element_type3A_163, %cond3A_164 : i32
      scf.if %cond3A_165 {
        %add3A_196 = arith.constant 3 : i32
        %add3A_197 = arith.addi %add3A_139, %add3A_196 : i32
        %dma_start3A_198 = arith.constant 1 : i32
        %dma_start3A_199 = arith.constant 1 : i32
        %dma_start3A_200 = arith.constant 0 : i32
        %dma_start3A_201 = arith.constant 0 : i32
        %dma_start3A_202 = tpu.memref_slice %arg9[%dma_start3A_198, %dma_start3A_200, %dma_start3A_201] : memref<3x80x128xf32, #tpu.memory_space<vmem>> -> memref<1x80x128xf32, #tpu.memory_space<vmem>>
        %dma_start3A_203 = tpu.memref_squeeze %dma_start3A_202 : memref<1x80x128xf32, #tpu.memory_space<vmem>> -> memref<80x128xf32, #tpu.memory_space<vmem>>
        %dma_start3A_204 = arith.constant 0 : i32
        %dma_start3A_205 = tpu.memref_slice %arg7[%add3A_197, %dma_start3A_204] : memref<125x80xi32, #tpu.memory_space<vmem>> -> memref<1x80xi32, #tpu.memory_space<vmem>>
        %dma_start3A_206 = tpu.memref_squeeze %dma_start3A_205 : memref<1x80xi32, #tpu.memory_space<vmem>> -> memref<80xi32, #tpu.memory_space<vmem>>
        %dma_start3A_207 = arith.constant 0 : i32
        %dma_start3A_208 = arith.constant 0 : i32
        %dma_start3A_209 = tpu.memref_slice %arg2[%dma_start3A_207, %dma_start3A_208] : memref<10000x128xf32, #tpu.memory_space<hbm>> -> memref<10000x128xf32, #tpu.memory_space<hbm>>
        %dma_start3A_210 = tpu.memref_slice %arg11[%dma_start3A_199] : memref<3x!tpu.dma_semaphore, #tpu.memory_space<semaphore_mem>> -> memref<1x!tpu.dma_semaphore, #tpu.memory_space<semaphore_mem>>
        %dma_start3A_211 = tpu.memref_squeeze %dma_start3A_210 : memref<1x!tpu.dma_semaphore, #tpu.memory_space<semaphore_mem>> -> memref<!tpu.dma_semaphore, #tpu.memory_space<semaphore_mem>>
        tpu.enqueue_indirect_dma source(%dma_start3A_209 : memref<10000x128xf32, #tpu.memory_space<hbm>>) target(%dma_start3A_203 : memref<80x128xf32, #tpu.memory_space<vmem>>) offsets(%dma_start3A_206 : memref<80xi32, #tpu.memory_space<vmem>>) semaphore(%dma_start3A_211 : memref<!tpu.dma_semaphore, #tpu.memory_space<semaphore_mem>>)
      } else {
      }
      %mul3A_166 = arith.constant 3 : i32
      %mul3A_167 = arith.muli %scan3A_105, %mul3A_166 : i32
      %add3A_168 = arith.constant 2 : i32
      %add3A_169 = arith.addi %mul3A_167, %add3A_168 : i32
      %dma_wait3A_170 = arith.constant 2 : i32
      %dma_wait3A_171 = arith.constant 2 : i32
      %dma_wait3A_172 = arith.constant 0 : i32
      %dma_wait3A_173 = arith.constant 0 : i32
      %dma_wait3A_174 = tpu.memref_slice %arg9[%dma_wait3A_170, %dma_wait3A_172, %dma_wait3A_173] : memref<3x80x128xf32, #tpu.memory_space<vmem>> -> memref<1x80x128xf32, #tpu.memory_space<vmem>>
      %dma_wait3A_175 = tpu.memref_squeeze %dma_wait3A_174 : memref<1x80x128xf32, #tpu.memory_space<vmem>> -> memref<80x128xf32, #tpu.memory_space<vmem>>
      %dma_wait3A_176 = arith.constant 0 : i32
      %dma_wait3A_177 = arith.constant 0 : i32
      %dma_wait3A_178 = tpu.memref_slice %arg2[%dma_wait3A_176, %dma_wait3A_177] : memref<10000x128xf32, #tpu.memory_space<hbm>> -> memref<80x128xf32, #tpu.memory_space<hbm>>
      %dma_wait3A_179 = tpu.memref_slice %arg11[%dma_wait3A_171] : memref<3x!tpu.dma_semaphore, #tpu.memory_space<semaphore_mem>> -> memref<1x!tpu.dma_semaphore, #tpu.memory_space<semaphore_mem>>
      %dma_wait3A_180 = tpu.memref_squeeze %dma_wait3A_179 : memref<1x!tpu.dma_semaphore, #tpu.memory_space<semaphore_mem>> -> memref<!tpu.dma_semaphore, #tpu.memory_space<semaphore_mem>>
      %dma_wait3A_181 = arith.constant 0 : i32
      %dma_wait3A_182 = arith.constant 0 : i32
      %dma_wait3A_183 = tpu.memref_slice %arg9[%dma_wait3A_170, %dma_wait3A_181, %dma_wait3A_182] : memref<3x80x128xf32, #tpu.memory_space<vmem>> -> memref<1x80x128xf32, #tpu.memory_space<vmem>>
      %dma_wait3A_184 = tpu.memref_squeeze %dma_wait3A_183 : memref<1x80x128xf32, #tpu.memory_space<vmem>> -> memref<80x128xf32, #tpu.memory_space<vmem>>
      %dma_wait3A_185 = arith.constant 0 : i32
      %dma_wait3A_186 = arith.constant 0 : i32
      %dma_wait3A_187 = tpu.memref_slice %arg2[%dma_wait3A_185, %dma_wait3A_186] : memref<10000x128xf32, #tpu.memory_space<hbm>> -> memref<80x128xf32, #tpu.memory_space<hbm>>
      tpu.wait_dma2 semaphore(%dma_wait3A_180 : memref<!tpu.dma_semaphore, #tpu.memory_space<semaphore_mem>>) src(%dma_wait3A_187 : memref<80x128xf32, #tpu.memory_space<hbm>>) dst(%dma_wait3A_184 : memref<80x128xf32, #tpu.memory_space<vmem>>)
      %run_scoped3A_188 = arith.constant 2 : i32
      "tpu.region"() ({
        %run_scoped3A_196 = tpu.sem_alloc : memref<!tpu.dma_semaphore, #tpu.memory_space<semaphore_mem>>
        %dma_start3A_197 = arith.constant 0 : i32
        %dma_start3A_198 = arith.constant 0 : i32
        %dma_start3A_199 = tpu.memref_slice %arg9[%run_scoped3A_188, %dma_start3A_197, %dma_start3A_198] : memref<3x80x128xf32, #tpu.memory_space<vmem>> -> memref<1x80x128xf32, #tpu.memory_space<vmem>>
        %dma_start3A_200 = tpu.memref_squeeze %dma_start3A_199 : memref<1x80x128xf32, #tpu.memory_space<vmem>> -> memref<80x128xf32, #tpu.memory_space<vmem>>
        %dma_start3A_201 = arith.constant 0 : i32
        %dma_start3A_202 = tpu.memref_slice %arg8[%add3A_169, %dma_start3A_201] : memref<125x80xi32, #tpu.memory_space<vmem>> -> memref<1x80xi32, #tpu.memory_space<vmem>>
        %dma_start3A_203 = tpu.memref_squeeze %dma_start3A_202 : memref<1x80xi32, #tpu.memory_space<vmem>> -> memref<80xi32, #tpu.memory_space<vmem>>
        %dma_start3A_204 = arith.constant 0 : i32
        %dma_start3A_205 = arith.constant 0 : i32
        %dma_start3A_206 = tpu.memref_slice %arg10[%dma_start3A_204, %dma_start3A_205] : memref<10000x128xf32, #tpu.memory_space<vmem_shared>> -> memref<10000x128xf32, #tpu.memory_space<vmem_shared>>
        tpu.enqueue_indirect_dma source(%dma_start3A_200 : memref<80x128xf32, #tpu.memory_space<vmem>>) target(%dma_start3A_206 : memref<10000x128xf32, #tpu.memory_space<vmem_shared>>) offsets(%dma_start3A_203 : memref<80xi32, #tpu.memory_space<vmem>>) semaphore(%run_scoped3A_196 : memref<!tpu.dma_semaphore, #tpu.memory_space<semaphore_mem>>) {add = true}
        %dma_wait3A_207 = arith.constant 0 : i32
        %dma_wait3A_208 = arith.constant 0 : i32
        %dma_wait3A_209 = tpu.memref_slice %arg9[%run_scoped3A_188, %dma_wait3A_207, %dma_wait3A_208] : memref<3x80x128xf32, #tpu.memory_space<vmem>> -> memref<1x80x128xf32, #tpu.memory_space<vmem>>
        %dma_wait3A_210 = tpu.memref_squeeze %dma_wait3A_209 : memref<1x80x128xf32, #tpu.memory_space<vmem>> -> memref<80x128xf32, #tpu.memory_space<vmem>>
        %dma_wait3A_211 = arith.constant 0 : i32
        %dma_wait3A_212 = tpu.memref_slice %arg8[%add3A_169, %dma_wait3A_211] : memref<125x80xi32, #tpu.memory_space<vmem>> -> memref<1x80xi32, #tpu.memory_space<vmem>>
        %dma_wait3A_213 = tpu.memref_squeeze %dma_wait3A_212 : memref<1x80xi32, #tpu.memory_space<vmem>> -> memref<80xi32, #tpu.memory_space<vmem>>
        %dma_wait3A_214 = arith.constant 0 : i32
        %dma_wait3A_215 = arith.constant 0 : i32
        %dma_wait3A_216 = tpu.memref_slice %arg10[%dma_wait3A_214, %dma_wait3A_215] : memref<10000x128xf32, #tpu.memory_space<vmem_shared>> -> memref<10000x128xf32, #tpu.memory_space<vmem_shared>>
        tpu.wait_indirect_dma semaphore(%run_scoped3A_196 : memref<!tpu.dma_semaphore, #tpu.memory_space<semaphore_mem>>) src(%dma_wait3A_210 : memref<80x128xf32, #tpu.memory_space<vmem>>) dst(%dma_wait3A_216 : memref<10000x128xf32, #tpu.memory_space<vmem_shared>>)
        tpu.yield
      }) : () -> ()
      %add3A_189 = arith.constant 3 : i32
      %add3A_190 = arith.addi %add3A_169, %add3A_189 : i32
      %lt3A_191 = arith.constant 125 : i32
      %lt3A_192 = arith.cmpi slt, %add3A_190, %lt3A_191 : i32
      %convert_element_type3A_193 = arith.extui %lt3A_192 : i1 to i32
      %cond3A_194 = arith.constant 0 : i32
      %cond3A_195 = arith.cmpi ne, %convert_element_type3A_193, %cond3A_194 : i32
      scf.if %cond3A_195 {
        %add3A_196 = arith.constant 3 : i32
        %add3A_197 = arith.addi %add3A_169, %add3A_196 : i32
        %dma_start3A_198 = arith.constant 2 : i32
        %dma_start3A_199 = arith.constant 2 : i32
        %dma_start3A_200 = arith.constant 0 : i32
        %dma_start3A_201 = arith.constant 0 : i32
        %dma_start3A_202 = tpu.memref_slice %arg9[%dma_start3A_198, %dma_start3A_200, %dma_start3A_201] : memref<3x80x128xf32, #tpu.memory_space<vmem>> -> memref<1x80x128xf32, #tpu.memory_space<vmem>>
        %dma_start3A_203 = tpu.memref_squeeze %dma_start3A_202 : memref<1x80x128xf32, #tpu.memory_space<vmem>> -> memref<80x128xf32, #tpu.memory_space<vmem>>
        %dma_start3A_204 = arith.constant 0 : i32
        %dma_start3A_205 = tpu.memref_slice %arg7[%add3A_197, %dma_start3A_204] : memref<125x80xi32, #tpu.memory_space<vmem>> -> memref<1x80xi32, #tpu.memory_space<vmem>>
        %dma_start3A_206 = tpu.memref_squeeze %dma_start3A_205 : memref<1x80xi32, #tpu.memory_space<vmem>> -> memref<80xi32, #tpu.memory_space<vmem>>
        %dma_start3A_207 = arith.constant 0 : i32
        %dma_start3A_208 = arith.constant 0 : i32
        %dma_start3A_209 = tpu.memref_slice %arg2[%dma_start3A_207, %dma_start3A_208] : memref<10000x128xf32, #tpu.memory_space<hbm>> -> memref<10000x128xf32, #tpu.memory_space<hbm>>
        %dma_start3A_210 = tpu.memref_slice %arg11[%dma_start3A_199] : memref<3x!tpu.dma_semaphore, #tpu.memory_space<semaphore_mem>> -> memref<1x!tpu.dma_semaphore, #tpu.memory_space<semaphore_mem>>
        %dma_start3A_211 = tpu.memref_squeeze %dma_start3A_210 : memref<1x!tpu.dma_semaphore, #tpu.memory_space<semaphore_mem>> -> memref<!tpu.dma_semaphore, #tpu.memory_space<semaphore_mem>>
        tpu.enqueue_indirect_dma source(%dma_start3A_209 : memref<10000x128xf32, #tpu.memory_space<hbm>>) target(%dma_start3A_203 : memref<80x128xf32, #tpu.memory_space<vmem>>) offsets(%dma_start3A_206 : memref<80xi32, #tpu.memory_space<vmem>>) semaphore(%dma_start3A_211 : memref<!tpu.dma_semaphore, #tpu.memory_space<semaphore_mem>>)
      } else {
      }
    }
    %scan3A_56 = arith.constant 41 : i32
    %dma_wait3A = arith.constant 0 : i32
    %dma_wait3A_57 = arith.constant 0 : i32
    %dma_wait3A_58 = arith.constant 0 : i32
    %dma_wait3A_59 = arith.constant 0 : i32
    %dma_wait3A_60 = tpu.memref_slice %arg9[%dma_wait3A, %dma_wait3A_58, %dma_wait3A_59] : memref<3x80x128xf32, #tpu.memory_space<vmem>> -> memref<1x80x128xf32, #tpu.memory_space<vmem>>
    %dma_wait3A_61 = tpu.memref_squeeze %dma_wait3A_60 : memref<1x80x128xf32, #tpu.memory_space<vmem>> -> memref<80x128xf32, #tpu.memory_space<vmem>>
    %dma_wait3A_62 = arith.constant 0 : i32
    %dma_wait3A_63 = arith.constant 0 : i32
    %dma_wait3A_64 = tpu.memref_slice %arg2[%dma_wait3A_62, %dma_wait3A_63] : memref<10000x128xf32, #tpu.memory_space<hbm>> -> memref<80x128xf32, #tpu.memory_space<hbm>>
    %dma_wait3A_65 = tpu.memref_slice %arg11[%dma_wait3A_57] : memref<3x!tpu.dma_semaphore, #tpu.memory_space<semaphore_mem>> -> memref<1x!tpu.dma_semaphore, #tpu.memory_space<semaphore_mem>>
    %dma_wait3A_66 = tpu.memref_squeeze %dma_wait3A_65 : memref<1x!tpu.dma_semaphore, #tpu.memory_space<semaphore_mem>> -> memref<!tpu.dma_semaphore, #tpu.memory_space<semaphore_mem>>
    %dma_wait3A_67 = arith.constant 0 : i32
    %dma_wait3A_68 = arith.constant 0 : i32
    %dma_wait3A_69 = tpu.memref_slice %arg9[%dma_wait3A, %dma_wait3A_67, %dma_wait3A_68] : memref<3x80x128xf32, #tpu.memory_space<vmem>> -> memref<1x80x128xf32, #tpu.memory_space<vmem>>
    %dma_wait3A_70 = tpu.memref_squeeze %dma_wait3A_69 : memref<1x80x128xf32, #tpu.memory_space<vmem>> -> memref<80x128xf32, #tpu.memory_space<vmem>>
    %dma_wait3A_71 = arith.constant 0 : i32
    %dma_wait3A_72 = arith.constant 0 : i32
    %dma_wait3A_73 = tpu.memref_slice %arg2[%dma_wait3A_71, %dma_wait3A_72] : memref<10000x128xf32, #tpu.memory_space<hbm>> -> memref<80x128xf32, #tpu.memory_space<hbm>>
    tpu.wait_dma2 semaphore(%dma_wait3A_66 : memref<!tpu.dma_semaphore, #tpu.memory_space<semaphore_mem>>) src(%dma_wait3A_73 : memref<80x128xf32, #tpu.memory_space<hbm>>) dst(%dma_wait3A_70 : memref<80x128xf32, #tpu.memory_space<vmem>>)
    %run_scoped3A = arith.constant 0 : i32
    %run_scoped3A_74 = arith.constant 123 : i32
    "tpu.region"() ({
      %run_scoped3A_105 = tpu.sem_alloc : memref<!tpu.dma_semaphore, #tpu.memory_space<semaphore_mem>>
      %dma_start3A_106 = arith.constant 0 : i32
      %dma_start3A_107 = arith.constant 0 : i32
      %dma_start3A_108 = tpu.memref_slice %arg9[%run_scoped3A, %dma_start3A_106, %dma_start3A_107] : memref<3x80x128xf32, #tpu.memory_space<vmem>> -> memref<1x80x128xf32, #tpu.memory_space<vmem>>
      %dma_start3A_109 = tpu.memref_squeeze %dma_start3A_108 : memref<1x80x128xf32, #tpu.memory_space<vmem>> -> memref<80x128xf32, #tpu.memory_space<vmem>>
      %dma_start3A_110 = arith.constant 0 : i32
      %dma_start3A_111 = tpu.memref_slice %arg8[%run_scoped3A_74, %dma_start3A_110] : memref<125x80xi32, #tpu.memory_space<vmem>> -> memref<1x80xi32, #tpu.memory_space<vmem>>
      %dma_start3A_112 = tpu.memref_squeeze %dma_start3A_111 : memref<1x80xi32, #tpu.memory_space<vmem>> -> memref<80xi32, #tpu.memory_space<vmem>>
      %dma_start3A_113 = arith.constant 0 : i32
      %dma_start3A_114 = arith.constant 0 : i32
      %dma_start3A_115 = tpu.memref_slice %arg10[%dma_start3A_113, %dma_start3A_114] : memref<10000x128xf32, #tpu.memory_space<vmem_shared>> -> memref<10000x128xf32, #tpu.memory_space<vmem_shared>>
      tpu.enqueue_indirect_dma source(%dma_start3A_109 : memref<80x128xf32, #tpu.memory_space<vmem>>) target(%dma_start3A_115 : memref<10000x128xf32, #tpu.memory_space<vmem_shared>>) offsets(%dma_start3A_112 : memref<80xi32, #tpu.memory_space<vmem>>) semaphore(%run_scoped3A_105 : memref<!tpu.dma_semaphore, #tpu.memory_space<semaphore_mem>>) {add = true}
      %dma_wait3A_116 = arith.constant 0 : i32
      %dma_wait3A_117 = arith.constant 0 : i32
      %dma_wait3A_118 = tpu.memref_slice %arg9[%run_scoped3A, %dma_wait3A_116, %dma_wait3A_117] : memref<3x80x128xf32, #tpu.memory_space<vmem>> -> memref<1x80x128xf32, #tpu.memory_space<vmem>>
      %dma_wait3A_119 = tpu.memref_squeeze %dma_wait3A_118 : memref<1x80x128xf32, #tpu.memory_space<vmem>> -> memref<80x128xf32, #tpu.memory_space<vmem>>
      %dma_wait3A_120 = arith.constant 0 : i32
      %dma_wait3A_121 = tpu.memref_slice %arg8[%run_scoped3A_74, %dma_wait3A_120] : memref<125x80xi32, #tpu.memory_space<vmem>> -> memref<1x80xi32, #tpu.memory_space<vmem>>
      %dma_wait3A_122 = tpu.memref_squeeze %dma_wait3A_121 : memref<1x80xi32, #tpu.memory_space<vmem>> -> memref<80xi32, #tpu.memory_space<vmem>>
      %dma_wait3A_123 = arith.constant 0 : i32
      %dma_wait3A_124 = arith.constant 0 : i32
      %dma_wait3A_125 = tpu.memref_slice %arg10[%dma_wait3A_123, %dma_wait3A_124] : memref<10000x128xf32, #tpu.memory_space<vmem_shared>> -> memref<10000x128xf32, #tpu.memory_space<vmem_shared>>
      tpu.wait_indirect_dma semaphore(%run_scoped3A_105 : memref<!tpu.dma_semaphore, #tpu.memory_space<semaphore_mem>>) src(%dma_wait3A_119 : memref<80x128xf32, #tpu.memory_space<vmem>>) dst(%dma_wait3A_125 : memref<10000x128xf32, #tpu.memory_space<vmem_shared>>)
      tpu.yield
    }) : () -> ()
    %dma_wait3A_75 = arith.constant 1 : i32
    %dma_wait3A_76 = arith.constant 1 : i32
    %dma_wait3A_77 = arith.constant 0 : i32
    %dma_wait3A_78 = arith.constant 0 : i32
    %dma_wait3A_79 = tpu.memref_slice %arg9[%dma_wait3A_75, %dma_wait3A_77, %dma_wait3A_78] : memref<3x80x128xf32, #tpu.memory_space<vmem>> -> memref<1x80x128xf32, #tpu.memory_space<vmem>>
    %dma_wait3A_80 = tpu.memref_squeeze %dma_wait3A_79 : memref<1x80x128xf32, #tpu.memory_space<vmem>> -> memref<80x128xf32, #tpu.memory_space<vmem>>
    %dma_wait3A_81 = arith.constant 0 : i32
    %dma_wait3A_82 = arith.constant 0 : i32
    %dma_wait3A_83 = tpu.memref_slice %arg2[%dma_wait3A_81, %dma_wait3A_82] : memref<10000x128xf32, #tpu.memory_space<hbm>> -> memref<80x128xf32, #tpu.memory_space<hbm>>
    %dma_wait3A_84 = tpu.memref_slice %arg11[%dma_wait3A_76] : memref<3x!tpu.dma_semaphore, #tpu.memory_space<semaphore_mem>> -> memref<1x!tpu.dma_semaphore, #tpu.memory_space<semaphore_mem>>
    %dma_wait3A_85 = tpu.memref_squeeze %dma_wait3A_84 : memref<1x!tpu.dma_semaphore, #tpu.memory_space<semaphore_mem>> -> memref<!tpu.dma_semaphore, #tpu.memory_space<semaphore_mem>>
    %dma_wait3A_86 = arith.constant 0 : i32
    %dma_wait3A_87 = arith.constant 0 : i32
    %dma_wait3A_88 = tpu.memref_slice %arg9[%dma_wait3A_75, %dma_wait3A_86, %dma_wait3A_87] : memref<3x80x128xf32, #tpu.memory_space<vmem>> -> memref<1x80x128xf32, #tpu.memory_space<vmem>>
    %dma_wait3A_89 = tpu.memref_squeeze %dma_wait3A_88 : memref<1x80x128xf32, #tpu.memory_space<vmem>> -> memref<80x128xf32, #tpu.memory_space<vmem>>
    %dma_wait3A_90 = arith.constant 0 : i32
    %dma_wait3A_91 = arith.constant 0 : i32
    %dma_wait3A_92 = tpu.memref_slice %arg2[%dma_wait3A_90, %dma_wait3A_91] : memref<10000x128xf32, #tpu.memory_space<hbm>> -> memref<80x128xf32, #tpu.memory_space<hbm>>
    tpu.wait_dma2 semaphore(%dma_wait3A_85 : memref<!tpu.dma_semaphore, #tpu.memory_space<semaphore_mem>>) src(%dma_wait3A_92 : memref<80x128xf32, #tpu.memory_space<hbm>>) dst(%dma_wait3A_89 : memref<80x128xf32, #tpu.memory_space<vmem>>)
    %run_scoped3A_93 = arith.constant 1 : i32
    %run_scoped3A_94 = arith.constant 124 : i32
    "tpu.region"() ({
      %run_scoped3A_105 = tpu.sem_alloc : memref<!tpu.dma_semaphore, #tpu.memory_space<semaphore_mem>>
      %dma_start3A_106 = arith.constant 0 : i32
      %dma_start3A_107 = arith.constant 0 : i32
      %dma_start3A_108 = tpu.memref_slice %arg9[%run_scoped3A_93, %dma_start3A_106, %dma_start3A_107] : memref<3x80x128xf32, #tpu.memory_space<vmem>> -> memref<1x80x128xf32, #tpu.memory_space<vmem>>
      %dma_start3A_109 = tpu.memref_squeeze %dma_start3A_108 : memref<1x80x128xf32, #tpu.memory_space<vmem>> -> memref<80x128xf32, #tpu.memory_space<vmem>>
      %dma_start3A_110 = arith.constant 0 : i32
      %dma_start3A_111 = tpu.memref_slice %arg8[%run_scoped3A_94, %dma_start3A_110] : memref<125x80xi32, #tpu.memory_space<vmem>> -> memref<1x80xi32, #tpu.memory_space<vmem>>
      %dma_start3A_112 = tpu.memref_squeeze %dma_start3A_111 : memref<1x80xi32, #tpu.memory_space<vmem>> -> memref<80xi32, #tpu.memory_space<vmem>>
      %dma_start3A_113 = arith.constant 0 : i32
      %dma_start3A_114 = arith.constant 0 : i32
      %dma_start3A_115 = tpu.memref_slice %arg10[%dma_start3A_113, %dma_start3A_114] : memref<10000x128xf32, #tpu.memory_space<vmem_shared>> -> memref<10000x128xf32, #tpu.memory_space<vmem_shared>>
      tpu.enqueue_indirect_dma source(%dma_start3A_109 : memref<80x128xf32, #tpu.memory_space<vmem>>) target(%dma_start3A_115 : memref<10000x128xf32, #tpu.memory_space<vmem_shared>>) offsets(%dma_start3A_112 : memref<80xi32, #tpu.memory_space<vmem>>) semaphore(%run_scoped3A_105 : memref<!tpu.dma_semaphore, #tpu.memory_space<semaphore_mem>>) {add = true}
      %dma_wait3A_116 = arith.constant 0 : i32
      %dma_wait3A_117 = arith.constant 0 : i32
      %dma_wait3A_118 = tpu.memref_slice %arg9[%run_scoped3A_93, %dma_wait3A_116, %dma_wait3A_117] : memref<3x80x128xf32, #tpu.memory_space<vmem>> -> memref<1x80x128xf32, #tpu.memory_space<vmem>>
      %dma_wait3A_119 = tpu.memref_squeeze %dma_wait3A_118 : memref<1x80x128xf32, #tpu.memory_space<vmem>> -> memref<80x128xf32, #tpu.memory_space<vmem>>
      %dma_wait3A_120 = arith.constant 0 : i32
      %dma_wait3A_121 = tpu.memref_slice %arg8[%run_scoped3A_94, %dma_wait3A_120] : memref<125x80xi32, #tpu.memory_space<vmem>> -> memref<1x80xi32, #tpu.memory_space<vmem>>
      %dma_wait3A_122 = tpu.memref_squeeze %dma_wait3A_121 : memref<1x80xi32, #tpu.memory_space<vmem>> -> memref<80xi32, #tpu.memory_space<vmem>>
      %dma_wait3A_123 = arith.constant 0 : i32
      %dma_wait3A_124 = arith.constant 0 : i32
      %dma_wait3A_125 = tpu.memref_slice %arg10[%dma_wait3A_123, %dma_wait3A_124] : memref<10000x128xf32, #tpu.memory_space<vmem_shared>> -> memref<10000x128xf32, #tpu.memory_space<vmem_shared>>
      tpu.wait_indirect_dma semaphore(%run_scoped3A_105 : memref<!tpu.dma_semaphore, #tpu.memory_space<semaphore_mem>>) src(%dma_wait3A_119 : memref<80x128xf32, #tpu.memory_space<vmem>>) dst(%dma_wait3A_125 : memref<10000x128xf32, #tpu.memory_space<vmem_shared>>)
      tpu.yield
    }) : () -> ()
    %barrier3A_95 = arith.constant 0 : index
    tpu.barrier barrier_id(%barrier3A_95)
    %lt3A = arith.constant 15 : i32
    %lt3A_96 = arith.cmpi slt, %arg1, %lt3A : i32
    %convert_element_type3A_97 = arith.extui %lt3A_96 : i1 to i32
    %cond3A_98 = arith.constant 0 : i32
    %cond3A_99 = arith.cmpi ne, %convert_element_type3A_97, %cond3A_98 : i32
    scf.if %cond3A_99 {
      %mul3A_105 = arith.constant 632 : i32
      %mul3A_106 = arith.muli %arg1, %mul3A_105 : i32
      %multiple_of3A = tpu.assume_multiple %mul3A_106, 8 : i32
      "tpu.region"() ({
        %run_scoped3A_107 = tpu.sem_alloc : memref<!tpu.dma_semaphore, #tpu.memory_space<semaphore_mem>>
        %dma_start3A_108 = arith.constant 0 : i32
        %dma_start3A_109 = tpu.memref_slice %arg6[%arg0, %multiple_of3A, %dma_start3A_108] : memref<2x10000x128xf32, #tpu.memory_space<hbm>> -> memref<1x632x128xf32, #tpu.memory_space<hbm>>
        %dma_start3A_110 = tpu.memref_squeeze %dma_start3A_109 : memref<1x632x128xf32, #tpu.memory_space<hbm>> -> memref<632x128xf32, #tpu.memory_space<hbm>>
        %dma_start3A_111 = arith.constant 0 : i32
        %dma_start3A_112 = tpu.memref_slice %arg10[%multiple_of3A, %dma_start3A_111] : memref<10000x128xf32, #tpu.memory_space<vmem_shared>> -> memref<632x128xf32, #tpu.memory_space<vmem_shared>>
        tpu.enqueue_dma source(%dma_start3A_112 : memref<632x128xf32, #tpu.memory_space<vmem_shared>>) target(%dma_start3A_110 : memref<632x128xf32, #tpu.memory_space<hbm>>) target_semaphore(%run_scoped3A_107 : memref<!tpu.dma_semaphore, #tpu.memory_space<semaphore_mem>>)
        %dma_wait3A_113 = arith.constant 0 : i32
        %dma_wait3A_114 = tpu.memref_slice %arg6[%arg0, %multiple_of3A, %dma_wait3A_113] : memref<2x10000x128xf32, #tpu.memory_space<hbm>> -> memref<1x632x128xf32, #tpu.memory_space<hbm>>
        %dma_wait3A_115 = tpu.memref_squeeze %dma_wait3A_114 : memref<1x632x128xf32, #tpu.memory_space<hbm>> -> memref<632x128xf32, #tpu.memory_space<hbm>>
        %dma_wait3A_116 = arith.constant 0 : i32
        %dma_wait3A_117 = tpu.memref_slice %arg10[%multiple_of3A, %dma_wait3A_116] : memref<10000x128xf32, #tpu.memory_space<vmem_shared>> -> memref<632x128xf32, #tpu.memory_space<vmem_shared>>
        tpu.wait_dma2 semaphore(%run_scoped3A_107 : memref<!tpu.dma_semaphore, #tpu.memory_space<semaphore_mem>>) src(%dma_wait3A_117 : memref<632x128xf32, #tpu.memory_space<vmem_shared>>) dst(%dma_wait3A_115 : memref<632x128xf32, #tpu.memory_space<hbm>>)
        tpu.yield
      }) : () -> ()
    } else {
    }
    %eq3A_100 = arith.constant 15 : i32
    %eq3A_101 = arith.cmpi eq, %arg1, %eq3A_100 : i32
    %convert_element_type3A_102 = arith.extui %eq3A_101 : i1 to i32
    %cond3A_103 = arith.constant 0 : i32
    %cond3A_104 = arith.cmpi ne, %convert_element_type3A_102, %cond3A_103 : i32
    scf.if %cond3A_104 {
      "tpu.region"() ({
        %run_scoped3A_105 = tpu.sem_alloc : memref<!tpu.dma_semaphore, #tpu.memory_space<semaphore_mem>>
        %dma_start3A_106 = arith.constant 9480 : i32
        %dma_start3A_107 = arith.constant 0 : i32
        %dma_start3A_108 = tpu.memref_slice %arg6[%arg0, %dma_start3A_106, %dma_start3A_107] : memref<2x10000x128xf32, #tpu.memory_space<hbm>> -> memref<1x520x128xf32, #tpu.memory_space<hbm>>
        %dma_start3A_109 = tpu.memref_squeeze %dma_start3A_108 : memref<1x520x128xf32, #tpu.memory_space<hbm>> -> memref<520x128xf32, #tpu.memory_space<hbm>>
        %dma_start3A_110 = arith.constant 9480 : i32
        %dma_start3A_111 = arith.constant 0 : i32
        %dma_start3A_112 = tpu.memref_slice %arg10[%dma_start3A_110, %dma_start3A_111] : memref<10000x128xf32, #tpu.memory_space<vmem_shared>> -> memref<520x128xf32, #tpu.memory_space<vmem_shared>>
        tpu.enqueue_dma source(%dma_start3A_112 : memref<520x128xf32, #tpu.memory_space<vmem_shared>>) target(%dma_start3A_109 : memref<520x128xf32, #tpu.memory_space<hbm>>) target_semaphore(%run_scoped3A_105 : memref<!tpu.dma_semaphore, #tpu.memory_space<semaphore_mem>>)
        %dma_wait3A_113 = arith.constant 9480 : i32
        %dma_wait3A_114 = arith.constant 0 : i32
        %dma_wait3A_115 = tpu.memref_slice %arg6[%arg0, %dma_wait3A_113, %dma_wait3A_114] : memref<2x10000x128xf32, #tpu.memory_space<hbm>> -> memref<1x520x128xf32, #tpu.memory_space<hbm>>
        %dma_wait3A_116 = tpu.memref_squeeze %dma_wait3A_115 : memref<1x520x128xf32, #tpu.memory_space<hbm>> -> memref<520x128xf32, #tpu.memory_space<hbm>>
        %dma_wait3A_117 = arith.constant 9480 : i32
        %dma_wait3A_118 = arith.constant 0 : i32
        %dma_wait3A_119 = tpu.memref_slice %arg10[%dma_wait3A_117, %dma_wait3A_118] : memref<10000x128xf32, #tpu.memory_space<vmem_shared>> -> memref<520x128xf32, #tpu.memory_space<vmem_shared>>
        tpu.wait_dma2 semaphore(%run_scoped3A_105 : memref<!tpu.dma_semaphore, #tpu.memory_space<semaphore_mem>>) src(%dma_wait3A_119 : memref<520x128xf32, #tpu.memory_space<vmem_shared>>) dst(%dma_wait3A_116 : memref<520x128xf32, #tpu.memory_space<hbm>>)
        tpu.yield
      }) : () -> ()
    } else {
    }
    return
  }
}

#map = affine_map<(d0, d1) -> (0, 0)>
#map1 = affine_map<(d0, d1) -> (0, 0, 0)>
module attributes {stable_mosaic.version = 14 : i64} {
  func.func @k(%arg0: i32, %arg1: i32, %arg2: memref<10000x16xf32, #tpu.memory_space<hbm>>, %arg3: memref<32x80x125xi32, #tpu.memory_space<hbm>>, %arg4: memref<32x80x125xi32, #tpu.memory_space<hbm>>, %arg5: memref<10000x16xf32, #tpu.memory_space<hbm>>, %arg6: memref<2x10000x16xf32, #tpu.memory_space<hbm>>, %arg7: memref<80x125xi32, #tpu.memory_space<vmem>>, %arg8: memref<80x125xi32, #tpu.memory_space<vmem>>, %arg9: memref<8x125x16xf32, #tpu.memory_space<vmem>>, %arg10: memref<10000x16xf32, #tpu.memory_space<vmem_shared>>, %arg11: memref<8x!tpu.dma_semaphore, #tpu.memory_space<semaphore_mem>>) attributes {dimension_semantics = [#tpu.dimension_semantics<core_parallel>, #tpu.dimension_semantics<subcore_parallel>], iteration_bounds = array<i64: 2, 16>, scalar_prefetch = 0 : i64, scratch_operands = 5 : i64, tpu.core_type = #tpu.core_type<sc_vector_subcore>, window_params = [{transform_indices = #map}, {transform_indices = #map1}, {transform_indices = #map1}, {transform_indices = #map}, {transform_indices = #map1}]} {
    %mul3A = arith.constant 16 : i32
    %mul3A_0 = arith.muli %arg0, %mul3A : i32
    %add3A = arith.addi %mul3A_0, %arg1 : i32
    "tpu.region"() ({
      %run_scoped3A = tpu.sem_alloc : memref<!tpu.dma_semaphore, #tpu.memory_space<semaphore_mem>>
      %dma_start3A_142 = arith.constant 0 : i32
      %dma_start3A_143 = arith.constant 0 : i32
      %dma_start3A_144 = tpu.memref_slice %arg3[%add3A, %dma_start3A_142, %dma_start3A_143] : memref<32x80x125xi32, #tpu.memory_space<hbm>> -> memref<1x80x125xi32, #tpu.memory_space<hbm>>
      %dma_start3A_145 = tpu.memref_squeeze %dma_start3A_144 : memref<1x80x125xi32, #tpu.memory_space<hbm>> -> memref<80x125xi32, #tpu.memory_space<hbm>>
      %dma_start3A_146 = arith.constant 0 : i32
      %dma_start3A_147 = arith.constant 0 : i32
      %dma_start3A_148 = tpu.memref_slice %arg3[%add3A, %dma_start3A_146, %dma_start3A_147] : memref<32x80x125xi32, #tpu.memory_space<hbm>> -> memref<1x80x125xi32, #tpu.memory_space<hbm>>
      %dma_start3A_149 = tpu.memref_squeeze %dma_start3A_148 : memref<1x80x125xi32, #tpu.memory_space<hbm>> -> memref<80x125xi32, #tpu.memory_space<hbm>>
      tpu.enqueue_dma source(%dma_start3A_149 : memref<80x125xi32, #tpu.memory_space<hbm>>) target(%arg7 : memref<80x125xi32, #tpu.memory_space<vmem>>) target_semaphore(%run_scoped3A : memref<!tpu.dma_semaphore, #tpu.memory_space<semaphore_mem>>)
      %dma_wait3A = arith.constant 0 : i32
      %dma_wait3A_150 = arith.constant 0 : i32
      %dma_wait3A_151 = tpu.memref_slice %arg3[%add3A, %dma_wait3A, %dma_wait3A_150] : memref<32x80x125xi32, #tpu.memory_space<hbm>> -> memref<1x80x125xi32, #tpu.memory_space<hbm>>
      %dma_wait3A_152 = tpu.memref_squeeze %dma_wait3A_151 : memref<1x80x125xi32, #tpu.memory_space<hbm>> -> memref<80x125xi32, #tpu.memory_space<hbm>>
      %dma_wait3A_153 = arith.constant 0 : i32
      %dma_wait3A_154 = arith.constant 0 : i32
      %dma_wait3A_155 = tpu.memref_slice %arg3[%add3A, %dma_wait3A_153, %dma_wait3A_154] : memref<32x80x125xi32, #tpu.memory_space<hbm>> -> memref<1x80x125xi32, #tpu.memory_space<hbm>>
      %dma_wait3A_156 = tpu.memref_squeeze %dma_wait3A_155 : memref<1x80x125xi32, #tpu.memory_space<hbm>> -> memref<80x125xi32, #tpu.memory_space<hbm>>
      tpu.wait_dma2 semaphore(%run_scoped3A : memref<!tpu.dma_semaphore, #tpu.memory_space<semaphore_mem>>) src(%dma_wait3A_156 : memref<80x125xi32, #tpu.memory_space<hbm>>) dst(%arg7 : memref<80x125xi32, #tpu.memory_space<vmem>>)
      tpu.yield
    }) : () -> ()
    "tpu.region"() ({
      %run_scoped3A = tpu.sem_alloc : memref<!tpu.dma_semaphore, #tpu.memory_space<semaphore_mem>>
      %dma_start3A_142 = arith.constant 0 : i32
      %dma_start3A_143 = arith.constant 0 : i32
      %dma_start3A_144 = tpu.memref_slice %arg4[%add3A, %dma_start3A_142, %dma_start3A_143] : memref<32x80x125xi32, #tpu.memory_space<hbm>> -> memref<1x80x125xi32, #tpu.memory_space<hbm>>
      %dma_start3A_145 = tpu.memref_squeeze %dma_start3A_144 : memref<1x80x125xi32, #tpu.memory_space<hbm>> -> memref<80x125xi32, #tpu.memory_space<hbm>>
      %dma_start3A_146 = arith.constant 0 : i32
      %dma_start3A_147 = arith.constant 0 : i32
      %dma_start3A_148 = tpu.memref_slice %arg4[%add3A, %dma_start3A_146, %dma_start3A_147] : memref<32x80x125xi32, #tpu.memory_space<hbm>> -> memref<1x80x125xi32, #tpu.memory_space<hbm>>
      %dma_start3A_149 = tpu.memref_squeeze %dma_start3A_148 : memref<1x80x125xi32, #tpu.memory_space<hbm>> -> memref<80x125xi32, #tpu.memory_space<hbm>>
      tpu.enqueue_dma source(%dma_start3A_149 : memref<80x125xi32, #tpu.memory_space<hbm>>) target(%arg8 : memref<80x125xi32, #tpu.memory_space<vmem>>) target_semaphore(%run_scoped3A : memref<!tpu.dma_semaphore, #tpu.memory_space<semaphore_mem>>)
      %dma_wait3A = arith.constant 0 : i32
      %dma_wait3A_150 = arith.constant 0 : i32
      %dma_wait3A_151 = tpu.memref_slice %arg4[%add3A, %dma_wait3A, %dma_wait3A_150] : memref<32x80x125xi32, #tpu.memory_space<hbm>> -> memref<1x80x125xi32, #tpu.memory_space<hbm>>
      %dma_wait3A_152 = tpu.memref_squeeze %dma_wait3A_151 : memref<1x80x125xi32, #tpu.memory_space<hbm>> -> memref<80x125xi32, #tpu.memory_space<hbm>>
      %dma_wait3A_153 = arith.constant 0 : i32
      %dma_wait3A_154 = arith.constant 0 : i32
      %dma_wait3A_155 = tpu.memref_slice %arg4[%add3A, %dma_wait3A_153, %dma_wait3A_154] : memref<32x80x125xi32, #tpu.memory_space<hbm>> -> memref<1x80x125xi32, #tpu.memory_space<hbm>>
      %dma_wait3A_156 = tpu.memref_squeeze %dma_wait3A_155 : memref<1x80x125xi32, #tpu.memory_space<hbm>> -> memref<80x125xi32, #tpu.memory_space<hbm>>
      tpu.wait_dma2 semaphore(%run_scoped3A : memref<!tpu.dma_semaphore, #tpu.memory_space<semaphore_mem>>) src(%dma_wait3A_156 : memref<80x125xi32, #tpu.memory_space<hbm>>) dst(%arg8 : memref<80x125xi32, #tpu.memory_space<vmem>>)
      tpu.yield
    }) : () -> ()
    %eq3A = arith.constant 0 : i32
    %eq3A_1 = arith.cmpi eq, %arg0, %eq3A : i32
    %convert_element_type3A = arith.extui %eq3A_1 : i1 to i32
    %cond3A = arith.constant 0 : i32
    %cond3A_2 = arith.cmpi ne, %convert_element_type3A, %cond3A : i32
    scf.if %cond3A_2 {
      %lt3A_142 = arith.constant 15 : i32
      %lt3A_143 = arith.cmpi slt, %arg1, %lt3A_142 : i32
      %convert_element_type3A_144 = arith.extui %lt3A_143 : i1 to i32
      %cond3A_145 = arith.constant 0 : i32
      %cond3A_146 = arith.cmpi ne, %convert_element_type3A_144, %cond3A_145 : i32
      scf.if %cond3A_146 {
        %mul3A_152 = arith.constant 632 : i32
        %mul3A_153 = arith.muli %arg1, %mul3A_152 : i32
        %multiple_of3A = tpu.assume_multiple %mul3A_153, 8 : i32
        "tpu.region"() ({
          %run_scoped3A = tpu.sem_alloc : memref<!tpu.dma_semaphore, #tpu.memory_space<semaphore_mem>>
          %dma_start3A_154 = arith.constant 0 : i32
          %dma_start3A_155 = tpu.memref_slice %arg10[%multiple_of3A, %dma_start3A_154] : memref<10000x16xf32, #tpu.memory_space<vmem_shared>> -> memref<632x16xf32, #tpu.memory_space<vmem_shared>>
          %dma_start3A_156 = arith.constant 0 : i32
          %dma_start3A_157 = tpu.memref_slice %arg2[%multiple_of3A, %dma_start3A_156] : memref<10000x16xf32, #tpu.memory_space<hbm>> -> memref<632x16xf32, #tpu.memory_space<hbm>>
          tpu.enqueue_dma source(%dma_start3A_157 : memref<632x16xf32, #tpu.memory_space<hbm>>) target(%dma_start3A_155 : memref<632x16xf32, #tpu.memory_space<vmem_shared>>) target_semaphore(%run_scoped3A : memref<!tpu.dma_semaphore, #tpu.memory_space<semaphore_mem>>)
          %dma_wait3A = arith.constant 0 : i32
          %dma_wait3A_158 = tpu.memref_slice %arg10[%multiple_of3A, %dma_wait3A] : memref<10000x16xf32, #tpu.memory_space<vmem_shared>> -> memref<632x16xf32, #tpu.memory_space<vmem_shared>>
          %dma_wait3A_159 = arith.constant 0 : i32
          %dma_wait3A_160 = tpu.memref_slice %arg2[%multiple_of3A, %dma_wait3A_159] : memref<10000x16xf32, #tpu.memory_space<hbm>> -> memref<632x16xf32, #tpu.memory_space<hbm>>
          tpu.wait_dma2 semaphore(%run_scoped3A : memref<!tpu.dma_semaphore, #tpu.memory_space<semaphore_mem>>) src(%dma_wait3A_160 : memref<632x16xf32, #tpu.memory_space<hbm>>) dst(%dma_wait3A_158 : memref<632x16xf32, #tpu.memory_space<vmem_shared>>)
          tpu.yield
        }) : () -> ()
      } else {
      }
      %eq3A_147 = arith.constant 15 : i32
      %eq3A_148 = arith.cmpi eq, %arg1, %eq3A_147 : i32
      %convert_element_type3A_149 = arith.extui %eq3A_148 : i1 to i32
      %cond3A_150 = arith.constant 0 : i32
      %cond3A_151 = arith.cmpi ne, %convert_element_type3A_149, %cond3A_150 : i32
      scf.if %cond3A_151 {
        "tpu.region"() ({
          %run_scoped3A = tpu.sem_alloc : memref<!tpu.dma_semaphore, #tpu.memory_space<semaphore_mem>>
          %dma_start3A_152 = arith.constant 9480 : i32
          %dma_start3A_153 = arith.constant 0 : i32
          %dma_start3A_154 = tpu.memref_slice %arg10[%dma_start3A_152, %dma_start3A_153] : memref<10000x16xf32, #tpu.memory_space<vmem_shared>> -> memref<520x16xf32, #tpu.memory_space<vmem_shared>>
          %dma_start3A_155 = arith.constant 9480 : i32
          %dma_start3A_156 = arith.constant 0 : i32
          %dma_start3A_157 = tpu.memref_slice %arg2[%dma_start3A_155, %dma_start3A_156] : memref<10000x16xf32, #tpu.memory_space<hbm>> -> memref<520x16xf32, #tpu.memory_space<hbm>>
          tpu.enqueue_dma source(%dma_start3A_157 : memref<520x16xf32, #tpu.memory_space<hbm>>) target(%dma_start3A_154 : memref<520x16xf32, #tpu.memory_space<vmem_shared>>) target_semaphore(%run_scoped3A : memref<!tpu.dma_semaphore, #tpu.memory_space<semaphore_mem>>)
          %dma_wait3A = arith.constant 9480 : i32
          %dma_wait3A_158 = arith.constant 0 : i32
          %dma_wait3A_159 = tpu.memref_slice %arg10[%dma_wait3A, %dma_wait3A_158] : memref<10000x16xf32, #tpu.memory_space<vmem_shared>> -> memref<520x16xf32, #tpu.memory_space<vmem_shared>>
          %dma_wait3A_160 = arith.constant 9480 : i32
          %dma_wait3A_161 = arith.constant 0 : i32
          %dma_wait3A_162 = tpu.memref_slice %arg2[%dma_wait3A_160, %dma_wait3A_161] : memref<10000x16xf32, #tpu.memory_space<hbm>> -> memref<520x16xf32, #tpu.memory_space<hbm>>
          tpu.wait_dma2 semaphore(%run_scoped3A : memref<!tpu.dma_semaphore, #tpu.memory_space<semaphore_mem>>) src(%dma_wait3A_162 : memref<520x16xf32, #tpu.memory_space<hbm>>) dst(%dma_wait3A_159 : memref<520x16xf32, #tpu.memory_space<vmem_shared>>)
          tpu.yield
        }) : () -> ()
      } else {
      }
    } else {
    }
    %eq3A_3 = arith.constant 1 : i32
    %eq3A_4 = arith.cmpi eq, %arg0, %eq3A_3 : i32
    %convert_element_type3A_5 = arith.extui %eq3A_4 : i1 to i32
    %cond3A_6 = arith.constant 0 : i32
    %cond3A_7 = arith.cmpi ne, %convert_element_type3A_5, %cond3A_6 : i32
    scf.if %cond3A_7 {
      %lt3A_142 = arith.constant 15 : i32
      %lt3A_143 = arith.cmpi slt, %arg1, %lt3A_142 : i32
      %convert_element_type3A_144 = arith.extui %lt3A_143 : i1 to i32
      %cond3A_145 = arith.constant 0 : i32
      %cond3A_146 = arith.cmpi ne, %convert_element_type3A_144, %cond3A_145 : i32
      scf.if %cond3A_146 {
        %mul3A_152 = arith.constant 632 : i32
        %mul3A_153 = arith.muli %arg1, %mul3A_152 : i32
        %multiple_of3A = tpu.assume_multiple %mul3A_153, 8 : i32
        "tpu.region"() ({
          %run_scoped3A = tpu.sem_alloc : memref<!tpu.dma_semaphore, #tpu.memory_space<semaphore_mem>>
          %dma_start3A_154 = arith.constant 0 : i32
          %dma_start3A_155 = tpu.memref_slice %arg10[%multiple_of3A, %dma_start3A_154] : memref<10000x16xf32, #tpu.memory_space<vmem_shared>> -> memref<632x16xf32, #tpu.memory_space<vmem_shared>>
          %dma_start3A_156 = arith.constant 0 : i32
          %dma_start3A_157 = tpu.memref_slice %arg5[%multiple_of3A, %dma_start3A_156] : memref<10000x16xf32, #tpu.memory_space<hbm>> -> memref<632x16xf32, #tpu.memory_space<hbm>>
          tpu.enqueue_dma source(%dma_start3A_157 : memref<632x16xf32, #tpu.memory_space<hbm>>) target(%dma_start3A_155 : memref<632x16xf32, #tpu.memory_space<vmem_shared>>) target_semaphore(%run_scoped3A : memref<!tpu.dma_semaphore, #tpu.memory_space<semaphore_mem>>)
          %dma_wait3A = arith.constant 0 : i32
          %dma_wait3A_158 = tpu.memref_slice %arg10[%multiple_of3A, %dma_wait3A] : memref<10000x16xf32, #tpu.memory_space<vmem_shared>> -> memref<632x16xf32, #tpu.memory_space<vmem_shared>>
          %dma_wait3A_159 = arith.constant 0 : i32
          %dma_wait3A_160 = tpu.memref_slice %arg5[%multiple_of3A, %dma_wait3A_159] : memref<10000x16xf32, #tpu.memory_space<hbm>> -> memref<632x16xf32, #tpu.memory_space<hbm>>
          tpu.wait_dma2 semaphore(%run_scoped3A : memref<!tpu.dma_semaphore, #tpu.memory_space<semaphore_mem>>) src(%dma_wait3A_160 : memref<632x16xf32, #tpu.memory_space<hbm>>) dst(%dma_wait3A_158 : memref<632x16xf32, #tpu.memory_space<vmem_shared>>)
          tpu.yield
        }) : () -> ()
      } else {
      }
      %eq3A_147 = arith.constant 15 : i32
      %eq3A_148 = arith.cmpi eq, %arg1, %eq3A_147 : i32
      %convert_element_type3A_149 = arith.extui %eq3A_148 : i1 to i32
      %cond3A_150 = arith.constant 0 : i32
      %cond3A_151 = arith.cmpi ne, %convert_element_type3A_149, %cond3A_150 : i32
      scf.if %cond3A_151 {
        "tpu.region"() ({
          %run_scoped3A = tpu.sem_alloc : memref<!tpu.dma_semaphore, #tpu.memory_space<semaphore_mem>>
          %dma_start3A_152 = arith.constant 9480 : i32
          %dma_start3A_153 = arith.constant 0 : i32
          %dma_start3A_154 = tpu.memref_slice %arg10[%dma_start3A_152, %dma_start3A_153] : memref<10000x16xf32, #tpu.memory_space<vmem_shared>> -> memref<520x16xf32, #tpu.memory_space<vmem_shared>>
          %dma_start3A_155 = arith.constant 9480 : i32
          %dma_start3A_156 = arith.constant 0 : i32
          %dma_start3A_157 = tpu.memref_slice %arg5[%dma_start3A_155, %dma_start3A_156] : memref<10000x16xf32, #tpu.memory_space<hbm>> -> memref<520x16xf32, #tpu.memory_space<hbm>>
          tpu.enqueue_dma source(%dma_start3A_157 : memref<520x16xf32, #tpu.memory_space<hbm>>) target(%dma_start3A_154 : memref<520x16xf32, #tpu.memory_space<vmem_shared>>) target_semaphore(%run_scoped3A : memref<!tpu.dma_semaphore, #tpu.memory_space<semaphore_mem>>)
          %dma_wait3A = arith.constant 9480 : i32
          %dma_wait3A_158 = arith.constant 0 : i32
          %dma_wait3A_159 = tpu.memref_slice %arg10[%dma_wait3A, %dma_wait3A_158] : memref<10000x16xf32, #tpu.memory_space<vmem_shared>> -> memref<520x16xf32, #tpu.memory_space<vmem_shared>>
          %dma_wait3A_160 = arith.constant 9480 : i32
          %dma_wait3A_161 = arith.constant 0 : i32
          %dma_wait3A_162 = tpu.memref_slice %arg5[%dma_wait3A_160, %dma_wait3A_161] : memref<10000x16xf32, #tpu.memory_space<hbm>> -> memref<520x16xf32, #tpu.memory_space<hbm>>
          tpu.wait_dma2 semaphore(%run_scoped3A : memref<!tpu.dma_semaphore, #tpu.memory_space<semaphore_mem>>) src(%dma_wait3A_162 : memref<520x16xf32, #tpu.memory_space<hbm>>) dst(%dma_wait3A_159 : memref<520x16xf32, #tpu.memory_space<vmem_shared>>)
          tpu.yield
        }) : () -> ()
      } else {
      }
    } else {
    }
    %barrier3A = arith.constant 0 : index
    tpu.barrier barrier_id(%barrier3A)
    %dma_start3A = arith.constant 0 : i32
    %dma_start3A_8 = arith.constant 0 : i32
    %dma_start3A_9 = arith.constant 0 : i32
    %dma_start3A_10 = arith.constant 0 : i32
    %dma_start3A_11 = arith.constant 0 : i32
    %dma_start3A_12 = tpu.memref_slice %arg9[%dma_start3A_8, %dma_start3A_10, %dma_start3A_11] : memref<8x125x16xf32, #tpu.memory_space<vmem>> -> memref<1x125x16xf32, #tpu.memory_space<vmem>>
    %dma_start3A_13 = tpu.memref_squeeze %dma_start3A_12 : memref<1x125x16xf32, #tpu.memory_space<vmem>> -> memref<125x16xf32, #tpu.memory_space<vmem>>
    %dma_start3A_14 = arith.constant 0 : i32
    %dma_start3A_15 = tpu.memref_slice %arg7[%dma_start3A, %dma_start3A_14] : memref<80x125xi32, #tpu.memory_space<vmem>> -> memref<1x125xi32, #tpu.memory_space<vmem>>
    %dma_start3A_16 = tpu.memref_squeeze %dma_start3A_15 : memref<1x125xi32, #tpu.memory_space<vmem>> -> memref<125xi32, #tpu.memory_space<vmem>>
    %dma_start3A_17 = arith.constant 0 : i32
    %dma_start3A_18 = arith.constant 0 : i32
    %dma_start3A_19 = tpu.memref_slice %arg2[%dma_start3A_17, %dma_start3A_18] : memref<10000x16xf32, #tpu.memory_space<hbm>> -> memref<10000x16xf32, #tpu.memory_space<hbm>>
    %dma_start3A_20 = tpu.memref_slice %arg11[%dma_start3A_9] : memref<8x!tpu.dma_semaphore, #tpu.memory_space<semaphore_mem>> -> memref<1x!tpu.dma_semaphore, #tpu.memory_space<semaphore_mem>>
    %dma_start3A_21 = tpu.memref_squeeze %dma_start3A_20 : memref<1x!tpu.dma_semaphore, #tpu.memory_space<semaphore_mem>> -> memref<!tpu.dma_semaphore, #tpu.memory_space<semaphore_mem>>
    tpu.enqueue_indirect_dma source(%dma_start3A_19 : memref<10000x16xf32, #tpu.memory_space<hbm>>) target(%dma_start3A_13 : memref<125x16xf32, #tpu.memory_space<vmem>>) offsets(%dma_start3A_16 : memref<125xi32, #tpu.memory_space<vmem>>) semaphore(%dma_start3A_21 : memref<!tpu.dma_semaphore, #tpu.memory_space<semaphore_mem>>)
    %dma_start3A_22 = arith.constant 1 : i32
    %dma_start3A_23 = arith.constant 1 : i32
    %dma_start3A_24 = arith.constant 1 : i32
    %dma_start3A_25 = arith.constant 0 : i32
    %dma_start3A_26 = arith.constant 0 : i32
    %dma_start3A_27 = tpu.memref_slice %arg9[%dma_start3A_23, %dma_start3A_25, %dma_start3A_26] : memref<8x125x16xf32, #tpu.memory_space<vmem>> -> memref<1x125x16xf32, #tpu.memory_space<vmem>>
    %dma_start3A_28 = tpu.memref_squeeze %dma_start3A_27 : memref<1x125x16xf32, #tpu.memory_space<vmem>> -> memref<125x16xf32, #tpu.memory_space<vmem>>
    %dma_start3A_29 = arith.constant 0 : i32
    %dma_start3A_30 = tpu.memref_slice %arg7[%dma_start3A_22, %dma_start3A_29] : memref<80x125xi32, #tpu.memory_space<vmem>> -> memref<1x125xi32, #tpu.memory_space<vmem>>
    %dma_start3A_31 = tpu.memref_squeeze %dma_start3A_30 : memref<1x125xi32, #tpu.memory_space<vmem>> -> memref<125xi32, #tpu.memory_space<vmem>>
    %dma_start3A_32 = arith.constant 0 : i32
    %dma_start3A_33 = arith.constant 0 : i32
    %dma_start3A_34 = tpu.memref_slice %arg2[%dma_start3A_32, %dma_start3A_33] : memref<10000x16xf32, #tpu.memory_space<hbm>> -> memref<10000x16xf32, #tpu.memory_space<hbm>>
    %dma_start3A_35 = tpu.memref_slice %arg11[%dma_start3A_24] : memref<8x!tpu.dma_semaphore, #tpu.memory_space<semaphore_mem>> -> memref<1x!tpu.dma_semaphore, #tpu.memory_space<semaphore_mem>>
    %dma_start3A_36 = tpu.memref_squeeze %dma_start3A_35 : memref<1x!tpu.dma_semaphore, #tpu.memory_space<semaphore_mem>> -> memref<!tpu.dma_semaphore, #tpu.memory_space<semaphore_mem>>
    tpu.enqueue_indirect_dma source(%dma_start3A_34 : memref<10000x16xf32, #tpu.memory_space<hbm>>) target(%dma_start3A_28 : memref<125x16xf32, #tpu.memory_space<vmem>>) offsets(%dma_start3A_31 : memref<125xi32, #tpu.memory_space<vmem>>) semaphore(%dma_start3A_36 : memref<!tpu.dma_semaphore, #tpu.memory_space<semaphore_mem>>)
    %dma_start3A_37 = arith.constant 2 : i32
    %dma_start3A_38 = arith.constant 2 : i32
    %dma_start3A_39 = arith.constant 2 : i32
    %dma_start3A_40 = arith.constant 0 : i32
    %dma_start3A_41 = arith.constant 0 : i32
    %dma_start3A_42 = tpu.memref_slice %arg9[%dma_start3A_38, %dma_start3A_40, %dma_start3A_41] : memref<8x125x16xf32, #tpu.memory_space<vmem>> -> memref<1x125x16xf32, #tpu.memory_space<vmem>>
    %dma_start3A_43 = tpu.memref_squeeze %dma_start3A_42 : memref<1x125x16xf32, #tpu.memory_space<vmem>> -> memref<125x16xf32, #tpu.memory_space<vmem>>
    %dma_start3A_44 = arith.constant 0 : i32
    %dma_start3A_45 = tpu.memref_slice %arg7[%dma_start3A_37, %dma_start3A_44] : memref<80x125xi32, #tpu.memory_space<vmem>> -> memref<1x125xi32, #tpu.memory_space<vmem>>
    %dma_start3A_46 = tpu.memref_squeeze %dma_start3A_45 : memref<1x125xi32, #tpu.memory_space<vmem>> -> memref<125xi32, #tpu.memory_space<vmem>>
    %dma_start3A_47 = arith.constant 0 : i32
    %dma_start3A_48 = arith.constant 0 : i32
    %dma_start3A_49 = tpu.memref_slice %arg2[%dma_start3A_47, %dma_start3A_48] : memref<10000x16xf32, #tpu.memory_space<hbm>> -> memref<10000x16xf32, #tpu.memory_space<hbm>>
    %dma_start3A_50 = tpu.memref_slice %arg11[%dma_start3A_39] : memref<8x!tpu.dma_semaphore, #tpu.memory_space<semaphore_mem>> -> memref<1x!tpu.dma_semaphore, #tpu.memory_space<semaphore_mem>>
    %dma_start3A_51 = tpu.memref_squeeze %dma_start3A_50 : memref<1x!tpu.dma_semaphore, #tpu.memory_space<semaphore_mem>> -> memref<!tpu.dma_semaphore, #tpu.memory_space<semaphore_mem>>
    tpu.enqueue_indirect_dma source(%dma_start3A_49 : memref<10000x16xf32, #tpu.memory_space<hbm>>) target(%dma_start3A_43 : memref<125x16xf32, #tpu.memory_space<vmem>>) offsets(%dma_start3A_46 : memref<125xi32, #tpu.memory_space<vmem>>) semaphore(%dma_start3A_51 : memref<!tpu.dma_semaphore, #tpu.memory_space<semaphore_mem>>)
    %dma_start3A_52 = arith.constant 3 : i32
    %dma_start3A_53 = arith.constant 3 : i32
    %dma_start3A_54 = arith.constant 3 : i32
    %dma_start3A_55 = arith.constant 0 : i32
    %dma_start3A_56 = arith.constant 0 : i32
    %dma_start3A_57 = tpu.memref_slice %arg9[%dma_start3A_53, %dma_start3A_55, %dma_start3A_56] : memref<8x125x16xf32, #tpu.memory_space<vmem>> -> memref<1x125x16xf32, #tpu.memory_space<vmem>>
    %dma_start3A_58 = tpu.memref_squeeze %dma_start3A_57 : memref<1x125x16xf32, #tpu.memory_space<vmem>> -> memref<125x16xf32, #tpu.memory_space<vmem>>
    %dma_start3A_59 = arith.constant 0 : i32
    %dma_start3A_60 = tpu.memref_slice %arg7[%dma_start3A_52, %dma_start3A_59] : memref<80x125xi32, #tpu.memory_space<vmem>> -> memref<1x125xi32, #tpu.memory_space<vmem>>
    %dma_start3A_61 = tpu.memref_squeeze %dma_start3A_60 : memref<1x125xi32, #tpu.memory_space<vmem>> -> memref<125xi32, #tpu.memory_space<vmem>>
    %dma_start3A_62 = arith.constant 0 : i32
    %dma_start3A_63 = arith.constant 0 : i32
    %dma_start3A_64 = tpu.memref_slice %arg2[%dma_start3A_62, %dma_start3A_63] : memref<10000x16xf32, #tpu.memory_space<hbm>> -> memref<10000x16xf32, #tpu.memory_space<hbm>>
    %dma_start3A_65 = tpu.memref_slice %arg11[%dma_start3A_54] : memref<8x!tpu.dma_semaphore, #tpu.memory_space<semaphore_mem>> -> memref<1x!tpu.dma_semaphore, #tpu.memory_space<semaphore_mem>>
    %dma_start3A_66 = tpu.memref_squeeze %dma_start3A_65 : memref<1x!tpu.dma_semaphore, #tpu.memory_space<semaphore_mem>> -> memref<!tpu.dma_semaphore, #tpu.memory_space<semaphore_mem>>
    tpu.enqueue_indirect_dma source(%dma_start3A_64 : memref<10000x16xf32, #tpu.memory_space<hbm>>) target(%dma_start3A_58 : memref<125x16xf32, #tpu.memory_space<vmem>>) offsets(%dma_start3A_61 : memref<125xi32, #tpu.memory_space<vmem>>) semaphore(%dma_start3A_66 : memref<!tpu.dma_semaphore, #tpu.memory_space<semaphore_mem>>)
    %dma_start3A_67 = arith.constant 4 : i32
    %dma_start3A_68 = arith.constant 4 : i32
    %dma_start3A_69 = arith.constant 4 : i32
    %dma_start3A_70 = arith.constant 0 : i32
    %dma_start3A_71 = arith.constant 0 : i32
    %dma_start3A_72 = tpu.memref_slice %arg9[%dma_start3A_68, %dma_start3A_70, %dma_start3A_71] : memref<8x125x16xf32, #tpu.memory_space<vmem>> -> memref<1x125x16xf32, #tpu.memory_space<vmem>>
    %dma_start3A_73 = tpu.memref_squeeze %dma_start3A_72 : memref<1x125x16xf32, #tpu.memory_space<vmem>> -> memref<125x16xf32, #tpu.memory_space<vmem>>
    %dma_start3A_74 = arith.constant 0 : i32
    %dma_start3A_75 = tpu.memref_slice %arg7[%dma_start3A_67, %dma_start3A_74] : memref<80x125xi32, #tpu.memory_space<vmem>> -> memref<1x125xi32, #tpu.memory_space<vmem>>
    %dma_start3A_76 = tpu.memref_squeeze %dma_start3A_75 : memref<1x125xi32, #tpu.memory_space<vmem>> -> memref<125xi32, #tpu.memory_space<vmem>>
    %dma_start3A_77 = arith.constant 0 : i32
    %dma_start3A_78 = arith.constant 0 : i32
    %dma_start3A_79 = tpu.memref_slice %arg2[%dma_start3A_77, %dma_start3A_78] : memref<10000x16xf32, #tpu.memory_space<hbm>> -> memref<10000x16xf32, #tpu.memory_space<hbm>>
    %dma_start3A_80 = tpu.memref_slice %arg11[%dma_start3A_69] : memref<8x!tpu.dma_semaphore, #tpu.memory_space<semaphore_mem>> -> memref<1x!tpu.dma_semaphore, #tpu.memory_space<semaphore_mem>>
    %dma_start3A_81 = tpu.memref_squeeze %dma_start3A_80 : memref<1x!tpu.dma_semaphore, #tpu.memory_space<semaphore_mem>> -> memref<!tpu.dma_semaphore, #tpu.memory_space<semaphore_mem>>
    tpu.enqueue_indirect_dma source(%dma_start3A_79 : memref<10000x16xf32, #tpu.memory_space<hbm>>) target(%dma_start3A_73 : memref<125x16xf32, #tpu.memory_space<vmem>>) offsets(%dma_start3A_76 : memref<125xi32, #tpu.memory_space<vmem>>) semaphore(%dma_start3A_81 : memref<!tpu.dma_semaphore, #tpu.memory_space<semaphore_mem>>)
    %dma_start3A_82 = arith.constant 5 : i32
    %dma_start3A_83 = arith.constant 5 : i32
    %dma_start3A_84 = arith.constant 5 : i32
    %dma_start3A_85 = arith.constant 0 : i32
    %dma_start3A_86 = arith.constant 0 : i32
    %dma_start3A_87 = tpu.memref_slice %arg9[%dma_start3A_83, %dma_start3A_85, %dma_start3A_86] : memref<8x125x16xf32, #tpu.memory_space<vmem>> -> memref<1x125x16xf32, #tpu.memory_space<vmem>>
    %dma_start3A_88 = tpu.memref_squeeze %dma_start3A_87 : memref<1x125x16xf32, #tpu.memory_space<vmem>> -> memref<125x16xf32, #tpu.memory_space<vmem>>
    %dma_start3A_89 = arith.constant 0 : i32
    %dma_start3A_90 = tpu.memref_slice %arg7[%dma_start3A_82, %dma_start3A_89] : memref<80x125xi32, #tpu.memory_space<vmem>> -> memref<1x125xi32, #tpu.memory_space<vmem>>
    %dma_start3A_91 = tpu.memref_squeeze %dma_start3A_90 : memref<1x125xi32, #tpu.memory_space<vmem>> -> memref<125xi32, #tpu.memory_space<vmem>>
    %dma_start3A_92 = arith.constant 0 : i32
    %dma_start3A_93 = arith.constant 0 : i32
    %dma_start3A_94 = tpu.memref_slice %arg2[%dma_start3A_92, %dma_start3A_93] : memref<10000x16xf32, #tpu.memory_space<hbm>> -> memref<10000x16xf32, #tpu.memory_space<hbm>>
    %dma_start3A_95 = tpu.memref_slice %arg11[%dma_start3A_84] : memref<8x!tpu.dma_semaphore, #tpu.memory_space<semaphore_mem>> -> memref<1x!tpu.dma_semaphore, #tpu.memory_space<semaphore_mem>>
    %dma_start3A_96 = tpu.memref_squeeze %dma_start3A_95 : memref<1x!tpu.dma_semaphore, #tpu.memory_space<semaphore_mem>> -> memref<!tpu.dma_semaphore, #tpu.memory_space<semaphore_mem>>
    tpu.enqueue_indirect_dma source(%dma_start3A_94 : memref<10000x16xf32, #tpu.memory_space<hbm>>) target(%dma_start3A_88 : memref<125x16xf32, #tpu.memory_space<vmem>>) offsets(%dma_start3A_91 : memref<125xi32, #tpu.memory_space<vmem>>) semaphore(%dma_start3A_96 : memref<!tpu.dma_semaphore, #tpu.memory_space<semaphore_mem>>)
    %dma_start3A_97 = arith.constant 6 : i32
    %dma_start3A_98 = arith.constant 6 : i32
    %dma_start3A_99 = arith.constant 6 : i32
    %dma_start3A_100 = arith.constant 0 : i32
    %dma_start3A_101 = arith.constant 0 : i32
    %dma_start3A_102 = tpu.memref_slice %arg9[%dma_start3A_98, %dma_start3A_100, %dma_start3A_101] : memref<8x125x16xf32, #tpu.memory_space<vmem>> -> memref<1x125x16xf32, #tpu.memory_space<vmem>>
    %dma_start3A_103 = tpu.memref_squeeze %dma_start3A_102 : memref<1x125x16xf32, #tpu.memory_space<vmem>> -> memref<125x16xf32, #tpu.memory_space<vmem>>
    %dma_start3A_104 = arith.constant 0 : i32
    %dma_start3A_105 = tpu.memref_slice %arg7[%dma_start3A_97, %dma_start3A_104] : memref<80x125xi32, #tpu.memory_space<vmem>> -> memref<1x125xi32, #tpu.memory_space<vmem>>
    %dma_start3A_106 = tpu.memref_squeeze %dma_start3A_105 : memref<1x125xi32, #tpu.memory_space<vmem>> -> memref<125xi32, #tpu.memory_space<vmem>>
    %dma_start3A_107 = arith.constant 0 : i32
    %dma_start3A_108 = arith.constant 0 : i32
    %dma_start3A_109 = tpu.memref_slice %arg2[%dma_start3A_107, %dma_start3A_108] : memref<10000x16xf32, #tpu.memory_space<hbm>> -> memref<10000x16xf32, #tpu.memory_space<hbm>>
    %dma_start3A_110 = tpu.memref_slice %arg11[%dma_start3A_99] : memref<8x!tpu.dma_semaphore, #tpu.memory_space<semaphore_mem>> -> memref<1x!tpu.dma_semaphore, #tpu.memory_space<semaphore_mem>>
    %dma_start3A_111 = tpu.memref_squeeze %dma_start3A_110 : memref<1x!tpu.dma_semaphore, #tpu.memory_space<semaphore_mem>> -> memref<!tpu.dma_semaphore, #tpu.memory_space<semaphore_mem>>
    tpu.enqueue_indirect_dma source(%dma_start3A_109 : memref<10000x16xf32, #tpu.memory_space<hbm>>) target(%dma_start3A_103 : memref<125x16xf32, #tpu.memory_space<vmem>>) offsets(%dma_start3A_106 : memref<125xi32, #tpu.memory_space<vmem>>) semaphore(%dma_start3A_111 : memref<!tpu.dma_semaphore, #tpu.memory_space<semaphore_mem>>)
    %dma_start3A_112 = arith.constant 7 : i32
    %dma_start3A_113 = arith.constant 7 : i32
    %dma_start3A_114 = arith.constant 7 : i32
    %dma_start3A_115 = arith.constant 0 : i32
    %dma_start3A_116 = arith.constant 0 : i32
    %dma_start3A_117 = tpu.memref_slice %arg9[%dma_start3A_113, %dma_start3A_115, %dma_start3A_116] : memref<8x125x16xf32, #tpu.memory_space<vmem>> -> memref<1x125x16xf32, #tpu.memory_space<vmem>>
    %dma_start3A_118 = tpu.memref_squeeze %dma_start3A_117 : memref<1x125x16xf32, #tpu.memory_space<vmem>> -> memref<125x16xf32, #tpu.memory_space<vmem>>
    %dma_start3A_119 = arith.constant 0 : i32
    %dma_start3A_120 = tpu.memref_slice %arg7[%dma_start3A_112, %dma_start3A_119] : memref<80x125xi32, #tpu.memory_space<vmem>> -> memref<1x125xi32, #tpu.memory_space<vmem>>
    %dma_start3A_121 = tpu.memref_squeeze %dma_start3A_120 : memref<1x125xi32, #tpu.memory_space<vmem>> -> memref<125xi32, #tpu.memory_space<vmem>>
    %dma_start3A_122 = arith.constant 0 : i32
    %dma_start3A_123 = arith.constant 0 : i32
    %dma_start3A_124 = tpu.memref_slice %arg2[%dma_start3A_122, %dma_start3A_123] : memref<10000x16xf32, #tpu.memory_space<hbm>> -> memref<10000x16xf32, #tpu.memory_space<hbm>>
    %dma_start3A_125 = tpu.memref_slice %arg11[%dma_start3A_114] : memref<8x!tpu.dma_semaphore, #tpu.memory_space<semaphore_mem>> -> memref<1x!tpu.dma_semaphore, #tpu.memory_space<semaphore_mem>>
    %dma_start3A_126 = tpu.memref_squeeze %dma_start3A_125 : memref<1x!tpu.dma_semaphore, #tpu.memory_space<semaphore_mem>> -> memref<!tpu.dma_semaphore, #tpu.memory_space<semaphore_mem>>
    tpu.enqueue_indirect_dma source(%dma_start3A_124 : memref<10000x16xf32, #tpu.memory_space<hbm>>) target(%dma_start3A_118 : memref<125x16xf32, #tpu.memory_space<vmem>>) offsets(%dma_start3A_121 : memref<125xi32, #tpu.memory_space<vmem>>) semaphore(%dma_start3A_126 : memref<!tpu.dma_semaphore, #tpu.memory_space<semaphore_mem>>)
    %scan3A = arith.constant 0 : i32
    %scan3A_127 = arith.constant 0 : i32
    %scan3A_128 = arith.constant 10 : i32
    %scan3A_129 = arith.addi %scan3A_127, %scan3A_128 : i32
    %scan3A_130 = arith.constant 1 : i32
    scf.for %scan3A_142 = %scan3A_127 to %scan3A_129 step %scan3A_130  : i32 {
      %mul3A_143 = arith.constant 8 : i32
      %mul3A_144 = arith.muli %scan3A_142, %mul3A_143 : i32
      %add3A_145 = arith.constant 0 : i32
      %add3A_146 = arith.addi %mul3A_144, %add3A_145 : i32
      %dma_wait3A = arith.constant 0 : i32
      %dma_wait3A_147 = arith.constant 0 : i32
      %dma_wait3A_148 = arith.constant 0 : i32
      %dma_wait3A_149 = arith.constant 0 : i32
      %dma_wait3A_150 = tpu.memref_slice %arg9[%dma_wait3A, %dma_wait3A_148, %dma_wait3A_149] : memref<8x125x16xf32, #tpu.memory_space<vmem>> -> memref<1x125x16xf32, #tpu.memory_space<vmem>>
      %dma_wait3A_151 = tpu.memref_squeeze %dma_wait3A_150 : memref<1x125x16xf32, #tpu.memory_space<vmem>> -> memref<125x16xf32, #tpu.memory_space<vmem>>
      %dma_wait3A_152 = arith.constant 0 : i32
      %dma_wait3A_153 = arith.constant 0 : i32
      %dma_wait3A_154 = tpu.memref_slice %arg2[%dma_wait3A_152, %dma_wait3A_153] : memref<10000x16xf32, #tpu.memory_space<hbm>> -> memref<125x16xf32, #tpu.memory_space<hbm>>
      %dma_wait3A_155 = tpu.memref_slice %arg11[%dma_wait3A_147] : memref<8x!tpu.dma_semaphore, #tpu.memory_space<semaphore_mem>> -> memref<1x!tpu.dma_semaphore, #tpu.memory_space<semaphore_mem>>
      %dma_wait3A_156 = tpu.memref_squeeze %dma_wait3A_155 : memref<1x!tpu.dma_semaphore, #tpu.memory_space<semaphore_mem>> -> memref<!tpu.dma_semaphore, #tpu.memory_space<semaphore_mem>>
      %dma_wait3A_157 = arith.constant 0 : i32
      %dma_wait3A_158 = arith.constant 0 : i32
      %dma_wait3A_159 = tpu.memref_slice %arg9[%dma_wait3A, %dma_wait3A_157, %dma_wait3A_158] : memref<8x125x16xf32, #tpu.memory_space<vmem>> -> memref<1x125x16xf32, #tpu.memory_space<vmem>>
      %dma_wait3A_160 = tpu.memref_squeeze %dma_wait3A_159 : memref<1x125x16xf32, #tpu.memory_space<vmem>> -> memref<125x16xf32, #tpu.memory_space<vmem>>
      %dma_wait3A_161 = arith.constant 0 : i32
      %dma_wait3A_162 = arith.constant 0 : i32
      %dma_wait3A_163 = tpu.memref_slice %arg2[%dma_wait3A_161, %dma_wait3A_162] : memref<10000x16xf32, #tpu.memory_space<hbm>> -> memref<125x16xf32, #tpu.memory_space<hbm>>
      tpu.wait_dma2 semaphore(%dma_wait3A_156 : memref<!tpu.dma_semaphore, #tpu.memory_space<semaphore_mem>>) src(%dma_wait3A_163 : memref<125x16xf32, #tpu.memory_space<hbm>>) dst(%dma_wait3A_160 : memref<125x16xf32, #tpu.memory_space<vmem>>)
      %run_scoped3A = arith.constant 0 : i32
      "tpu.region"() ({
        %run_scoped3A_381 = tpu.sem_alloc : memref<!tpu.dma_semaphore, #tpu.memory_space<semaphore_mem>>
        %dma_start3A_382 = arith.constant 0 : i32
        %dma_start3A_383 = arith.constant 0 : i32
        %dma_start3A_384 = tpu.memref_slice %arg9[%run_scoped3A, %dma_start3A_382, %dma_start3A_383] : memref<8x125x16xf32, #tpu.memory_space<vmem>> -> memref<1x125x16xf32, #tpu.memory_space<vmem>>
        %dma_start3A_385 = tpu.memref_squeeze %dma_start3A_384 : memref<1x125x16xf32, #tpu.memory_space<vmem>> -> memref<125x16xf32, #tpu.memory_space<vmem>>
        %dma_start3A_386 = arith.constant 0 : i32
        %dma_start3A_387 = tpu.memref_slice %arg8[%add3A_146, %dma_start3A_386] : memref<80x125xi32, #tpu.memory_space<vmem>> -> memref<1x125xi32, #tpu.memory_space<vmem>>
        %dma_start3A_388 = tpu.memref_squeeze %dma_start3A_387 : memref<1x125xi32, #tpu.memory_space<vmem>> -> memref<125xi32, #tpu.memory_space<vmem>>
        %dma_start3A_389 = arith.constant 0 : i32
        %dma_start3A_390 = arith.constant 0 : i32
        %dma_start3A_391 = tpu.memref_slice %arg10[%dma_start3A_389, %dma_start3A_390] : memref<10000x16xf32, #tpu.memory_space<vmem_shared>> -> memref<10000x16xf32, #tpu.memory_space<vmem_shared>>
        tpu.enqueue_indirect_dma source(%dma_start3A_385 : memref<125x16xf32, #tpu.memory_space<vmem>>) target(%dma_start3A_391 : memref<10000x16xf32, #tpu.memory_space<vmem_shared>>) offsets(%dma_start3A_388 : memref<125xi32, #tpu.memory_space<vmem>>) semaphore(%run_scoped3A_381 : memref<!tpu.dma_semaphore, #tpu.memory_space<semaphore_mem>>) {add = true}
        %dma_wait3A_392 = arith.constant 0 : i32
        %dma_wait3A_393 = arith.constant 0 : i32
        %dma_wait3A_394 = tpu.memref_slice %arg9[%run_scoped3A, %dma_wait3A_392, %dma_wait3A_393] : memref<8x125x16xf32, #tpu.memory_space<vmem>> -> memref<1x125x16xf32, #tpu.memory_space<vmem>>
        %dma_wait3A_395 = tpu.memref_squeeze %dma_wait3A_394 : memref<1x125x16xf32, #tpu.memory_space<vmem>> -> memref<125x16xf32, #tpu.memory_space<vmem>>
        %dma_wait3A_396 = arith.constant 0 : i32
        %dma_wait3A_397 = tpu.memref_slice %arg8[%add3A_146, %dma_wait3A_396] : memref<80x125xi32, #tpu.memory_space<vmem>> -> memref<1x125xi32, #tpu.memory_space<vmem>>
        %dma_wait3A_398 = tpu.memref_squeeze %dma_wait3A_397 : memref<1x125xi32, #tpu.memory_space<vmem>> -> memref<125xi32, #tpu.memory_space<vmem>>
        %dma_wait3A_399 = arith.constant 0 : i32
        %dma_wait3A_400 = arith.constant 0 : i32
        %dma_wait3A_401 = tpu.memref_slice %arg10[%dma_wait3A_399, %dma_wait3A_400] : memref<10000x16xf32, #tpu.memory_space<vmem_shared>> -> memref<10000x16xf32, #tpu.memory_space<vmem_shared>>
        tpu.wait_indirect_dma semaphore(%run_scoped3A_381 : memref<!tpu.dma_semaphore, #tpu.memory_space<semaphore_mem>>) src(%dma_wait3A_395 : memref<125x16xf32, #tpu.memory_space<vmem>>) dst(%dma_wait3A_401 : memref<10000x16xf32, #tpu.memory_space<vmem_shared>>)
        tpu.yield
      }) : () -> ()
      %add3A_164 = arith.constant 8 : i32
      %add3A_165 = arith.addi %add3A_146, %add3A_164 : i32
      %lt3A_166 = arith.constant 80 : i32
      %lt3A_167 = arith.cmpi slt, %add3A_165, %lt3A_166 : i32
      %convert_element_type3A_168 = arith.extui %lt3A_167 : i1 to i32
      %cond3A_169 = arith.constant 0 : i32
      %cond3A_170 = arith.cmpi ne, %convert_element_type3A_168, %cond3A_169 : i32
      scf.if %cond3A_170 {
        %add3A_381 = arith.constant 8 : i32
        %add3A_382 = arith.addi %add3A_146, %add3A_381 : i32
        %dma_start3A_383 = arith.constant 0 : i32
        %dma_start3A_384 = arith.constant 0 : i32
        %dma_start3A_385 = arith.constant 0 : i32
        %dma_start3A_386 = arith.constant 0 : i32
        %dma_start3A_387 = tpu.memref_slice %arg9[%dma_start3A_383, %dma_start3A_385, %dma_start3A_386] : memref<8x125x16xf32, #tpu.memory_space<vmem>> -> memref<1x125x16xf32, #tpu.memory_space<vmem>>
        %dma_start3A_388 = tpu.memref_squeeze %dma_start3A_387 : memref<1x125x16xf32, #tpu.memory_space<vmem>> -> memref<125x16xf32, #tpu.memory_space<vmem>>
        %dma_start3A_389 = arith.constant 0 : i32
        %dma_start3A_390 = tpu.memref_slice %arg7[%add3A_382, %dma_start3A_389] : memref<80x125xi32, #tpu.memory_space<vmem>> -> memref<1x125xi32, #tpu.memory_space<vmem>>
        %dma_start3A_391 = tpu.memref_squeeze %dma_start3A_390 : memref<1x125xi32, #tpu.memory_space<vmem>> -> memref<125xi32, #tpu.memory_space<vmem>>
        %dma_start3A_392 = arith.constant 0 : i32
        %dma_start3A_393 = arith.constant 0 : i32
        %dma_start3A_394 = tpu.memref_slice %arg2[%dma_start3A_392, %dma_start3A_393] : memref<10000x16xf32, #tpu.memory_space<hbm>> -> memref<10000x16xf32, #tpu.memory_space<hbm>>
        %dma_start3A_395 = tpu.memref_slice %arg11[%dma_start3A_384] : memref<8x!tpu.dma_semaphore, #tpu.memory_space<semaphore_mem>> -> memref<1x!tpu.dma_semaphore, #tpu.memory_space<semaphore_mem>>
        %dma_start3A_396 = tpu.memref_squeeze %dma_start3A_395 : memref<1x!tpu.dma_semaphore, #tpu.memory_space<semaphore_mem>> -> memref<!tpu.dma_semaphore, #tpu.memory_space<semaphore_mem>>
        tpu.enqueue_indirect_dma source(%dma_start3A_394 : memref<10000x16xf32, #tpu.memory_space<hbm>>) target(%dma_start3A_388 : memref<125x16xf32, #tpu.memory_space<vmem>>) offsets(%dma_start3A_391 : memref<125xi32, #tpu.memory_space<vmem>>) semaphore(%dma_start3A_396 : memref<!tpu.dma_semaphore, #tpu.memory_space<semaphore_mem>>)
      } else {
      }
      %mul3A_171 = arith.constant 8 : i32
      %mul3A_172 = arith.muli %scan3A_142, %mul3A_171 : i32
      %add3A_173 = arith.constant 1 : i32
      %add3A_174 = arith.addi %mul3A_172, %add3A_173 : i32
      %dma_wait3A_175 = arith.constant 1 : i32
      %dma_wait3A_176 = arith.constant 1 : i32
      %dma_wait3A_177 = arith.constant 0 : i32
      %dma_wait3A_178 = arith.constant 0 : i32
      %dma_wait3A_179 = tpu.memref_slice %arg9[%dma_wait3A_175, %dma_wait3A_177, %dma_wait3A_178] : memref<8x125x16xf32, #tpu.memory_space<vmem>> -> memref<1x125x16xf32, #tpu.memory_space<vmem>>
      %dma_wait3A_180 = tpu.memref_squeeze %dma_wait3A_179 : memref<1x125x16xf32, #tpu.memory_space<vmem>> -> memref<125x16xf32, #tpu.memory_space<vmem>>
      %dma_wait3A_181 = arith.constant 0 : i32
      %dma_wait3A_182 = arith.constant 0 : i32
      %dma_wait3A_183 = tpu.memref_slice %arg2[%dma_wait3A_181, %dma_wait3A_182] : memref<10000x16xf32, #tpu.memory_space<hbm>> -> memref<125x16xf32, #tpu.memory_space<hbm>>
      %dma_wait3A_184 = tpu.memref_slice %arg11[%dma_wait3A_176] : memref<8x!tpu.dma_semaphore, #tpu.memory_space<semaphore_mem>> -> memref<1x!tpu.dma_semaphore, #tpu.memory_space<semaphore_mem>>
      %dma_wait3A_185 = tpu.memref_squeeze %dma_wait3A_184 : memref<1x!tpu.dma_semaphore, #tpu.memory_space<semaphore_mem>> -> memref<!tpu.dma_semaphore, #tpu.memory_space<semaphore_mem>>
      %dma_wait3A_186 = arith.constant 0 : i32
      %dma_wait3A_187 = arith.constant 0 : i32
      %dma_wait3A_188 = tpu.memref_slice %arg9[%dma_wait3A_175, %dma_wait3A_186, %dma_wait3A_187] : memref<8x125x16xf32, #tpu.memory_space<vmem>> -> memref<1x125x16xf32, #tpu.memory_space<vmem>>
      %dma_wait3A_189 = tpu.memref_squeeze %dma_wait3A_188 : memref<1x125x16xf32, #tpu.memory_space<vmem>> -> memref<125x16xf32, #tpu.memory_space<vmem>>
      %dma_wait3A_190 = arith.constant 0 : i32
      %dma_wait3A_191 = arith.constant 0 : i32
      %dma_wait3A_192 = tpu.memref_slice %arg2[%dma_wait3A_190, %dma_wait3A_191] : memref<10000x16xf32, #tpu.memory_space<hbm>> -> memref<125x16xf32, #tpu.memory_space<hbm>>
      tpu.wait_dma2 semaphore(%dma_wait3A_185 : memref<!tpu.dma_semaphore, #tpu.memory_space<semaphore_mem>>) src(%dma_wait3A_192 : memref<125x16xf32, #tpu.memory_space<hbm>>) dst(%dma_wait3A_189 : memref<125x16xf32, #tpu.memory_space<vmem>>)
      %run_scoped3A_193 = arith.constant 1 : i32
      "tpu.region"() ({
        %run_scoped3A_381 = tpu.sem_alloc : memref<!tpu.dma_semaphore, #tpu.memory_space<semaphore_mem>>
        %dma_start3A_382 = arith.constant 0 : i32
        %dma_start3A_383 = arith.constant 0 : i32
        %dma_start3A_384 = tpu.memref_slice %arg9[%run_scoped3A_193, %dma_start3A_382, %dma_start3A_383] : memref<8x125x16xf32, #tpu.memory_space<vmem>> -> memref<1x125x16xf32, #tpu.memory_space<vmem>>
        %dma_start3A_385 = tpu.memref_squeeze %dma_start3A_384 : memref<1x125x16xf32, #tpu.memory_space<vmem>> -> memref<125x16xf32, #tpu.memory_space<vmem>>
        %dma_start3A_386 = arith.constant 0 : i32
        %dma_start3A_387 = tpu.memref_slice %arg8[%add3A_174, %dma_start3A_386] : memref<80x125xi32, #tpu.memory_space<vmem>> -> memref<1x125xi32, #tpu.memory_space<vmem>>
        %dma_start3A_388 = tpu.memref_squeeze %dma_start3A_387 : memref<1x125xi32, #tpu.memory_space<vmem>> -> memref<125xi32, #tpu.memory_space<vmem>>
        %dma_start3A_389 = arith.constant 0 : i32
        %dma_start3A_390 = arith.constant 0 : i32
        %dma_start3A_391 = tpu.memref_slice %arg10[%dma_start3A_389, %dma_start3A_390] : memref<10000x16xf32, #tpu.memory_space<vmem_shared>> -> memref<10000x16xf32, #tpu.memory_space<vmem_shared>>
        tpu.enqueue_indirect_dma source(%dma_start3A_385 : memref<125x16xf32, #tpu.memory_space<vmem>>) target(%dma_start3A_391 : memref<10000x16xf32, #tpu.memory_space<vmem_shared>>) offsets(%dma_start3A_388 : memref<125xi32, #tpu.memory_space<vmem>>) semaphore(%run_scoped3A_381 : memref<!tpu.dma_semaphore, #tpu.memory_space<semaphore_mem>>) {add = true}
        %dma_wait3A_392 = arith.constant 0 : i32
        %dma_wait3A_393 = arith.constant 0 : i32
        %dma_wait3A_394 = tpu.memref_slice %arg9[%run_scoped3A_193, %dma_wait3A_392, %dma_wait3A_393] : memref<8x125x16xf32, #tpu.memory_space<vmem>> -> memref<1x125x16xf32, #tpu.memory_space<vmem>>
        %dma_wait3A_395 = tpu.memref_squeeze %dma_wait3A_394 : memref<1x125x16xf32, #tpu.memory_space<vmem>> -> memref<125x16xf32, #tpu.memory_space<vmem>>
        %dma_wait3A_396 = arith.constant 0 : i32
        %dma_wait3A_397 = tpu.memref_slice %arg8[%add3A_174, %dma_wait3A_396] : memref<80x125xi32, #tpu.memory_space<vmem>> -> memref<1x125xi32, #tpu.memory_space<vmem>>
        %dma_wait3A_398 = tpu.memref_squeeze %dma_wait3A_397 : memref<1x125xi32, #tpu.memory_space<vmem>> -> memref<125xi32, #tpu.memory_space<vmem>>
        %dma_wait3A_399 = arith.constant 0 : i32
        %dma_wait3A_400 = arith.constant 0 : i32
        %dma_wait3A_401 = tpu.memref_slice %arg10[%dma_wait3A_399, %dma_wait3A_400] : memref<10000x16xf32, #tpu.memory_space<vmem_shared>> -> memref<10000x16xf32, #tpu.memory_space<vmem_shared>>
        tpu.wait_indirect_dma semaphore(%run_scoped3A_381 : memref<!tpu.dma_semaphore, #tpu.memory_space<semaphore_mem>>) src(%dma_wait3A_395 : memref<125x16xf32, #tpu.memory_space<vmem>>) dst(%dma_wait3A_401 : memref<10000x16xf32, #tpu.memory_space<vmem_shared>>)
        tpu.yield
      }) : () -> ()
      %add3A_194 = arith.constant 8 : i32
      %add3A_195 = arith.addi %add3A_174, %add3A_194 : i32
      %lt3A_196 = arith.constant 80 : i32
      %lt3A_197 = arith.cmpi slt, %add3A_195, %lt3A_196 : i32
      %convert_element_type3A_198 = arith.extui %lt3A_197 : i1 to i32
      %cond3A_199 = arith.constant 0 : i32
      %cond3A_200 = arith.cmpi ne, %convert_element_type3A_198, %cond3A_199 : i32
      scf.if %cond3A_200 {
        %add3A_381 = arith.constant 8 : i32
        %add3A_382 = arith.addi %add3A_174, %add3A_381 : i32
        %dma_start3A_383 = arith.constant 1 : i32
        %dma_start3A_384 = arith.constant 1 : i32
        %dma_start3A_385 = arith.constant 0 : i32
        %dma_start3A_386 = arith.constant 0 : i32
        %dma_start3A_387 = tpu.memref_slice %arg9[%dma_start3A_383, %dma_start3A_385, %dma_start3A_386] : memref<8x125x16xf32, #tpu.memory_space<vmem>> -> memref<1x125x16xf32, #tpu.memory_space<vmem>>
        %dma_start3A_388 = tpu.memref_squeeze %dma_start3A_387 : memref<1x125x16xf32, #tpu.memory_space<vmem>> -> memref<125x16xf32, #tpu.memory_space<vmem>>
        %dma_start3A_389 = arith.constant 0 : i32
        %dma_start3A_390 = tpu.memref_slice %arg7[%add3A_382, %dma_start3A_389] : memref<80x125xi32, #tpu.memory_space<vmem>> -> memref<1x125xi32, #tpu.memory_space<vmem>>
        %dma_start3A_391 = tpu.memref_squeeze %dma_start3A_390 : memref<1x125xi32, #tpu.memory_space<vmem>> -> memref<125xi32, #tpu.memory_space<vmem>>
        %dma_start3A_392 = arith.constant 0 : i32
        %dma_start3A_393 = arith.constant 0 : i32
        %dma_start3A_394 = tpu.memref_slice %arg2[%dma_start3A_392, %dma_start3A_393] : memref<10000x16xf32, #tpu.memory_space<hbm>> -> memref<10000x16xf32, #tpu.memory_space<hbm>>
        %dma_start3A_395 = tpu.memref_slice %arg11[%dma_start3A_384] : memref<8x!tpu.dma_semaphore, #tpu.memory_space<semaphore_mem>> -> memref<1x!tpu.dma_semaphore, #tpu.memory_space<semaphore_mem>>
        %dma_start3A_396 = tpu.memref_squeeze %dma_start3A_395 : memref<1x!tpu.dma_semaphore, #tpu.memory_space<semaphore_mem>> -> memref<!tpu.dma_semaphore, #tpu.memory_space<semaphore_mem>>
        tpu.enqueue_indirect_dma source(%dma_start3A_394 : memref<10000x16xf32, #tpu.memory_space<hbm>>) target(%dma_start3A_388 : memref<125x16xf32, #tpu.memory_space<vmem>>) offsets(%dma_start3A_391 : memref<125xi32, #tpu.memory_space<vmem>>) semaphore(%dma_start3A_396 : memref<!tpu.dma_semaphore, #tpu.memory_space<semaphore_mem>>)
      } else {
      }
      %mul3A_201 = arith.constant 8 : i32
      %mul3A_202 = arith.muli %scan3A_142, %mul3A_201 : i32
      %add3A_203 = arith.constant 2 : i32
      %add3A_204 = arith.addi %mul3A_202, %add3A_203 : i32
      %dma_wait3A_205 = arith.constant 2 : i32
      %dma_wait3A_206 = arith.constant 2 : i32
      %dma_wait3A_207 = arith.constant 0 : i32
      %dma_wait3A_208 = arith.constant 0 : i32
      %dma_wait3A_209 = tpu.memref_slice %arg9[%dma_wait3A_205, %dma_wait3A_207, %dma_wait3A_208] : memref<8x125x16xf32, #tpu.memory_space<vmem>> -> memref<1x125x16xf32, #tpu.memory_space<vmem>>
      %dma_wait3A_210 = tpu.memref_squeeze %dma_wait3A_209 : memref<1x125x16xf32, #tpu.memory_space<vmem>> -> memref<125x16xf32, #tpu.memory_space<vmem>>
      %dma_wait3A_211 = arith.constant 0 : i32
      %dma_wait3A_212 = arith.constant 0 : i32
      %dma_wait3A_213 = tpu.memref_slice %arg2[%dma_wait3A_211, %dma_wait3A_212] : memref<10000x16xf32, #tpu.memory_space<hbm>> -> memref<125x16xf32, #tpu.memory_space<hbm>>
      %dma_wait3A_214 = tpu.memref_slice %arg11[%dma_wait3A_206] : memref<8x!tpu.dma_semaphore, #tpu.memory_space<semaphore_mem>> -> memref<1x!tpu.dma_semaphore, #tpu.memory_space<semaphore_mem>>
      %dma_wait3A_215 = tpu.memref_squeeze %dma_wait3A_214 : memref<1x!tpu.dma_semaphore, #tpu.memory_space<semaphore_mem>> -> memref<!tpu.dma_semaphore, #tpu.memory_space<semaphore_mem>>
      %dma_wait3A_216 = arith.constant 0 : i32
      %dma_wait3A_217 = arith.constant 0 : i32
      %dma_wait3A_218 = tpu.memref_slice %arg9[%dma_wait3A_205, %dma_wait3A_216, %dma_wait3A_217] : memref<8x125x16xf32, #tpu.memory_space<vmem>> -> memref<1x125x16xf32, #tpu.memory_space<vmem>>
      %dma_wait3A_219 = tpu.memref_squeeze %dma_wait3A_218 : memref<1x125x16xf32, #tpu.memory_space<vmem>> -> memref<125x16xf32, #tpu.memory_space<vmem>>
      %dma_wait3A_220 = arith.constant 0 : i32
      %dma_wait3A_221 = arith.constant 0 : i32
      %dma_wait3A_222 = tpu.memref_slice %arg2[%dma_wait3A_220, %dma_wait3A_221] : memref<10000x16xf32, #tpu.memory_space<hbm>> -> memref<125x16xf32, #tpu.memory_space<hbm>>
      tpu.wait_dma2 semaphore(%dma_wait3A_215 : memref<!tpu.dma_semaphore, #tpu.memory_space<semaphore_mem>>) src(%dma_wait3A_222 : memref<125x16xf32, #tpu.memory_space<hbm>>) dst(%dma_wait3A_219 : memref<125x16xf32, #tpu.memory_space<vmem>>)
      %run_scoped3A_223 = arith.constant 2 : i32
      "tpu.region"() ({
        %run_scoped3A_381 = tpu.sem_alloc : memref<!tpu.dma_semaphore, #tpu.memory_space<semaphore_mem>>
        %dma_start3A_382 = arith.constant 0 : i32
        %dma_start3A_383 = arith.constant 0 : i32
        %dma_start3A_384 = tpu.memref_slice %arg9[%run_scoped3A_223, %dma_start3A_382, %dma_start3A_383] : memref<8x125x16xf32, #tpu.memory_space<vmem>> -> memref<1x125x16xf32, #tpu.memory_space<vmem>>
        %dma_start3A_385 = tpu.memref_squeeze %dma_start3A_384 : memref<1x125x16xf32, #tpu.memory_space<vmem>> -> memref<125x16xf32, #tpu.memory_space<vmem>>
        %dma_start3A_386 = arith.constant 0 : i32
        %dma_start3A_387 = tpu.memref_slice %arg8[%add3A_204, %dma_start3A_386] : memref<80x125xi32, #tpu.memory_space<vmem>> -> memref<1x125xi32, #tpu.memory_space<vmem>>
        %dma_start3A_388 = tpu.memref_squeeze %dma_start3A_387 : memref<1x125xi32, #tpu.memory_space<vmem>> -> memref<125xi32, #tpu.memory_space<vmem>>
        %dma_start3A_389 = arith.constant 0 : i32
        %dma_start3A_390 = arith.constant 0 : i32
        %dma_start3A_391 = tpu.memref_slice %arg10[%dma_start3A_389, %dma_start3A_390] : memref<10000x16xf32, #tpu.memory_space<vmem_shared>> -> memref<10000x16xf32, #tpu.memory_space<vmem_shared>>
        tpu.enqueue_indirect_dma source(%dma_start3A_385 : memref<125x16xf32, #tpu.memory_space<vmem>>) target(%dma_start3A_391 : memref<10000x16xf32, #tpu.memory_space<vmem_shared>>) offsets(%dma_start3A_388 : memref<125xi32, #tpu.memory_space<vmem>>) semaphore(%run_scoped3A_381 : memref<!tpu.dma_semaphore, #tpu.memory_space<semaphore_mem>>) {add = true}
        %dma_wait3A_392 = arith.constant 0 : i32
        %dma_wait3A_393 = arith.constant 0 : i32
        %dma_wait3A_394 = tpu.memref_slice %arg9[%run_scoped3A_223, %dma_wait3A_392, %dma_wait3A_393] : memref<8x125x16xf32, #tpu.memory_space<vmem>> -> memref<1x125x16xf32, #tpu.memory_space<vmem>>
        %dma_wait3A_395 = tpu.memref_squeeze %dma_wait3A_394 : memref<1x125x16xf32, #tpu.memory_space<vmem>> -> memref<125x16xf32, #tpu.memory_space<vmem>>
        %dma_wait3A_396 = arith.constant 0 : i32
        %dma_wait3A_397 = tpu.memref_slice %arg8[%add3A_204, %dma_wait3A_396] : memref<80x125xi32, #tpu.memory_space<vmem>> -> memref<1x125xi32, #tpu.memory_space<vmem>>
        %dma_wait3A_398 = tpu.memref_squeeze %dma_wait3A_397 : memref<1x125xi32, #tpu.memory_space<vmem>> -> memref<125xi32, #tpu.memory_space<vmem>>
        %dma_wait3A_399 = arith.constant 0 : i32
        %dma_wait3A_400 = arith.constant 0 : i32
        %dma_wait3A_401 = tpu.memref_slice %arg10[%dma_wait3A_399, %dma_wait3A_400] : memref<10000x16xf32, #tpu.memory_space<vmem_shared>> -> memref<10000x16xf32, #tpu.memory_space<vmem_shared>>
        tpu.wait_indirect_dma semaphore(%run_scoped3A_381 : memref<!tpu.dma_semaphore, #tpu.memory_space<semaphore_mem>>) src(%dma_wait3A_395 : memref<125x16xf32, #tpu.memory_space<vmem>>) dst(%dma_wait3A_401 : memref<10000x16xf32, #tpu.memory_space<vmem_shared>>)
        tpu.yield
      }) : () -> ()
      %add3A_224 = arith.constant 8 : i32
      %add3A_225 = arith.addi %add3A_204, %add3A_224 : i32
      %lt3A_226 = arith.constant 80 : i32
      %lt3A_227 = arith.cmpi slt, %add3A_225, %lt3A_226 : i32
      %convert_element_type3A_228 = arith.extui %lt3A_227 : i1 to i32
      %cond3A_229 = arith.constant 0 : i32
      %cond3A_230 = arith.cmpi ne, %convert_element_type3A_228, %cond3A_229 : i32
      scf.if %cond3A_230 {
        %add3A_381 = arith.constant 8 : i32
        %add3A_382 = arith.addi %add3A_204, %add3A_381 : i32
        %dma_start3A_383 = arith.constant 2 : i32
        %dma_start3A_384 = arith.constant 2 : i32
        %dma_start3A_385 = arith.constant 0 : i32
        %dma_start3A_386 = arith.constant 0 : i32
        %dma_start3A_387 = tpu.memref_slice %arg9[%dma_start3A_383, %dma_start3A_385, %dma_start3A_386] : memref<8x125x16xf32, #tpu.memory_space<vmem>> -> memref<1x125x16xf32, #tpu.memory_space<vmem>>
        %dma_start3A_388 = tpu.memref_squeeze %dma_start3A_387 : memref<1x125x16xf32, #tpu.memory_space<vmem>> -> memref<125x16xf32, #tpu.memory_space<vmem>>
        %dma_start3A_389 = arith.constant 0 : i32
        %dma_start3A_390 = tpu.memref_slice %arg7[%add3A_382, %dma_start3A_389] : memref<80x125xi32, #tpu.memory_space<vmem>> -> memref<1x125xi32, #tpu.memory_space<vmem>>
        %dma_start3A_391 = tpu.memref_squeeze %dma_start3A_390 : memref<1x125xi32, #tpu.memory_space<vmem>> -> memref<125xi32, #tpu.memory_space<vmem>>
        %dma_start3A_392 = arith.constant 0 : i32
        %dma_start3A_393 = arith.constant 0 : i32
        %dma_start3A_394 = tpu.memref_slice %arg2[%dma_start3A_392, %dma_start3A_393] : memref<10000x16xf32, #tpu.memory_space<hbm>> -> memref<10000x16xf32, #tpu.memory_space<hbm>>
        %dma_start3A_395 = tpu.memref_slice %arg11[%dma_start3A_384] : memref<8x!tpu.dma_semaphore, #tpu.memory_space<semaphore_mem>> -> memref<1x!tpu.dma_semaphore, #tpu.memory_space<semaphore_mem>>
        %dma_start3A_396 = tpu.memref_squeeze %dma_start3A_395 : memref<1x!tpu.dma_semaphore, #tpu.memory_space<semaphore_mem>> -> memref<!tpu.dma_semaphore, #tpu.memory_space<semaphore_mem>>
        tpu.enqueue_indirect_dma source(%dma_start3A_394 : memref<10000x16xf32, #tpu.memory_space<hbm>>) target(%dma_start3A_388 : memref<125x16xf32, #tpu.memory_space<vmem>>) offsets(%dma_start3A_391 : memref<125xi32, #tpu.memory_space<vmem>>) semaphore(%dma_start3A_396 : memref<!tpu.dma_semaphore, #tpu.memory_space<semaphore_mem>>)
      } else {
      }
      %mul3A_231 = arith.constant 8 : i32
      %mul3A_232 = arith.muli %scan3A_142, %mul3A_231 : i32
      %add3A_233 = arith.constant 3 : i32
      %add3A_234 = arith.addi %mul3A_232, %add3A_233 : i32
      %dma_wait3A_235 = arith.constant 3 : i32
      %dma_wait3A_236 = arith.constant 3 : i32
      %dma_wait3A_237 = arith.constant 0 : i32
      %dma_wait3A_238 = arith.constant 0 : i32
      %dma_wait3A_239 = tpu.memref_slice %arg9[%dma_wait3A_235, %dma_wait3A_237, %dma_wait3A_238] : memref<8x125x16xf32, #tpu.memory_space<vmem>> -> memref<1x125x16xf32, #tpu.memory_space<vmem>>
      %dma_wait3A_240 = tpu.memref_squeeze %dma_wait3A_239 : memref<1x125x16xf32, #tpu.memory_space<vmem>> -> memref<125x16xf32, #tpu.memory_space<vmem>>
      %dma_wait3A_241 = arith.constant 0 : i32
      %dma_wait3A_242 = arith.constant 0 : i32
      %dma_wait3A_243 = tpu.memref_slice %arg2[%dma_wait3A_241, %dma_wait3A_242] : memref<10000x16xf32, #tpu.memory_space<hbm>> -> memref<125x16xf32, #tpu.memory_space<hbm>>
      %dma_wait3A_244 = tpu.memref_slice %arg11[%dma_wait3A_236] : memref<8x!tpu.dma_semaphore, #tpu.memory_space<semaphore_mem>> -> memref<1x!tpu.dma_semaphore, #tpu.memory_space<semaphore_mem>>
      %dma_wait3A_245 = tpu.memref_squeeze %dma_wait3A_244 : memref<1x!tpu.dma_semaphore, #tpu.memory_space<semaphore_mem>> -> memref<!tpu.dma_semaphore, #tpu.memory_space<semaphore_mem>>
      %dma_wait3A_246 = arith.constant 0 : i32
      %dma_wait3A_247 = arith.constant 0 : i32
      %dma_wait3A_248 = tpu.memref_slice %arg9[%dma_wait3A_235, %dma_wait3A_246, %dma_wait3A_247] : memref<8x125x16xf32, #tpu.memory_space<vmem>> -> memref<1x125x16xf32, #tpu.memory_space<vmem>>
      %dma_wait3A_249 = tpu.memref_squeeze %dma_wait3A_248 : memref<1x125x16xf32, #tpu.memory_space<vmem>> -> memref<125x16xf32, #tpu.memory_space<vmem>>
      %dma_wait3A_250 = arith.constant 0 : i32
      %dma_wait3A_251 = arith.constant 0 : i32
      %dma_wait3A_252 = tpu.memref_slice %arg2[%dma_wait3A_250, %dma_wait3A_251] : memref<10000x16xf32, #tpu.memory_space<hbm>> -> memref<125x16xf32, #tpu.memory_space<hbm>>
      tpu.wait_dma2 semaphore(%dma_wait3A_245 : memref<!tpu.dma_semaphore, #tpu.memory_space<semaphore_mem>>) src(%dma_wait3A_252 : memref<125x16xf32, #tpu.memory_space<hbm>>) dst(%dma_wait3A_249 : memref<125x16xf32, #tpu.memory_space<vmem>>)
      %run_scoped3A_253 = arith.constant 3 : i32
      "tpu.region"() ({
        %run_scoped3A_381 = tpu.sem_alloc : memref<!tpu.dma_semaphore, #tpu.memory_space<semaphore_mem>>
        %dma_start3A_382 = arith.constant 0 : i32
        %dma_start3A_383 = arith.constant 0 : i32
        %dma_start3A_384 = tpu.memref_slice %arg9[%run_scoped3A_253, %dma_start3A_382, %dma_start3A_383] : memref<8x125x16xf32, #tpu.memory_space<vmem>> -> memref<1x125x16xf32, #tpu.memory_space<vmem>>
        %dma_start3A_385 = tpu.memref_squeeze %dma_start3A_384 : memref<1x125x16xf32, #tpu.memory_space<vmem>> -> memref<125x16xf32, #tpu.memory_space<vmem>>
        %dma_start3A_386 = arith.constant 0 : i32
        %dma_start3A_387 = tpu.memref_slice %arg8[%add3A_234, %dma_start3A_386] : memref<80x125xi32, #tpu.memory_space<vmem>> -> memref<1x125xi32, #tpu.memory_space<vmem>>
        %dma_start3A_388 = tpu.memref_squeeze %dma_start3A_387 : memref<1x125xi32, #tpu.memory_space<vmem>> -> memref<125xi32, #tpu.memory_space<vmem>>
        %dma_start3A_389 = arith.constant 0 : i32
        %dma_start3A_390 = arith.constant 0 : i32
        %dma_start3A_391 = tpu.memref_slice %arg10[%dma_start3A_389, %dma_start3A_390] : memref<10000x16xf32, #tpu.memory_space<vmem_shared>> -> memref<10000x16xf32, #tpu.memory_space<vmem_shared>>
        tpu.enqueue_indirect_dma source(%dma_start3A_385 : memref<125x16xf32, #tpu.memory_space<vmem>>) target(%dma_start3A_391 : memref<10000x16xf32, #tpu.memory_space<vmem_shared>>) offsets(%dma_start3A_388 : memref<125xi32, #tpu.memory_space<vmem>>) semaphore(%run_scoped3A_381 : memref<!tpu.dma_semaphore, #tpu.memory_space<semaphore_mem>>) {add = true}
        %dma_wait3A_392 = arith.constant 0 : i32
        %dma_wait3A_393 = arith.constant 0 : i32
        %dma_wait3A_394 = tpu.memref_slice %arg9[%run_scoped3A_253, %dma_wait3A_392, %dma_wait3A_393] : memref<8x125x16xf32, #tpu.memory_space<vmem>> -> memref<1x125x16xf32, #tpu.memory_space<vmem>>
        %dma_wait3A_395 = tpu.memref_squeeze %dma_wait3A_394 : memref<1x125x16xf32, #tpu.memory_space<vmem>> -> memref<125x16xf32, #tpu.memory_space<vmem>>
        %dma_wait3A_396 = arith.constant 0 : i32
        %dma_wait3A_397 = tpu.memref_slice %arg8[%add3A_234, %dma_wait3A_396] : memref<80x125xi32, #tpu.memory_space<vmem>> -> memref<1x125xi32, #tpu.memory_space<vmem>>
        %dma_wait3A_398 = tpu.memref_squeeze %dma_wait3A_397 : memref<1x125xi32, #tpu.memory_space<vmem>> -> memref<125xi32, #tpu.memory_space<vmem>>
        %dma_wait3A_399 = arith.constant 0 : i32
        %dma_wait3A_400 = arith.constant 0 : i32
        %dma_wait3A_401 = tpu.memref_slice %arg10[%dma_wait3A_399, %dma_wait3A_400] : memref<10000x16xf32, #tpu.memory_space<vmem_shared>> -> memref<10000x16xf32, #tpu.memory_space<vmem_shared>>
        tpu.wait_indirect_dma semaphore(%run_scoped3A_381 : memref<!tpu.dma_semaphore, #tpu.memory_space<semaphore_mem>>) src(%dma_wait3A_395 : memref<125x16xf32, #tpu.memory_space<vmem>>) dst(%dma_wait3A_401 : memref<10000x16xf32, #tpu.memory_space<vmem_shared>>)
        tpu.yield
      }) : () -> ()
      %add3A_254 = arith.constant 8 : i32
      %add3A_255 = arith.addi %add3A_234, %add3A_254 : i32
      %lt3A_256 = arith.constant 80 : i32
      %lt3A_257 = arith.cmpi slt, %add3A_255, %lt3A_256 : i32
      %convert_element_type3A_258 = arith.extui %lt3A_257 : i1 to i32
      %cond3A_259 = arith.constant 0 : i32
      %cond3A_260 = arith.cmpi ne, %convert_element_type3A_258, %cond3A_259 : i32
      scf.if %cond3A_260 {
        %add3A_381 = arith.constant 8 : i32
        %add3A_382 = arith.addi %add3A_234, %add3A_381 : i32
        %dma_start3A_383 = arith.constant 3 : i32
        %dma_start3A_384 = arith.constant 3 : i32
        %dma_start3A_385 = arith.constant 0 : i32
        %dma_start3A_386 = arith.constant 0 : i32
        %dma_start3A_387 = tpu.memref_slice %arg9[%dma_start3A_383, %dma_start3A_385, %dma_start3A_386] : memref<8x125x16xf32, #tpu.memory_space<vmem>> -> memref<1x125x16xf32, #tpu.memory_space<vmem>>
        %dma_start3A_388 = tpu.memref_squeeze %dma_start3A_387 : memref<1x125x16xf32, #tpu.memory_space<vmem>> -> memref<125x16xf32, #tpu.memory_space<vmem>>
        %dma_start3A_389 = arith.constant 0 : i32
        %dma_start3A_390 = tpu.memref_slice %arg7[%add3A_382, %dma_start3A_389] : memref<80x125xi32, #tpu.memory_space<vmem>> -> memref<1x125xi32, #tpu.memory_space<vmem>>
        %dma_start3A_391 = tpu.memref_squeeze %dma_start3A_390 : memref<1x125xi32, #tpu.memory_space<vmem>> -> memref<125xi32, #tpu.memory_space<vmem>>
        %dma_start3A_392 = arith.constant 0 : i32
        %dma_start3A_393 = arith.constant 0 : i32
        %dma_start3A_394 = tpu.memref_slice %arg2[%dma_start3A_392, %dma_start3A_393] : memref<10000x16xf32, #tpu.memory_space<hbm>> -> memref<10000x16xf32, #tpu.memory_space<hbm>>
        %dma_start3A_395 = tpu.memref_slice %arg11[%dma_start3A_384] : memref<8x!tpu.dma_semaphore, #tpu.memory_space<semaphore_mem>> -> memref<1x!tpu.dma_semaphore, #tpu.memory_space<semaphore_mem>>
        %dma_start3A_396 = tpu.memref_squeeze %dma_start3A_395 : memref<1x!tpu.dma_semaphore, #tpu.memory_space<semaphore_mem>> -> memref<!tpu.dma_semaphore, #tpu.memory_space<semaphore_mem>>
        tpu.enqueue_indirect_dma source(%dma_start3A_394 : memref<10000x16xf32, #tpu.memory_space<hbm>>) target(%dma_start3A_388 : memref<125x16xf32, #tpu.memory_space<vmem>>) offsets(%dma_start3A_391 : memref<125xi32, #tpu.memory_space<vmem>>) semaphore(%dma_start3A_396 : memref<!tpu.dma_semaphore, #tpu.memory_space<semaphore_mem>>)
      } else {
      }
      %mul3A_261 = arith.constant 8 : i32
      %mul3A_262 = arith.muli %scan3A_142, %mul3A_261 : i32
      %add3A_263 = arith.constant 4 : i32
      %add3A_264 = arith.addi %mul3A_262, %add3A_263 : i32
      %dma_wait3A_265 = arith.constant 4 : i32
      %dma_wait3A_266 = arith.constant 4 : i32
      %dma_wait3A_267 = arith.constant 0 : i32
      %dma_wait3A_268 = arith.constant 0 : i32
      %dma_wait3A_269 = tpu.memref_slice %arg9[%dma_wait3A_265, %dma_wait3A_267, %dma_wait3A_268] : memref<8x125x16xf32, #tpu.memory_space<vmem>> -> memref<1x125x16xf32, #tpu.memory_space<vmem>>
      %dma_wait3A_270 = tpu.memref_squeeze %dma_wait3A_269 : memref<1x125x16xf32, #tpu.memory_space<vmem>> -> memref<125x16xf32, #tpu.memory_space<vmem>>
      %dma_wait3A_271 = arith.constant 0 : i32
      %dma_wait3A_272 = arith.constant 0 : i32
      %dma_wait3A_273 = tpu.memref_slice %arg2[%dma_wait3A_271, %dma_wait3A_272] : memref<10000x16xf32, #tpu.memory_space<hbm>> -> memref<125x16xf32, #tpu.memory_space<hbm>>
      %dma_wait3A_274 = tpu.memref_slice %arg11[%dma_wait3A_266] : memref<8x!tpu.dma_semaphore, #tpu.memory_space<semaphore_mem>> -> memref<1x!tpu.dma_semaphore, #tpu.memory_space<semaphore_mem>>
      %dma_wait3A_275 = tpu.memref_squeeze %dma_wait3A_274 : memref<1x!tpu.dma_semaphore, #tpu.memory_space<semaphore_mem>> -> memref<!tpu.dma_semaphore, #tpu.memory_space<semaphore_mem>>
      %dma_wait3A_276 = arith.constant 0 : i32
      %dma_wait3A_277 = arith.constant 0 : i32
      %dma_wait3A_278 = tpu.memref_slice %arg9[%dma_wait3A_265, %dma_wait3A_276, %dma_wait3A_277] : memref<8x125x16xf32, #tpu.memory_space<vmem>> -> memref<1x125x16xf32, #tpu.memory_space<vmem>>
      %dma_wait3A_279 = tpu.memref_squeeze %dma_wait3A_278 : memref<1x125x16xf32, #tpu.memory_space<vmem>> -> memref<125x16xf32, #tpu.memory_space<vmem>>
      %dma_wait3A_280 = arith.constant 0 : i32
      %dma_wait3A_281 = arith.constant 0 : i32
      %dma_wait3A_282 = tpu.memref_slice %arg2[%dma_wait3A_280, %dma_wait3A_281] : memref<10000x16xf32, #tpu.memory_space<hbm>> -> memref<125x16xf32, #tpu.memory_space<hbm>>
      tpu.wait_dma2 semaphore(%dma_wait3A_275 : memref<!tpu.dma_semaphore, #tpu.memory_space<semaphore_mem>>) src(%dma_wait3A_282 : memref<125x16xf32, #tpu.memory_space<hbm>>) dst(%dma_wait3A_279 : memref<125x16xf32, #tpu.memory_space<vmem>>)
      %run_scoped3A_283 = arith.constant 4 : i32
      "tpu.region"() ({
        %run_scoped3A_381 = tpu.sem_alloc : memref<!tpu.dma_semaphore, #tpu.memory_space<semaphore_mem>>
        %dma_start3A_382 = arith.constant 0 : i32
        %dma_start3A_383 = arith.constant 0 : i32
        %dma_start3A_384 = tpu.memref_slice %arg9[%run_scoped3A_283, %dma_start3A_382, %dma_start3A_383] : memref<8x125x16xf32, #tpu.memory_space<vmem>> -> memref<1x125x16xf32, #tpu.memory_space<vmem>>
        %dma_start3A_385 = tpu.memref_squeeze %dma_start3A_384 : memref<1x125x16xf32, #tpu.memory_space<vmem>> -> memref<125x16xf32, #tpu.memory_space<vmem>>
        %dma_start3A_386 = arith.constant 0 : i32
        %dma_start3A_387 = tpu.memref_slice %arg8[%add3A_264, %dma_start3A_386] : memref<80x125xi32, #tpu.memory_space<vmem>> -> memref<1x125xi32, #tpu.memory_space<vmem>>
        %dma_start3A_388 = tpu.memref_squeeze %dma_start3A_387 : memref<1x125xi32, #tpu.memory_space<vmem>> -> memref<125xi32, #tpu.memory_space<vmem>>
        %dma_start3A_389 = arith.constant 0 : i32
        %dma_start3A_390 = arith.constant 0 : i32
        %dma_start3A_391 = tpu.memref_slice %arg10[%dma_start3A_389, %dma_start3A_390] : memref<10000x16xf32, #tpu.memory_space<vmem_shared>> -> memref<10000x16xf32, #tpu.memory_space<vmem_shared>>
        tpu.enqueue_indirect_dma source(%dma_start3A_385 : memref<125x16xf32, #tpu.memory_space<vmem>>) target(%dma_start3A_391 : memref<10000x16xf32, #tpu.memory_space<vmem_shared>>) offsets(%dma_start3A_388 : memref<125xi32, #tpu.memory_space<vmem>>) semaphore(%run_scoped3A_381 : memref<!tpu.dma_semaphore, #tpu.memory_space<semaphore_mem>>) {add = true}
        %dma_wait3A_392 = arith.constant 0 : i32
        %dma_wait3A_393 = arith.constant 0 : i32
        %dma_wait3A_394 = tpu.memref_slice %arg9[%run_scoped3A_283, %dma_wait3A_392, %dma_wait3A_393] : memref<8x125x16xf32, #tpu.memory_space<vmem>> -> memref<1x125x16xf32, #tpu.memory_space<vmem>>
        %dma_wait3A_395 = tpu.memref_squeeze %dma_wait3A_394 : memref<1x125x16xf32, #tpu.memory_space<vmem>> -> memref<125x16xf32, #tpu.memory_space<vmem>>
        %dma_wait3A_396 = arith.constant 0 : i32
        %dma_wait3A_397 = tpu.memref_slice %arg8[%add3A_264, %dma_wait3A_396] : memref<80x125xi32, #tpu.memory_space<vmem>> -> memref<1x125xi32, #tpu.memory_space<vmem>>
        %dma_wait3A_398 = tpu.memref_squeeze %dma_wait3A_397 : memref<1x125xi32, #tpu.memory_space<vmem>> -> memref<125xi32, #tpu.memory_space<vmem>>
        %dma_wait3A_399 = arith.constant 0 : i32
        %dma_wait3A_400 = arith.constant 0 : i32
        %dma_wait3A_401 = tpu.memref_slice %arg10[%dma_wait3A_399, %dma_wait3A_400] : memref<10000x16xf32, #tpu.memory_space<vmem_shared>> -> memref<10000x16xf32, #tpu.memory_space<vmem_shared>>
        tpu.wait_indirect_dma semaphore(%run_scoped3A_381 : memref<!tpu.dma_semaphore, #tpu.memory_space<semaphore_mem>>) src(%dma_wait3A_395 : memref<125x16xf32, #tpu.memory_space<vmem>>) dst(%dma_wait3A_401 : memref<10000x16xf32, #tpu.memory_space<vmem_shared>>)
        tpu.yield
      }) : () -> ()
      %add3A_284 = arith.constant 8 : i32
      %add3A_285 = arith.addi %add3A_264, %add3A_284 : i32
      %lt3A_286 = arith.constant 80 : i32
      %lt3A_287 = arith.cmpi slt, %add3A_285, %lt3A_286 : i32
      %convert_element_type3A_288 = arith.extui %lt3A_287 : i1 to i32
      %cond3A_289 = arith.constant 0 : i32
      %cond3A_290 = arith.cmpi ne, %convert_element_type3A_288, %cond3A_289 : i32
      scf.if %cond3A_290 {
        %add3A_381 = arith.constant 8 : i32
        %add3A_382 = arith.addi %add3A_264, %add3A_381 : i32
        %dma_start3A_383 = arith.constant 4 : i32
        %dma_start3A_384 = arith.constant 4 : i32
        %dma_start3A_385 = arith.constant 0 : i32
        %dma_start3A_386 = arith.constant 0 : i32
        %dma_start3A_387 = tpu.memref_slice %arg9[%dma_start3A_383, %dma_start3A_385, %dma_start3A_386] : memref<8x125x16xf32, #tpu.memory_space<vmem>> -> memref<1x125x16xf32, #tpu.memory_space<vmem>>
        %dma_start3A_388 = tpu.memref_squeeze %dma_start3A_387 : memref<1x125x16xf32, #tpu.memory_space<vmem>> -> memref<125x16xf32, #tpu.memory_space<vmem>>
        %dma_start3A_389 = arith.constant 0 : i32
        %dma_start3A_390 = tpu.memref_slice %arg7[%add3A_382, %dma_start3A_389] : memref<80x125xi32, #tpu.memory_space<vmem>> -> memref<1x125xi32, #tpu.memory_space<vmem>>
        %dma_start3A_391 = tpu.memref_squeeze %dma_start3A_390 : memref<1x125xi32, #tpu.memory_space<vmem>> -> memref<125xi32, #tpu.memory_space<vmem>>
        %dma_start3A_392 = arith.constant 0 : i32
        %dma_start3A_393 = arith.constant 0 : i32
        %dma_start3A_394 = tpu.memref_slice %arg2[%dma_start3A_392, %dma_start3A_393] : memref<10000x16xf32, #tpu.memory_space<hbm>> -> memref<10000x16xf32, #tpu.memory_space<hbm>>
        %dma_start3A_395 = tpu.memref_slice %arg11[%dma_start3A_384] : memref<8x!tpu.dma_semaphore, #tpu.memory_space<semaphore_mem>> -> memref<1x!tpu.dma_semaphore, #tpu.memory_space<semaphore_mem>>
        %dma_start3A_396 = tpu.memref_squeeze %dma_start3A_395 : memref<1x!tpu.dma_semaphore, #tpu.memory_space<semaphore_mem>> -> memref<!tpu.dma_semaphore, #tpu.memory_space<semaphore_mem>>
        tpu.enqueue_indirect_dma source(%dma_start3A_394 : memref<10000x16xf32, #tpu.memory_space<hbm>>) target(%dma_start3A_388 : memref<125x16xf32, #tpu.memory_space<vmem>>) offsets(%dma_start3A_391 : memref<125xi32, #tpu.memory_space<vmem>>) semaphore(%dma_start3A_396 : memref<!tpu.dma_semaphore, #tpu.memory_space<semaphore_mem>>)
      } else {
      }
      %mul3A_291 = arith.constant 8 : i32
      %mul3A_292 = arith.muli %scan3A_142, %mul3A_291 : i32
      %add3A_293 = arith.constant 5 : i32
      %add3A_294 = arith.addi %mul3A_292, %add3A_293 : i32
      %dma_wait3A_295 = arith.constant 5 : i32
      %dma_wait3A_296 = arith.constant 5 : i32
      %dma_wait3A_297 = arith.constant 0 : i32
      %dma_wait3A_298 = arith.constant 0 : i32
      %dma_wait3A_299 = tpu.memref_slice %arg9[%dma_wait3A_295, %dma_wait3A_297, %dma_wait3A_298] : memref<8x125x16xf32, #tpu.memory_space<vmem>> -> memref<1x125x16xf32, #tpu.memory_space<vmem>>
      %dma_wait3A_300 = tpu.memref_squeeze %dma_wait3A_299 : memref<1x125x16xf32, #tpu.memory_space<vmem>> -> memref<125x16xf32, #tpu.memory_space<vmem>>
      %dma_wait3A_301 = arith.constant 0 : i32
      %dma_wait3A_302 = arith.constant 0 : i32
      %dma_wait3A_303 = tpu.memref_slice %arg2[%dma_wait3A_301, %dma_wait3A_302] : memref<10000x16xf32, #tpu.memory_space<hbm>> -> memref<125x16xf32, #tpu.memory_space<hbm>>
      %dma_wait3A_304 = tpu.memref_slice %arg11[%dma_wait3A_296] : memref<8x!tpu.dma_semaphore, #tpu.memory_space<semaphore_mem>> -> memref<1x!tpu.dma_semaphore, #tpu.memory_space<semaphore_mem>>
      %dma_wait3A_305 = tpu.memref_squeeze %dma_wait3A_304 : memref<1x!tpu.dma_semaphore, #tpu.memory_space<semaphore_mem>> -> memref<!tpu.dma_semaphore, #tpu.memory_space<semaphore_mem>>
      %dma_wait3A_306 = arith.constant 0 : i32
      %dma_wait3A_307 = arith.constant 0 : i32
      %dma_wait3A_308 = tpu.memref_slice %arg9[%dma_wait3A_295, %dma_wait3A_306, %dma_wait3A_307] : memref<8x125x16xf32, #tpu.memory_space<vmem>> -> memref<1x125x16xf32, #tpu.memory_space<vmem>>
      %dma_wait3A_309 = tpu.memref_squeeze %dma_wait3A_308 : memref<1x125x16xf32, #tpu.memory_space<vmem>> -> memref<125x16xf32, #tpu.memory_space<vmem>>
      %dma_wait3A_310 = arith.constant 0 : i32
      %dma_wait3A_311 = arith.constant 0 : i32
      %dma_wait3A_312 = tpu.memref_slice %arg2[%dma_wait3A_310, %dma_wait3A_311] : memref<10000x16xf32, #tpu.memory_space<hbm>> -> memref<125x16xf32, #tpu.memory_space<hbm>>
      tpu.wait_dma2 semaphore(%dma_wait3A_305 : memref<!tpu.dma_semaphore, #tpu.memory_space<semaphore_mem>>) src(%dma_wait3A_312 : memref<125x16xf32, #tpu.memory_space<hbm>>) dst(%dma_wait3A_309 : memref<125x16xf32, #tpu.memory_space<vmem>>)
      %run_scoped3A_313 = arith.constant 5 : i32
      "tpu.region"() ({
        %run_scoped3A_381 = tpu.sem_alloc : memref<!tpu.dma_semaphore, #tpu.memory_space<semaphore_mem>>
        %dma_start3A_382 = arith.constant 0 : i32
        %dma_start3A_383 = arith.constant 0 : i32
        %dma_start3A_384 = tpu.memref_slice %arg9[%run_scoped3A_313, %dma_start3A_382, %dma_start3A_383] : memref<8x125x16xf32, #tpu.memory_space<vmem>> -> memref<1x125x16xf32, #tpu.memory_space<vmem>>
        %dma_start3A_385 = tpu.memref_squeeze %dma_start3A_384 : memref<1x125x16xf32, #tpu.memory_space<vmem>> -> memref<125x16xf32, #tpu.memory_space<vmem>>
        %dma_start3A_386 = arith.constant 0 : i32
        %dma_start3A_387 = tpu.memref_slice %arg8[%add3A_294, %dma_start3A_386] : memref<80x125xi32, #tpu.memory_space<vmem>> -> memref<1x125xi32, #tpu.memory_space<vmem>>
        %dma_start3A_388 = tpu.memref_squeeze %dma_start3A_387 : memref<1x125xi32, #tpu.memory_space<vmem>> -> memref<125xi32, #tpu.memory_space<vmem>>
        %dma_start3A_389 = arith.constant 0 : i32
        %dma_start3A_390 = arith.constant 0 : i32
        %dma_start3A_391 = tpu.memref_slice %arg10[%dma_start3A_389, %dma_start3A_390] : memref<10000x16xf32, #tpu.memory_space<vmem_shared>> -> memref<10000x16xf32, #tpu.memory_space<vmem_shared>>
        tpu.enqueue_indirect_dma source(%dma_start3A_385 : memref<125x16xf32, #tpu.memory_space<vmem>>) target(%dma_start3A_391 : memref<10000x16xf32, #tpu.memory_space<vmem_shared>>) offsets(%dma_start3A_388 : memref<125xi32, #tpu.memory_space<vmem>>) semaphore(%run_scoped3A_381 : memref<!tpu.dma_semaphore, #tpu.memory_space<semaphore_mem>>) {add = true}
        %dma_wait3A_392 = arith.constant 0 : i32
        %dma_wait3A_393 = arith.constant 0 : i32
        %dma_wait3A_394 = tpu.memref_slice %arg9[%run_scoped3A_313, %dma_wait3A_392, %dma_wait3A_393] : memref<8x125x16xf32, #tpu.memory_space<vmem>> -> memref<1x125x16xf32, #tpu.memory_space<vmem>>
        %dma_wait3A_395 = tpu.memref_squeeze %dma_wait3A_394 : memref<1x125x16xf32, #tpu.memory_space<vmem>> -> memref<125x16xf32, #tpu.memory_space<vmem>>
        %dma_wait3A_396 = arith.constant 0 : i32
        %dma_wait3A_397 = tpu.memref_slice %arg8[%add3A_294, %dma_wait3A_396] : memref<80x125xi32, #tpu.memory_space<vmem>> -> memref<1x125xi32, #tpu.memory_space<vmem>>
        %dma_wait3A_398 = tpu.memref_squeeze %dma_wait3A_397 : memref<1x125xi32, #tpu.memory_space<vmem>> -> memref<125xi32, #tpu.memory_space<vmem>>
        %dma_wait3A_399 = arith.constant 0 : i32
        %dma_wait3A_400 = arith.constant 0 : i32
        %dma_wait3A_401 = tpu.memref_slice %arg10[%dma_wait3A_399, %dma_wait3A_400] : memref<10000x16xf32, #tpu.memory_space<vmem_shared>> -> memref<10000x16xf32, #tpu.memory_space<vmem_shared>>
        tpu.wait_indirect_dma semaphore(%run_scoped3A_381 : memref<!tpu.dma_semaphore, #tpu.memory_space<semaphore_mem>>) src(%dma_wait3A_395 : memref<125x16xf32, #tpu.memory_space<vmem>>) dst(%dma_wait3A_401 : memref<10000x16xf32, #tpu.memory_space<vmem_shared>>)
        tpu.yield
      }) : () -> ()
      %add3A_314 = arith.constant 8 : i32
      %add3A_315 = arith.addi %add3A_294, %add3A_314 : i32
      %lt3A_316 = arith.constant 80 : i32
      %lt3A_317 = arith.cmpi slt, %add3A_315, %lt3A_316 : i32
      %convert_element_type3A_318 = arith.extui %lt3A_317 : i1 to i32
      %cond3A_319 = arith.constant 0 : i32
      %cond3A_320 = arith.cmpi ne, %convert_element_type3A_318, %cond3A_319 : i32
      scf.if %cond3A_320 {
        %add3A_381 = arith.constant 8 : i32
        %add3A_382 = arith.addi %add3A_294, %add3A_381 : i32
        %dma_start3A_383 = arith.constant 5 : i32
        %dma_start3A_384 = arith.constant 5 : i32
        %dma_start3A_385 = arith.constant 0 : i32
        %dma_start3A_386 = arith.constant 0 : i32
        %dma_start3A_387 = tpu.memref_slice %arg9[%dma_start3A_383, %dma_start3A_385, %dma_start3A_386] : memref<8x125x16xf32, #tpu.memory_space<vmem>> -> memref<1x125x16xf32, #tpu.memory_space<vmem>>
        %dma_start3A_388 = tpu.memref_squeeze %dma_start3A_387 : memref<1x125x16xf32, #tpu.memory_space<vmem>> -> memref<125x16xf32, #tpu.memory_space<vmem>>
        %dma_start3A_389 = arith.constant 0 : i32
        %dma_start3A_390 = tpu.memref_slice %arg7[%add3A_382, %dma_start3A_389] : memref<80x125xi32, #tpu.memory_space<vmem>> -> memref<1x125xi32, #tpu.memory_space<vmem>>
        %dma_start3A_391 = tpu.memref_squeeze %dma_start3A_390 : memref<1x125xi32, #tpu.memory_space<vmem>> -> memref<125xi32, #tpu.memory_space<vmem>>
        %dma_start3A_392 = arith.constant 0 : i32
        %dma_start3A_393 = arith.constant 0 : i32
        %dma_start3A_394 = tpu.memref_slice %arg2[%dma_start3A_392, %dma_start3A_393] : memref<10000x16xf32, #tpu.memory_space<hbm>> -> memref<10000x16xf32, #tpu.memory_space<hbm>>
        %dma_start3A_395 = tpu.memref_slice %arg11[%dma_start3A_384] : memref<8x!tpu.dma_semaphore, #tpu.memory_space<semaphore_mem>> -> memref<1x!tpu.dma_semaphore, #tpu.memory_space<semaphore_mem>>
        %dma_start3A_396 = tpu.memref_squeeze %dma_start3A_395 : memref<1x!tpu.dma_semaphore, #tpu.memory_space<semaphore_mem>> -> memref<!tpu.dma_semaphore, #tpu.memory_space<semaphore_mem>>
        tpu.enqueue_indirect_dma source(%dma_start3A_394 : memref<10000x16xf32, #tpu.memory_space<hbm>>) target(%dma_start3A_388 : memref<125x16xf32, #tpu.memory_space<vmem>>) offsets(%dma_start3A_391 : memref<125xi32, #tpu.memory_space<vmem>>) semaphore(%dma_start3A_396 : memref<!tpu.dma_semaphore, #tpu.memory_space<semaphore_mem>>)
      } else {
      }
      %mul3A_321 = arith.constant 8 : i32
      %mul3A_322 = arith.muli %scan3A_142, %mul3A_321 : i32
      %add3A_323 = arith.constant 6 : i32
      %add3A_324 = arith.addi %mul3A_322, %add3A_323 : i32
      %dma_wait3A_325 = arith.constant 6 : i32
      %dma_wait3A_326 = arith.constant 6 : i32
      %dma_wait3A_327 = arith.constant 0 : i32
      %dma_wait3A_328 = arith.constant 0 : i32
      %dma_wait3A_329 = tpu.memref_slice %arg9[%dma_wait3A_325, %dma_wait3A_327, %dma_wait3A_328] : memref<8x125x16xf32, #tpu.memory_space<vmem>> -> memref<1x125x16xf32, #tpu.memory_space<vmem>>
      %dma_wait3A_330 = tpu.memref_squeeze %dma_wait3A_329 : memref<1x125x16xf32, #tpu.memory_space<vmem>> -> memref<125x16xf32, #tpu.memory_space<vmem>>
      %dma_wait3A_331 = arith.constant 0 : i32
      %dma_wait3A_332 = arith.constant 0 : i32
      %dma_wait3A_333 = tpu.memref_slice %arg2[%dma_wait3A_331, %dma_wait3A_332] : memref<10000x16xf32, #tpu.memory_space<hbm>> -> memref<125x16xf32, #tpu.memory_space<hbm>>
      %dma_wait3A_334 = tpu.memref_slice %arg11[%dma_wait3A_326] : memref<8x!tpu.dma_semaphore, #tpu.memory_space<semaphore_mem>> -> memref<1x!tpu.dma_semaphore, #tpu.memory_space<semaphore_mem>>
      %dma_wait3A_335 = tpu.memref_squeeze %dma_wait3A_334 : memref<1x!tpu.dma_semaphore, #tpu.memory_space<semaphore_mem>> -> memref<!tpu.dma_semaphore, #tpu.memory_space<semaphore_mem>>
      %dma_wait3A_336 = arith.constant 0 : i32
      %dma_wait3A_337 = arith.constant 0 : i32
      %dma_wait3A_338 = tpu.memref_slice %arg9[%dma_wait3A_325, %dma_wait3A_336, %dma_wait3A_337] : memref<8x125x16xf32, #tpu.memory_space<vmem>> -> memref<1x125x16xf32, #tpu.memory_space<vmem>>
      %dma_wait3A_339 = tpu.memref_squeeze %dma_wait3A_338 : memref<1x125x16xf32, #tpu.memory_space<vmem>> -> memref<125x16xf32, #tpu.memory_space<vmem>>
      %dma_wait3A_340 = arith.constant 0 : i32
      %dma_wait3A_341 = arith.constant 0 : i32
      %dma_wait3A_342 = tpu.memref_slice %arg2[%dma_wait3A_340, %dma_wait3A_341] : memref<10000x16xf32, #tpu.memory_space<hbm>> -> memref<125x16xf32, #tpu.memory_space<hbm>>
      tpu.wait_dma2 semaphore(%dma_wait3A_335 : memref<!tpu.dma_semaphore, #tpu.memory_space<semaphore_mem>>) src(%dma_wait3A_342 : memref<125x16xf32, #tpu.memory_space<hbm>>) dst(%dma_wait3A_339 : memref<125x16xf32, #tpu.memory_space<vmem>>)
      %run_scoped3A_343 = arith.constant 6 : i32
      "tpu.region"() ({
        %run_scoped3A_381 = tpu.sem_alloc : memref<!tpu.dma_semaphore, #tpu.memory_space<semaphore_mem>>
        %dma_start3A_382 = arith.constant 0 : i32
        %dma_start3A_383 = arith.constant 0 : i32
        %dma_start3A_384 = tpu.memref_slice %arg9[%run_scoped3A_343, %dma_start3A_382, %dma_start3A_383] : memref<8x125x16xf32, #tpu.memory_space<vmem>> -> memref<1x125x16xf32, #tpu.memory_space<vmem>>
        %dma_start3A_385 = tpu.memref_squeeze %dma_start3A_384 : memref<1x125x16xf32, #tpu.memory_space<vmem>> -> memref<125x16xf32, #tpu.memory_space<vmem>>
        %dma_start3A_386 = arith.constant 0 : i32
        %dma_start3A_387 = tpu.memref_slice %arg8[%add3A_324, %dma_start3A_386] : memref<80x125xi32, #tpu.memory_space<vmem>> -> memref<1x125xi32, #tpu.memory_space<vmem>>
        %dma_start3A_388 = tpu.memref_squeeze %dma_start3A_387 : memref<1x125xi32, #tpu.memory_space<vmem>> -> memref<125xi32, #tpu.memory_space<vmem>>
        %dma_start3A_389 = arith.constant 0 : i32
        %dma_start3A_390 = arith.constant 0 : i32
        %dma_start3A_391 = tpu.memref_slice %arg10[%dma_start3A_389, %dma_start3A_390] : memref<10000x16xf32, #tpu.memory_space<vmem_shared>> -> memref<10000x16xf32, #tpu.memory_space<vmem_shared>>
        tpu.enqueue_indirect_dma source(%dma_start3A_385 : memref<125x16xf32, #tpu.memory_space<vmem>>) target(%dma_start3A_391 : memref<10000x16xf32, #tpu.memory_space<vmem_shared>>) offsets(%dma_start3A_388 : memref<125xi32, #tpu.memory_space<vmem>>) semaphore(%run_scoped3A_381 : memref<!tpu.dma_semaphore, #tpu.memory_space<semaphore_mem>>) {add = true}
        %dma_wait3A_392 = arith.constant 0 : i32
        %dma_wait3A_393 = arith.constant 0 : i32
        %dma_wait3A_394 = tpu.memref_slice %arg9[%run_scoped3A_343, %dma_wait3A_392, %dma_wait3A_393] : memref<8x125x16xf32, #tpu.memory_space<vmem>> -> memref<1x125x16xf32, #tpu.memory_space<vmem>>
        %dma_wait3A_395 = tpu.memref_squeeze %dma_wait3A_394 : memref<1x125x16xf32, #tpu.memory_space<vmem>> -> memref<125x16xf32, #tpu.memory_space<vmem>>
        %dma_wait3A_396 = arith.constant 0 : i32
        %dma_wait3A_397 = tpu.memref_slice %arg8[%add3A_324, %dma_wait3A_396] : memref<80x125xi32, #tpu.memory_space<vmem>> -> memref<1x125xi32, #tpu.memory_space<vmem>>
        %dma_wait3A_398 = tpu.memref_squeeze %dma_wait3A_397 : memref<1x125xi32, #tpu.memory_space<vmem>> -> memref<125xi32, #tpu.memory_space<vmem>>
        %dma_wait3A_399 = arith.constant 0 : i32
        %dma_wait3A_400 = arith.constant 0 : i32
        %dma_wait3A_401 = tpu.memref_slice %arg10[%dma_wait3A_399, %dma_wait3A_400] : memref<10000x16xf32, #tpu.memory_space<vmem_shared>> -> memref<10000x16xf32, #tpu.memory_space<vmem_shared>>
        tpu.wait_indirect_dma semaphore(%run_scoped3A_381 : memref<!tpu.dma_semaphore, #tpu.memory_space<semaphore_mem>>) src(%dma_wait3A_395 : memref<125x16xf32, #tpu.memory_space<vmem>>) dst(%dma_wait3A_401 : memref<10000x16xf32, #tpu.memory_space<vmem_shared>>)
        tpu.yield
      }) : () -> ()
      %add3A_344 = arith.constant 8 : i32
      %add3A_345 = arith.addi %add3A_324, %add3A_344 : i32
      %lt3A_346 = arith.constant 80 : i32
      %lt3A_347 = arith.cmpi slt, %add3A_345, %lt3A_346 : i32
      %convert_element_type3A_348 = arith.extui %lt3A_347 : i1 to i32
      %cond3A_349 = arith.constant 0 : i32
      %cond3A_350 = arith.cmpi ne, %convert_element_type3A_348, %cond3A_349 : i32
      scf.if %cond3A_350 {
        %add3A_381 = arith.constant 8 : i32
        %add3A_382 = arith.addi %add3A_324, %add3A_381 : i32
        %dma_start3A_383 = arith.constant 6 : i32
        %dma_start3A_384 = arith.constant 6 : i32
        %dma_start3A_385 = arith.constant 0 : i32
        %dma_start3A_386 = arith.constant 0 : i32
        %dma_start3A_387 = tpu.memref_slice %arg9[%dma_start3A_383, %dma_start3A_385, %dma_start3A_386] : memref<8x125x16xf32, #tpu.memory_space<vmem>> -> memref<1x125x16xf32, #tpu.memory_space<vmem>>
        %dma_start3A_388 = tpu.memref_squeeze %dma_start3A_387 : memref<1x125x16xf32, #tpu.memory_space<vmem>> -> memref<125x16xf32, #tpu.memory_space<vmem>>
        %dma_start3A_389 = arith.constant 0 : i32
        %dma_start3A_390 = tpu.memref_slice %arg7[%add3A_382, %dma_start3A_389] : memref<80x125xi32, #tpu.memory_space<vmem>> -> memref<1x125xi32, #tpu.memory_space<vmem>>
        %dma_start3A_391 = tpu.memref_squeeze %dma_start3A_390 : memref<1x125xi32, #tpu.memory_space<vmem>> -> memref<125xi32, #tpu.memory_space<vmem>>
        %dma_start3A_392 = arith.constant 0 : i32
        %dma_start3A_393 = arith.constant 0 : i32
        %dma_start3A_394 = tpu.memref_slice %arg2[%dma_start3A_392, %dma_start3A_393] : memref<10000x16xf32, #tpu.memory_space<hbm>> -> memref<10000x16xf32, #tpu.memory_space<hbm>>
        %dma_start3A_395 = tpu.memref_slice %arg11[%dma_start3A_384] : memref<8x!tpu.dma_semaphore, #tpu.memory_space<semaphore_mem>> -> memref<1x!tpu.dma_semaphore, #tpu.memory_space<semaphore_mem>>
        %dma_start3A_396 = tpu.memref_squeeze %dma_start3A_395 : memref<1x!tpu.dma_semaphore, #tpu.memory_space<semaphore_mem>> -> memref<!tpu.dma_semaphore, #tpu.memory_space<semaphore_mem>>
        tpu.enqueue_indirect_dma source(%dma_start3A_394 : memref<10000x16xf32, #tpu.memory_space<hbm>>) target(%dma_start3A_388 : memref<125x16xf32, #tpu.memory_space<vmem>>) offsets(%dma_start3A_391 : memref<125xi32, #tpu.memory_space<vmem>>) semaphore(%dma_start3A_396 : memref<!tpu.dma_semaphore, #tpu.memory_space<semaphore_mem>>)
      } else {
      }
      %mul3A_351 = arith.constant 8 : i32
      %mul3A_352 = arith.muli %scan3A_142, %mul3A_351 : i32
      %add3A_353 = arith.constant 7 : i32
      %add3A_354 = arith.addi %mul3A_352, %add3A_353 : i32
      %dma_wait3A_355 = arith.constant 7 : i32
      %dma_wait3A_356 = arith.constant 7 : i32
      %dma_wait3A_357 = arith.constant 0 : i32
      %dma_wait3A_358 = arith.constant 0 : i32
      %dma_wait3A_359 = tpu.memref_slice %arg9[%dma_wait3A_355, %dma_wait3A_357, %dma_wait3A_358] : memref<8x125x16xf32, #tpu.memory_space<vmem>> -> memref<1x125x16xf32, #tpu.memory_space<vmem>>
      %dma_wait3A_360 = tpu.memref_squeeze %dma_wait3A_359 : memref<1x125x16xf32, #tpu.memory_space<vmem>> -> memref<125x16xf32, #tpu.memory_space<vmem>>
      %dma_wait3A_361 = arith.constant 0 : i32
      %dma_wait3A_362 = arith.constant 0 : i32
      %dma_wait3A_363 = tpu.memref_slice %arg2[%dma_wait3A_361, %dma_wait3A_362] : memref<10000x16xf32, #tpu.memory_space<hbm>> -> memref<125x16xf32, #tpu.memory_space<hbm>>
      %dma_wait3A_364 = tpu.memref_slice %arg11[%dma_wait3A_356] : memref<8x!tpu.dma_semaphore, #tpu.memory_space<semaphore_mem>> -> memref<1x!tpu.dma_semaphore, #tpu.memory_space<semaphore_mem>>
      %dma_wait3A_365 = tpu.memref_squeeze %dma_wait3A_364 : memref<1x!tpu.dma_semaphore, #tpu.memory_space<semaphore_mem>> -> memref<!tpu.dma_semaphore, #tpu.memory_space<semaphore_mem>>
      %dma_wait3A_366 = arith.constant 0 : i32
      %dma_wait3A_367 = arith.constant 0 : i32
      %dma_wait3A_368 = tpu.memref_slice %arg9[%dma_wait3A_355, %dma_wait3A_366, %dma_wait3A_367] : memref<8x125x16xf32, #tpu.memory_space<vmem>> -> memref<1x125x16xf32, #tpu.memory_space<vmem>>
      %dma_wait3A_369 = tpu.memref_squeeze %dma_wait3A_368 : memref<1x125x16xf32, #tpu.memory_space<vmem>> -> memref<125x16xf32, #tpu.memory_space<vmem>>
      %dma_wait3A_370 = arith.constant 0 : i32
      %dma_wait3A_371 = arith.constant 0 : i32
      %dma_wait3A_372 = tpu.memref_slice %arg2[%dma_wait3A_370, %dma_wait3A_371] : memref<10000x16xf32, #tpu.memory_space<hbm>> -> memref<125x16xf32, #tpu.memory_space<hbm>>
      tpu.wait_dma2 semaphore(%dma_wait3A_365 : memref<!tpu.dma_semaphore, #tpu.memory_space<semaphore_mem>>) src(%dma_wait3A_372 : memref<125x16xf32, #tpu.memory_space<hbm>>) dst(%dma_wait3A_369 : memref<125x16xf32, #tpu.memory_space<vmem>>)
      %run_scoped3A_373 = arith.constant 7 : i32
      "tpu.region"() ({
        %run_scoped3A_381 = tpu.sem_alloc : memref<!tpu.dma_semaphore, #tpu.memory_space<semaphore_mem>>
        %dma_start3A_382 = arith.constant 0 : i32
        %dma_start3A_383 = arith.constant 0 : i32
        %dma_start3A_384 = tpu.memref_slice %arg9[%run_scoped3A_373, %dma_start3A_382, %dma_start3A_383] : memref<8x125x16xf32, #tpu.memory_space<vmem>> -> memref<1x125x16xf32, #tpu.memory_space<vmem>>
        %dma_start3A_385 = tpu.memref_squeeze %dma_start3A_384 : memref<1x125x16xf32, #tpu.memory_space<vmem>> -> memref<125x16xf32, #tpu.memory_space<vmem>>
        %dma_start3A_386 = arith.constant 0 : i32
        %dma_start3A_387 = tpu.memref_slice %arg8[%add3A_354, %dma_start3A_386] : memref<80x125xi32, #tpu.memory_space<vmem>> -> memref<1x125xi32, #tpu.memory_space<vmem>>
        %dma_start3A_388 = tpu.memref_squeeze %dma_start3A_387 : memref<1x125xi32, #tpu.memory_space<vmem>> -> memref<125xi32, #tpu.memory_space<vmem>>
        %dma_start3A_389 = arith.constant 0 : i32
        %dma_start3A_390 = arith.constant 0 : i32
        %dma_start3A_391 = tpu.memref_slice %arg10[%dma_start3A_389, %dma_start3A_390] : memref<10000x16xf32, #tpu.memory_space<vmem_shared>> -> memref<10000x16xf32, #tpu.memory_space<vmem_shared>>
        tpu.enqueue_indirect_dma source(%dma_start3A_385 : memref<125x16xf32, #tpu.memory_space<vmem>>) target(%dma_start3A_391 : memref<10000x16xf32, #tpu.memory_space<vmem_shared>>) offsets(%dma_start3A_388 : memref<125xi32, #tpu.memory_space<vmem>>) semaphore(%run_scoped3A_381 : memref<!tpu.dma_semaphore, #tpu.memory_space<semaphore_mem>>) {add = true}
        %dma_wait3A_392 = arith.constant 0 : i32
        %dma_wait3A_393 = arith.constant 0 : i32
        %dma_wait3A_394 = tpu.memref_slice %arg9[%run_scoped3A_373, %dma_wait3A_392, %dma_wait3A_393] : memref<8x125x16xf32, #tpu.memory_space<vmem>> -> memref<1x125x16xf32, #tpu.memory_space<vmem>>
        %dma_wait3A_395 = tpu.memref_squeeze %dma_wait3A_394 : memref<1x125x16xf32, #tpu.memory_space<vmem>> -> memref<125x16xf32, #tpu.memory_space<vmem>>
        %dma_wait3A_396 = arith.constant 0 : i32
        %dma_wait3A_397 = tpu.memref_slice %arg8[%add3A_354, %dma_wait3A_396] : memref<80x125xi32, #tpu.memory_space<vmem>> -> memref<1x125xi32, #tpu.memory_space<vmem>>
        %dma_wait3A_398 = tpu.memref_squeeze %dma_wait3A_397 : memref<1x125xi32, #tpu.memory_space<vmem>> -> memref<125xi32, #tpu.memory_space<vmem>>
        %dma_wait3A_399 = arith.constant 0 : i32
        %dma_wait3A_400 = arith.constant 0 : i32
        %dma_wait3A_401 = tpu.memref_slice %arg10[%dma_wait3A_399, %dma_wait3A_400] : memref<10000x16xf32, #tpu.memory_space<vmem_shared>> -> memref<10000x16xf32, #tpu.memory_space<vmem_shared>>
        tpu.wait_indirect_dma semaphore(%run_scoped3A_381 : memref<!tpu.dma_semaphore, #tpu.memory_space<semaphore_mem>>) src(%dma_wait3A_395 : memref<125x16xf32, #tpu.memory_space<vmem>>) dst(%dma_wait3A_401 : memref<10000x16xf32, #tpu.memory_space<vmem_shared>>)
        tpu.yield
      }) : () -> ()
      %add3A_374 = arith.constant 8 : i32
      %add3A_375 = arith.addi %add3A_354, %add3A_374 : i32
      %lt3A_376 = arith.constant 80 : i32
      %lt3A_377 = arith.cmpi slt, %add3A_375, %lt3A_376 : i32
      %convert_element_type3A_378 = arith.extui %lt3A_377 : i1 to i32
      %cond3A_379 = arith.constant 0 : i32
      %cond3A_380 = arith.cmpi ne, %convert_element_type3A_378, %cond3A_379 : i32
      scf.if %cond3A_380 {
        %add3A_381 = arith.constant 8 : i32
        %add3A_382 = arith.addi %add3A_354, %add3A_381 : i32
        %dma_start3A_383 = arith.constant 7 : i32
        %dma_start3A_384 = arith.constant 7 : i32
        %dma_start3A_385 = arith.constant 0 : i32
        %dma_start3A_386 = arith.constant 0 : i32
        %dma_start3A_387 = tpu.memref_slice %arg9[%dma_start3A_383, %dma_start3A_385, %dma_start3A_386] : memref<8x125x16xf32, #tpu.memory_space<vmem>> -> memref<1x125x16xf32, #tpu.memory_space<vmem>>
        %dma_start3A_388 = tpu.memref_squeeze %dma_start3A_387 : memref<1x125x16xf32, #tpu.memory_space<vmem>> -> memref<125x16xf32, #tpu.memory_space<vmem>>
        %dma_start3A_389 = arith.constant 0 : i32
        %dma_start3A_390 = tpu.memref_slice %arg7[%add3A_382, %dma_start3A_389] : memref<80x125xi32, #tpu.memory_space<vmem>> -> memref<1x125xi32, #tpu.memory_space<vmem>>
        %dma_start3A_391 = tpu.memref_squeeze %dma_start3A_390 : memref<1x125xi32, #tpu.memory_space<vmem>> -> memref<125xi32, #tpu.memory_space<vmem>>
        %dma_start3A_392 = arith.constant 0 : i32
        %dma_start3A_393 = arith.constant 0 : i32
        %dma_start3A_394 = tpu.memref_slice %arg2[%dma_start3A_392, %dma_start3A_393] : memref<10000x16xf32, #tpu.memory_space<hbm>> -> memref<10000x16xf32, #tpu.memory_space<hbm>>
        %dma_start3A_395 = tpu.memref_slice %arg11[%dma_start3A_384] : memref<8x!tpu.dma_semaphore, #tpu.memory_space<semaphore_mem>> -> memref<1x!tpu.dma_semaphore, #tpu.memory_space<semaphore_mem>>
        %dma_start3A_396 = tpu.memref_squeeze %dma_start3A_395 : memref<1x!tpu.dma_semaphore, #tpu.memory_space<semaphore_mem>> -> memref<!tpu.dma_semaphore, #tpu.memory_space<semaphore_mem>>
        tpu.enqueue_indirect_dma source(%dma_start3A_394 : memref<10000x16xf32, #tpu.memory_space<hbm>>) target(%dma_start3A_388 : memref<125x16xf32, #tpu.memory_space<vmem>>) offsets(%dma_start3A_391 : memref<125xi32, #tpu.memory_space<vmem>>) semaphore(%dma_start3A_396 : memref<!tpu.dma_semaphore, #tpu.memory_space<semaphore_mem>>)
      } else {
      }
    }
    %scan3A_131 = arith.constant 10 : i32
    %barrier3A_132 = arith.constant 0 : index
    tpu.barrier barrier_id(%barrier3A_132)
    %lt3A = arith.constant 15 : i32
    %lt3A_133 = arith.cmpi slt, %arg1, %lt3A : i32
    %convert_element_type3A_134 = arith.extui %lt3A_133 : i1 to i32
    %cond3A_135 = arith.constant 0 : i32
    %cond3A_136 = arith.cmpi ne, %convert_element_type3A_134, %cond3A_135 : i32
    scf.if %cond3A_136 {
      %mul3A_142 = arith.constant 632 : i32
      %mul3A_143 = arith.muli %arg1, %mul3A_142 : i32
      %multiple_of3A = tpu.assume_multiple %mul3A_143, 8 : i32
      "tpu.region"() ({
        %run_scoped3A = tpu.sem_alloc : memref<!tpu.dma_semaphore, #tpu.memory_space<semaphore_mem>>
        %dma_start3A_144 = arith.constant 0 : i32
        %dma_start3A_145 = tpu.memref_slice %arg6[%arg0, %multiple_of3A, %dma_start3A_144] : memref<2x10000x16xf32, #tpu.memory_space<hbm>> -> memref<1x632x16xf32, #tpu.memory_space<hbm>>
        %dma_start3A_146 = tpu.memref_squeeze %dma_start3A_145 : memref<1x632x16xf32, #tpu.memory_space<hbm>> -> memref<632x16xf32, #tpu.memory_space<hbm>>
        %dma_start3A_147 = arith.constant 0 : i32
        %dma_start3A_148 = tpu.memref_slice %arg10[%multiple_of3A, %dma_start3A_147] : memref<10000x16xf32, #tpu.memory_space<vmem_shared>> -> memref<632x16xf32, #tpu.memory_space<vmem_shared>>
        tpu.enqueue_dma source(%dma_start3A_148 : memref<632x16xf32, #tpu.memory_space<vmem_shared>>) target(%dma_start3A_146 : memref<632x16xf32, #tpu.memory_space<hbm>>) target_semaphore(%run_scoped3A : memref<!tpu.dma_semaphore, #tpu.memory_space<semaphore_mem>>)
        %dma_wait3A = arith.constant 0 : i32
        %dma_wait3A_149 = tpu.memref_slice %arg6[%arg0, %multiple_of3A, %dma_wait3A] : memref<2x10000x16xf32, #tpu.memory_space<hbm>> -> memref<1x632x16xf32, #tpu.memory_space<hbm>>
        %dma_wait3A_150 = tpu.memref_squeeze %dma_wait3A_149 : memref<1x632x16xf32, #tpu.memory_space<hbm>> -> memref<632x16xf32, #tpu.memory_space<hbm>>
        %dma_wait3A_151 = arith.constant 0 : i32
        %dma_wait3A_152 = tpu.memref_slice %arg10[%multiple_of3A, %dma_wait3A_151] : memref<10000x16xf32, #tpu.memory_space<vmem_shared>> -> memref<632x16xf32, #tpu.memory_space<vmem_shared>>
        tpu.wait_dma2 semaphore(%run_scoped3A : memref<!tpu.dma_semaphore, #tpu.memory_space<semaphore_mem>>) src(%dma_wait3A_152 : memref<632x16xf32, #tpu.memory_space<vmem_shared>>) dst(%dma_wait3A_150 : memref<632x16xf32, #tpu.memory_space<hbm>>)
        tpu.yield
      }) : () -> ()
    } else {
    }
    %eq3A_137 = arith.constant 15 : i32
    %eq3A_138 = arith.cmpi eq, %arg1, %eq3A_137 : i32
    %convert_element_type3A_139 = arith.extui %eq3A_138 : i1 to i32
    %cond3A_140 = arith.constant 0 : i32
    %cond3A_141 = arith.cmpi ne, %convert_element_type3A_139, %cond3A_140 : i32
    scf.if %cond3A_141 {
      "tpu.region"() ({
        %run_scoped3A = tpu.sem_alloc : memref<!tpu.dma_semaphore, #tpu.memory_space<semaphore_mem>>
        %dma_start3A_142 = arith.constant 9480 : i32
        %dma_start3A_143 = arith.constant 0 : i32
        %dma_start3A_144 = tpu.memref_slice %arg6[%arg0, %dma_start3A_142, %dma_start3A_143] : memref<2x10000x16xf32, #tpu.memory_space<hbm>> -> memref<1x520x16xf32, #tpu.memory_space<hbm>>
        %dma_start3A_145 = tpu.memref_squeeze %dma_start3A_144 : memref<1x520x16xf32, #tpu.memory_space<hbm>> -> memref<520x16xf32, #tpu.memory_space<hbm>>
        %dma_start3A_146 = arith.constant 9480 : i32
        %dma_start3A_147 = arith.constant 0 : i32
        %dma_start3A_148 = tpu.memref_slice %arg10[%dma_start3A_146, %dma_start3A_147] : memref<10000x16xf32, #tpu.memory_space<vmem_shared>> -> memref<520x16xf32, #tpu.memory_space<vmem_shared>>
        tpu.enqueue_dma source(%dma_start3A_148 : memref<520x16xf32, #tpu.memory_space<vmem_shared>>) target(%dma_start3A_145 : memref<520x16xf32, #tpu.memory_space<hbm>>) target_semaphore(%run_scoped3A : memref<!tpu.dma_semaphore, #tpu.memory_space<semaphore_mem>>)
        %dma_wait3A = arith.constant 9480 : i32
        %dma_wait3A_149 = arith.constant 0 : i32
        %dma_wait3A_150 = tpu.memref_slice %arg6[%arg0, %dma_wait3A, %dma_wait3A_149] : memref<2x10000x16xf32, #tpu.memory_space<hbm>> -> memref<1x520x16xf32, #tpu.memory_space<hbm>>
        %dma_wait3A_151 = tpu.memref_squeeze %dma_wait3A_150 : memref<1x520x16xf32, #tpu.memory_space<hbm>> -> memref<520x16xf32, #tpu.memory_space<hbm>>
        %dma_wait3A_152 = arith.constant 9480 : i32
        %dma_wait3A_153 = arith.constant 0 : i32
        %dma_wait3A_154 = tpu.memref_slice %arg10[%dma_wait3A_152, %dma_wait3A_153] : memref<10000x16xf32, #tpu.memory_space<vmem_shared>> -> memref<520x16xf32, #tpu.memory_space<vmem_shared>>
        tpu.wait_dma2 semaphore(%run_scoped3A : memref<!tpu.dma_semaphore, #tpu.memory_space<semaphore_mem>>) src(%dma_wait3A_154 : memref<520x16xf32, #tpu.memory_space<vmem_shared>>) dst(%dma_wait3A_151 : memref<520x16xf32, #tpu.memory_space<hbm>>)
        tpu.yield
      }) : () -> ()
    } else {
    }
    return
  }
}

module attributes {stable_mosaic.version = 14 : i64} {
  func.func @body(%arg0: i32, %arg1: memref<5000x128xf32, #tpu.memory_space<vmem>>, %arg2: memref<128x128xf32, #tpu.memory_space<vmem>>, %arg3: memref<2x5000x8xf32, #tpu.memory_space<vmem>>, %arg4: memref<5000x128xf32, #tpu.memory_space<vmem>>) attributes {dimension_semantics = [#tpu.dimension_semantics<arbitrary>], iteration_bounds = array<i64: 2>, scalar_prefetch = 0 : i64, scratch_operands = 0 : i64, tpu.core_type = #tpu.core_type<tc>, window_params = [{transform_indices = @transform_0, window_bounds = array<i64: 5000, 128>}, {pipeline_mode = #tpu.pipeline_mode<synchronous>, transform_indices = @transform_1, window_bounds = array<i64: 128, 128>}, {transform_indices = @transform_2, window_bounds = array<i64: 2, 5000, 8>}, {transform_indices = @transform_3, window_bounds = array<i64: 5000, 128>}]} {
    %get3A = arith.constant 0 : index
    %get3A_0 = arith.constant 0 : index
    %get3A_1 = vector.load %arg1[%get3A, %get3A_0] : memref<5000x128xf32, #tpu.memory_space<vmem>>, vector<5000x128xf32>
    %get3A_2 = arith.constant 0 : index
    %get3A_3 = arith.constant 0 : index
    %get3A_4 = vector.load %arg2[%get3A_2, %get3A_3] : memref<128x128xf32, #tpu.memory_space<vmem>>, vector<128x128xf32>
    %dot_general3A = arith.constant dense<0.000000e+00> : vector<5000x128xf32>
    %dot_general3A_5 = tpu.matmul %get3A_1, %get3A_4, %dot_general3A {dimension_numbers = #tpu.dot_dimension_numbers<[1], [0], [0], [1], [0, 0, 1, 1], [], []>, transpose_lhs_hint = false} : vector<5000x128xf32>, vector<128x128xf32>, vector<5000x128xf32> -> vector<5000x128xf32>
    %get3A_6 = arith.constant 0 : index
    %get3A_7 = arith.constant 0 : index
    %get3A_8 = arith.constant 0 : index
    %get3A_9 = vector.load %arg3[%get3A_6, %get3A_7, %get3A_8] : memref<2x5000x8xf32, #tpu.memory_space<vmem>>, vector<1x5000x1xf32>
    %get3A_10 = vector.shape_cast %get3A_9 : vector<1x5000x1xf32> to vector<5000x1xf32>
    %get3A_11 = arith.constant 1 : index
    %get3A_12 = arith.constant 0 : index
    %get3A_13 = arith.constant 0 : index
    %get3A_14 = vector.load %arg3[%get3A_11, %get3A_12, %get3A_13] : memref<2x5000x8xf32, #tpu.memory_space<vmem>>, vector<1x5000x1xf32>
    %get3A_15 = vector.shape_cast %get3A_14 : vector<1x5000x1xf32> to vector<5000x1xf32>
    %add3A = arith.addf %get3A_10, %get3A_15 : vector<5000x1xf32>
    %add3A_16 = arith.constant 1.000000e+00 : f32
    %add3A_17 = vector.broadcast %add3A_16 : f32 to vector<5000x1xf32>
    %add3A_18 = arith.addf %add3A, %add3A_17 : vector<5000x1xf32>
    %rsqrt3A = math.rsqrt %add3A_18 : vector<5000x1xf32>
    %mul3A = vector.broadcast %rsqrt3A : vector<5000x1xf32> to vector<5000x128xf32>
    %mul3A_19 = arith.mulf %dot_general3A_5, %mul3A : vector<5000x128xf32>
    %swap3A = arith.constant 0 : index
    %swap3A_20 = arith.constant 0 : index
    %swap3A_21 = vector.load %arg4[%swap3A, %swap3A_20] : memref<5000x128xf32, #tpu.memory_space<vmem>>, vector<5000x128xf32>
    tpu.vector_store %arg4[%swap3A, %swap3A_20], %mul3A_19 {strides = array<i32>} : memref<5000x128xf32, #tpu.memory_space<vmem>>, vector<5000x128xf32>,
    return
  }
  func.func @transform_0(%arg0: i32) -> (i32, i32) {
    %c0_i32 = arith.constant 0 : i32
    %c0_i32_0 = arith.constant 0 : i32
    return %arg0, %c0_i32 : i32, i32
  }
  func.func @transform_1(%arg0: i32) -> (i32, i32) {
    %c0_i32 = arith.constant 0 : i32
    %c0_i32_0 = arith.constant 0 : i32
    %c0_i32_1 = arith.constant 0 : i32
    return %c0_i32, %c0_i32_0 : i32, i32
  }
  func.func @transform_2(%arg0: i32) -> (i32, i32, i32) {
    %c0_i32 = arith.constant 0 : i32
    %c0_i32_0 = arith.constant 0 : i32
    %c0_i32_1 = arith.constant 0 : i32
    return %c0_i32, %arg0, %c0_i32_0 : i32, i32, i32
  }
  func.func @transform_3(%arg0: i32) -> (i32, i32) {
    %c0_i32 = arith.constant 0 : i32
    %c0_i32_0 = arith.constant 0 : i32
    return %arg0, %c0_i32 : i32, i32
  }
}

module attributes {stable_mosaic.version = 14 : i64} {
  func.func @body(%arg0: i32, %arg1: memref<2x5000x128xf32, #tpu.memory_space<vmem>>, %arg2: memref<2x5000x8xf32, #tpu.memory_space<vmem>>, %arg3: memref<1x128xf32, #tpu.memory_space<vmem>>, %arg4: memref<128x16xf32, #tpu.memory_space<vmem>>, %arg5: memref<5000x16xf32, #tpu.memory_space<vmem>>) attributes {dimension_semantics = [#tpu.dimension_semantics<arbitrary>], iteration_bounds = array<i64: 2>, scalar_prefetch = 0 : i64, scratch_operands = 0 : i64, tpu.core_type = #tpu.core_type<tc>, window_params = [{transform_indices = @transform_0, window_bounds = array<i64: 2, 5000, 128>}, {transform_indices = @transform_1, window_bounds = array<i64: 2, 5000, 8>}, {pipeline_mode = #tpu.pipeline_mode<synchronous>, transform_indices = @transform_2, window_bounds = array<i64: 1, 128>}, {pipeline_mode = #tpu.pipeline_mode<synchronous>, transform_indices = @transform_3, window_bounds = array<i64: 128, 16>}, {transform_indices = @transform_4, window_bounds = array<i64: 5000, 16>}]} {
    %get3A = arith.constant 0 : index
    %get3A_0 = arith.constant 0 : index
    %get3A_1 = arith.constant 0 : index
    %get3A_2 = vector.load %arg2[%get3A, %get3A_0, %get3A_1] : memref<2x5000x8xf32, #tpu.memory_space<vmem>>, vector<1x5000x1xf32>
    %get3A_3 = vector.shape_cast %get3A_2 : vector<1x5000x1xf32> to vector<5000x1xf32>
    %get3A_4 = arith.constant 1 : index
    %get3A_5 = arith.constant 0 : index
    %get3A_6 = arith.constant 0 : index
    %get3A_7 = vector.load %arg2[%get3A_4, %get3A_5, %get3A_6] : memref<2x5000x8xf32, #tpu.memory_space<vmem>>, vector<1x5000x1xf32>
    %get3A_8 = vector.shape_cast %get3A_7 : vector<1x5000x1xf32> to vector<5000x1xf32>
    %add3A = arith.addf %get3A_3, %get3A_8 : vector<5000x1xf32>
    %add3A_9 = arith.constant 1.000000e+00 : f32
    %add3A_10 = vector.broadcast %add3A_9 : f32 to vector<5000x1xf32>
    %add3A_11 = arith.addf %add3A, %add3A_10 : vector<5000x1xf32>
    %rsqrt3A = math.rsqrt %add3A_11 : vector<5000x1xf32>
    %get3A_12 = arith.constant 0 : index
    %get3A_13 = arith.constant 0 : index
    %get3A_14 = arith.constant 0 : index
    %get3A_15 = vector.load %arg1[%get3A_12, %get3A_13, %get3A_14] : memref<2x5000x128xf32, #tpu.memory_space<vmem>>, vector<1x5000x128xf32>
    %get3A_16 = vector.shape_cast %get3A_15 : vector<1x5000x128xf32> to vector<5000x128xf32>
    %get3A_17 = arith.constant 1 : index
    %get3A_18 = arith.constant 0 : index
    %get3A_19 = arith.constant 0 : index
    %get3A_20 = vector.load %arg1[%get3A_17, %get3A_18, %get3A_19] : memref<2x5000x128xf32, #tpu.memory_space<vmem>>, vector<1x5000x128xf32>
    %get3A_21 = vector.shape_cast %get3A_20 : vector<1x5000x128xf32> to vector<5000x128xf32>
    %add3A_22 = arith.addf %get3A_16, %get3A_21 : vector<5000x128xf32>
    %mul3A = vector.broadcast %rsqrt3A : vector<5000x1xf32> to vector<5000x128xf32>
    %mul3A_23 = arith.mulf %add3A_22, %mul3A : vector<5000x128xf32>
    %get3A_24 = arith.constant 0 : index
    %get3A_25 = arith.constant 0 : index
    %get3A_26 = vector.load %arg3[%get3A_24, %get3A_25] : memref<1x128xf32, #tpu.memory_space<vmem>>, vector<1x128xf32>
    %add3A_27 = vector.broadcast %get3A_26 : vector<1x128xf32> to vector<5000x128xf32>
    %add3A_28 = arith.addf %mul3A_23, %add3A_27 : vector<5000x128xf32>
    %max3A = arith.constant 0.000000e+00 : f32
    %max3A_29 = vector.broadcast %max3A : f32 to vector<5000x128xf32>
    %max3A_30 = arith.maximumf %add3A_28, %max3A_29 : vector<5000x128xf32>
    %get3A_31 = arith.constant 0 : index
    %get3A_32 = arith.constant 0 : index
    %get3A_33 = vector.load %arg4[%get3A_31, %get3A_32] : memref<128x16xf32, #tpu.memory_space<vmem>>, vector<128x16xf32>
    %dot_general3A = arith.constant dense<0.000000e+00> : vector<5000x16xf32>
    %dot_general3A_34 = tpu.matmul %max3A_30, %get3A_33, %dot_general3A {dimension_numbers = #tpu.dot_dimension_numbers<[1], [0], [0], [1], [0, 0, 1, 1], [], []>, transpose_lhs_hint = false} : vector<5000x128xf32>, vector<128x16xf32>, vector<5000x16xf32> -> vector<5000x16xf32>
    %mul3A_35 = vector.broadcast %rsqrt3A : vector<5000x1xf32> to vector<5000x16xf32>
    %mul3A_36 = arith.mulf %dot_general3A_34, %mul3A_35 : vector<5000x16xf32>
    %swap3A = arith.constant 0 : index
    %swap3A_37 = arith.constant 0 : index
    %swap3A_38 = vector.load %arg5[%swap3A, %swap3A_37] : memref<5000x16xf32, #tpu.memory_space<vmem>>, vector<5000x16xf32>
    tpu.vector_store %arg5[%swap3A, %swap3A_37], %mul3A_36 {strides = array<i32>} : memref<5000x16xf32, #tpu.memory_space<vmem>>, vector<5000x16xf32>,
    return
  }
  func.func @transform_0(%arg0: i32) -> (i32, i32, i32) {
    %c0_i32 = arith.constant 0 : i32
    %c0_i32_0 = arith.constant 0 : i32
    %c0_i32_1 = arith.constant 0 : i32
    return %c0_i32, %arg0, %c0_i32_0 : i32, i32, i32
  }
  func.func @transform_1(%arg0: i32) -> (i32, i32, i32) {
    %c0_i32 = arith.constant 0 : i32
    %c0_i32_0 = arith.constant 0 : i32
    %c0_i32_1 = arith.constant 0 : i32
    return %c0_i32, %arg0, %c0_i32_0 : i32, i32, i32
  }
  func.func @transform_2(%arg0: i32) -> (i32, i32) {
    %c0_i32 = arith.constant 0 : i32
    %c0_i32_0 = arith.constant 0 : i32
    %c0_i32_1 = arith.constant 0 : i32
    return %c0_i32, %c0_i32_0 : i32, i32
  }
  func.func @transform_3(%arg0: i32) -> (i32, i32) {
    %c0_i32 = arith.constant 0 : i32
    %c0_i32_0 = arith.constant 0 : i32
    %c0_i32_1 = arith.constant 0 : i32
    return %c0_i32, %c0_i32_0 : i32, i32
  }
  func.func @transform_4(%arg0: i32) -> (i32, i32) {
    %c0_i32 = arith.constant 0 : i32
    %c0_i32_0 = arith.constant 0 : i32
    return %arg0, %c0_i32 : i32, i32
  }
}

module attributes {stable_mosaic.version = 14 : i64} {
  func.func @body(%arg0: i32, %arg1: memref<2x5000x16xf32, #tpu.memory_space<vmem>>, %arg2: memref<2x5000x8xf32, #tpu.memory_space<vmem>>, %arg3: memref<1x16xf32, #tpu.memory_space<vmem>>, %arg4: memref<5000x16xf32, #tpu.memory_space<vmem>>) attributes {dimension_semantics = [#tpu.dimension_semantics<arbitrary>], iteration_bounds = array<i64: 2>, scalar_prefetch = 0 : i64, scratch_operands = 0 : i64, tpu.core_type = #tpu.core_type<tc>, window_params = [{transform_indices = @transform_0, window_bounds = array<i64: 2, 5000, 16>}, {transform_indices = @transform_1, window_bounds = array<i64: 2, 5000, 8>}, {pipeline_mode = #tpu.pipeline_mode<synchronous>, transform_indices = @transform_2, window_bounds = array<i64: 1, 16>}, {transform_indices = @transform_3, window_bounds = array<i64: 5000, 16>}]} {
    %get3A = arith.constant 0 : index
    %get3A_0 = arith.constant 0 : index
    %get3A_1 = arith.constant 0 : index
    %get3A_2 = vector.load %arg2[%get3A, %get3A_0, %get3A_1] : memref<2x5000x8xf32, #tpu.memory_space<vmem>>, vector<1x5000x1xf32>
    %get3A_3 = vector.shape_cast %get3A_2 : vector<1x5000x1xf32> to vector<5000x1xf32>
    %get3A_4 = arith.constant 1 : index
    %get3A_5 = arith.constant 0 : index
    %get3A_6 = arith.constant 0 : index
    %get3A_7 = vector.load %arg2[%get3A_4, %get3A_5, %get3A_6] : memref<2x5000x8xf32, #tpu.memory_space<vmem>>, vector<1x5000x1xf32>
    %get3A_8 = vector.shape_cast %get3A_7 : vector<1x5000x1xf32> to vector<5000x1xf32>
    %add3A = arith.addf %get3A_3, %get3A_8 : vector<5000x1xf32>
    %add3A_9 = arith.constant 1.000000e+00 : f32
    %add3A_10 = vector.broadcast %add3A_9 : f32 to vector<5000x1xf32>
    %add3A_11 = arith.addf %add3A, %add3A_10 : vector<5000x1xf32>
    %rsqrt3A = math.rsqrt %add3A_11 : vector<5000x1xf32>
    %get3A_12 = arith.constant 0 : index
    %get3A_13 = arith.constant 0 : index
    %get3A_14 = arith.constant 0 : index
    %get3A_15 = vector.load %arg1[%get3A_12, %get3A_13, %get3A_14] : memref<2x5000x16xf32, #tpu.memory_space<vmem>>, vector<1x5000x16xf32>
    %get3A_16 = vector.shape_cast %get3A_15 : vector<1x5000x16xf32> to vector<5000x16xf32>
    %get3A_17 = arith.constant 1 : index
    %get3A_18 = arith.constant 0 : index
    %get3A_19 = arith.constant 0 : index
    %get3A_20 = vector.load %arg1[%get3A_17, %get3A_18, %get3A_19] : memref<2x5000x16xf32, #tpu.memory_space<vmem>>, vector<1x5000x16xf32>
    %get3A_21 = vector.shape_cast %get3A_20 : vector<1x5000x16xf32> to vector<5000x16xf32>
    %add3A_22 = arith.addf %get3A_16, %get3A_21 : vector<5000x16xf32>
    %mul3A = vector.broadcast %rsqrt3A : vector<5000x1xf32> to vector<5000x16xf32>
    %mul3A_23 = arith.mulf %add3A_22, %mul3A : vector<5000x16xf32>
    %get3A_24 = arith.constant 0 : index
    %get3A_25 = arith.constant 0 : index
    %get3A_26 = vector.load %arg3[%get3A_24, %get3A_25] : memref<1x16xf32, #tpu.memory_space<vmem>>, vector<1x16xf32>
    %add3A_27 = vector.broadcast %get3A_26 : vector<1x16xf32> to vector<5000x16xf32>
    %add3A_28 = arith.addf %mul3A_23, %add3A_27 : vector<5000x16xf32>
    %swap3A = arith.constant 0 : index
    %swap3A_29 = arith.constant 0 : index
    %swap3A_30 = vector.load %arg4[%swap3A, %swap3A_29] : memref<5000x16xf32, #tpu.memory_space<vmem>>, vector<5000x16xf32>
    tpu.vector_store %arg4[%swap3A, %swap3A_29], %add3A_28 {strides = array<i32>} : memref<5000x16xf32, #tpu.memory_space<vmem>>, vector<5000x16xf32>,
    return
  }
  func.func @transform_0(%arg0: i32) -> (i32, i32, i32) {
    %c0_i32 = arith.constant 0 : i32
    %c0_i32_0 = arith.constant 0 : i32
    %c0_i32_1 = arith.constant 0 : i32
    return %c0_i32, %arg0, %c0_i32_0 : i32, i32, i32
  }
  func.func @transform_1(%arg0: i32) -> (i32, i32, i32) {
    %c0_i32 = arith.constant 0 : i32
    %c0_i32_0 = arith.constant 0 : i32
    %c0_i32_1 = arith.constant 0 : i32
    return %c0_i32, %arg0, %c0_i32_0 : i32, i32, i32
  }
  func.func @transform_2(%arg0: i32) -> (i32, i32) {
    %c0_i32 = arith.constant 0 : i32
    %c0_i32_0 = arith.constant 0 : i32
    %c0_i32_1 = arith.constant 0 : i32
    return %c0_i32, %c0_i32_0 : i32, i32
  }
  func.func @transform_3(%arg0: i32) -> (i32, i32) {
    %c0_i32 = arith.constant 0 : i32
    %c0_i32_0 = arith.constant 0 : i32
    return %arg0, %c0_i32 : i32, i32
  }
}

</mosaic_0001>

<sc_bundles>
// kernel: kernel.11.cloned.1.call-start
scs
__scs_entry_jumppad:
0x0: {  	(pc) =	sbr.rel $0x88, $3  }
0x1: {  	(tag) =	ssettag $0x0;
	lr =	simm.s32 $0x1  }
0x2: {  	[smem:$0x3F9B] =	sst lr;
	_ =	strace $0xD0000000  }
0x3: {  	_ = 	snop  }
0x4: {  	_ = 	snop  }
0x5: {  	_ = 	snop  }
0x6: {  	_ = 	snop  }
0x7: {  	_ = 	snop  }
__scs_overlays_trampoline_lowered:
0x8: {  	[smem:$0x3FAA] =	sst s0  }
0x9: {  	[smem:$0x3FAB] =	sst s1  }
0xa: {  	[smem:$0x3FAC] =	sst s2  }
0xb: {  	[smem:$0x3FAD] =	sst s3  }
0xc: {  	[smem:$0x3FAE] =	sst s4  }
0xd: {  	[smem:$0x3FAF] =	sst s5  }
0xe: {  	[smem:$0x3FB0] =	sst s6  }
0xf: {  	[smem:$0x3FB1] =	sst s7  }
0x10: {  	[smem:$0x3FB2] =	sst s8  }
0x11: {  	[smem:$0x3FB3] =	sst s9;
	s0 =	simm.s32 @!p0 $0x0  }
0x12: {  	s1 =	sld [smem:$0x3F99];
	s0 =	simm.s32 @p0 $0x1  }
0x13: {  	[smem:$0x3FB4] =	sst s0;
	s0 =	simm.s32 @!p1 $0x0  }
0x14: {  	s2 =	sld [smem:$0x3F98];
	s0 =	simm.s32 @p1 $0x1  }
0x15: {  	[smem:$0x3FB5] =	sst s0;
	s0 =	simm.s32 @!p2 $0x0  }
0x16: {  	s3 =	sld [smem:$0x3FDB];
	s0 =	simm.s32 @p2 $0x1  }
0x17: {  	s4 =	simm.s32 $0x1BF5;
	[smem:$0x3FB7] =	sst s0  }
0x18: {  	s0 =	sld [smem:$0x3F9A];
	_ =	swait.ge [sflag:s4], $0x0  }
0x19: {  	s7 =	sld [smem:$0x3F9B]  }
0x1a: {  	s8 =	sadd.s32 $0xFFFFE003, lr  }
0x1b: {  	s9 =	sadd.s32 $0xFFFFFEF7, lr;
	s5 =	simm.s32 $0xFFFFFFFF;
	p2 =	slt.u32 s8, $0xFFFFF086  }
0x1c: {  	p1 =	slt.u32 s9, $0xF7A;
	s5 =	simm.s32 @!p2 $0x0  }
0x1d: {  	s5 =	simm.s32 @p1 $0x1;
	p0 =	seq.s32 s7, s2  }
0x1e: {  	s7 =	smul.u32 @!p0 $0xF7A, s2;
	p2 =	seq.s32 @!p0 s5, $0x0  }
0x1f: {  	s9 =	smul.u32 $0xF7A, s1;
	s8 =	simm.s32 @!p0 $0x1BF5;
	p2 =	por !p2, p0  }
0x20: {  	[sflag:s8] =	ssyncset.s32 @!p0 $0xFFFFF086;
	s6 =	sadd.s32 @!p0 s3, s7;
	s7 =	simm.s32 @!p0 $0x108  }
0x21: {  	s3 =	sadd.s32 s3, s9;
	s6 =	sadd.s32 @!p0 $0x88, s6;
	s7 =	simm.s32 @p2 $0x1082  }
0x22: {  	[simem:s7], [sflag:s8] =	dma.local @!p0 [hbm:s6], $0xF7A  }
0x23: {  	s9 =	sor.u32 $0xD0000000, s2;
	s6 =	simm.s32 $0x108;
	_ =	swait.ge @!p0 [sflag:s8], $0x0  }
0x24: {  	s3 =	sadd.s32 $0x88, s3;
	s6 =	simm.s32 @!p1 $0x1082;
	[sflag:s4] =	ssyncset.s32 $0xFFFFF086  }
0x25: {  	[simem:s6], [sflag:s4] =	dma.local [hbm:s3], $0xF7A  }
0x26: {  	[smem:$0x3F9B] =	sst s1;
	(tag) =	ssettag s2;
	_ =	strace s9  }
0x27: {  	s1 =	sld [smem:$0x3FAB]  }
0x28: {  	s2 =	sld [smem:$0x3FAC]  }
0x29: {  	s4 =	sld [smem:$0x3FAE]  }
0x2a: {  	p0 =	seq.s32 s5, $0x0;
	s5 =	sld [smem:$0x3FAF]  }
0x2b: {  	s6 =	sld [smem:$0x3FB0]  }
0x2c: {  	s7 =	sld [smem:$0x3FB1]  }
0x2d: {  	s3 =	simm.s32 $0x108;
	s8 =	sld [smem:$0x3FB2]  }
0x2e: {  	s3 =	simm.s32 @!p0 $0x1082;
	s9 =	sld [smem:$0x3FB3]  }
0x2f: {  	lr =	sadd.s32 s0, s3;
	s0 =	sld [smem:$0x3FAA]  }
0x30: {  	s3 =	sld [smem:$0x3FAD]  }
0x31: {  	[smem:$0x3FB6] =	sst s10  }
0x32: {  	s10 =	sld [smem:$0x3FB4];
	_ =	sdelay $0x3  }
0x33: {  	p0 =	seq.s32 s10, $0x1;
	s10 =	sld [smem:$0x3FB6];
	_ =	sdelay $0x3  }
0x34: {  	[smem:$0x3FB6] =	sst s10  }
0x35: {  	s10 =	sld [smem:$0x3FB5];
	_ =	sdelay $0x3  }
0x36: {  	p1 =	seq.s32 s10, $0x1;
	s10 =	sld [smem:$0x3FB6];
	_ =	sdelay $0x3  }
0x37: {  	[smem:$0x3FB6] =	sst s10  }
0x38: {  	s10 =	sld [smem:$0x3FB7]  }
0x39: {  	_ = 	snop;
	(pc) =	sbr.ind lr, $3  }
0x3a: {  	_ = 	snop  }
0x3b: {  	_ = 	snop  }
0x3c: {  	p2 =	seq.s32 s10, $0x1;
	s10 =	sld [smem:$0x3FB6]  }
0x3d: {  	_ =	shalt  }
0x3e: {  	_ =	shalt  }
0x3f: {  	_ =	shalt  }
0x40: {  	_ =	shalt  }
0x41: {  	_ =	shalt  }
0x42: {  	_ =	shalt  }
0x43: {  	_ =	shalt  }
0x44: {  	_ =	shalt  }
0x45: {  	_ =	shalt  }
0x46: {  	_ =	shalt  }
0x47: {  	_ =	shalt  }
0x48: {  	_ =	shalt  }
0x49: {  	_ =	shalt  }
0x4a: {  	_ =	shalt  }
0x4b: {  	_ =	shalt  }
0x4c: {  	_ =	shalt  }
0x4d: {  	_ =	shalt  }
0x4e: {  	_ =	shalt  }
0x4f: {  	_ =	shalt  }
0x50: {  	_ =	shalt  }
0x51: {  	_ =	shalt  }
0x52: {  	_ =	shalt  }
0x53: {  	_ =	shalt  }
0x54: {  	_ =	shalt  }
0x55: {  	_ =	shalt  }
0x56: {  	_ =	shalt  }
0x57: {  	_ =	shalt  }
0x58: {  	_ =	shalt  }
0x59: {  	_ =	shalt  }
0x5a: {  	_ =	shalt  }
0x5b: {  	_ =	shalt  }
0x5c: {  	_ =	shalt  }
0x5d: {  	_ =	shalt  }
0x5e: {  	_ =	shalt  }
0x5f: {  	_ =	shalt  }
0x60: {  	_ =	shalt  }
0x61: {  	_ =	shalt  }
0x62: {  	_ =	shalt  }
0x63: {  	_ =	shalt  }
0x64: {  	_ =	shalt  }
0x65: {  	_ =	shalt  }
0x66: {  	_ =	shalt  }
0x67: {  	_ =	shalt  }
0x68: {  	_ =	shalt  }
0x69: {  	_ =	shalt  }
0x6a: {  	_ =	shalt  }
0x6b: {  	_ =	shalt  }
0x6c: {  	_ =	shalt  }
0x6d: {  	_ =	shalt  }
0x6e: {  	_ =	shalt  }
0x6f: {  	_ =	shalt  }
0x70: {  	_ =	shalt  }
0x71: {  	_ =	shalt  }
0x72: {  	_ =	shalt  }
0x73: {  	_ =	shalt  }
0x74: {  	_ =	shalt  }
0x75: {  	_ =	shalt  }
0x76: {  	_ =	shalt  }
0x77: {  	_ =	shalt  }
0x78: {  	_ =	shalt  }
0x79: {  	_ =	shalt  }
0x7a: {  	_ =	shalt  }
0x7b: {  	_ =	shalt  }
0x7c: {  	_ =	shalt  }
0x7d: {  	_ =	shalt  }
0x7e: {  	_ =	shalt  }
0x7f: {  	_ =	shalt  }
0x80: {  	_ =	shalt  }
0x81: {  	_ =	shalt  }
0x82: {  	_ =	shalt  }
0x83: {  	_ =	shalt  }
0x84: {  	_ =	shalt  }
0x85: {  	_ =	shalt  }
0x86: {  	_ =	shalt  }
0x87: {  	_ =	shalt  }
.Lfunc_end0:
.L_simem_size_0:
called_computation.1_lowered:
.L_overlay_start_0:
0x88: {  	s2 =	sld [smem:$0x3FD9]  }
0x89: {  	s3 =	sld [smem:$0x3FFE];
	_ =	sdelay $0x1  }
0x8a: {  	s1 =	srdreg.scid  }
0x8b: {  	s0 =	sand.u32 $0x1, s1  }
0x8c: {  	s16 =	sshll.u32 s0, $0xA;
	s2 =	sadd.s32 s3, s2  }
0x8d: {  	s2 =	sadd.s32 s2, s16  }
0x8e: {  	[smem:$0x3FC2] =	sst s2  }
0x8f: {  	_ = 	snop  }
0x90: {  	(tm) =	ssettm $0x1  }
0x91: {  	s17 =	sld [smem:$0x3FFB];
	_ =	sdelay $0x3  }
0x92: {  	_ =	strace s17  }
0x93: {  	s2 =	sld [smem:$0x3FFC];
	_ =	sdelay $0x3  }
0x94: {  	_ =	strace s2  }
0x95: {  	s2 =	sld [smem:$0x3FFD];
	_ =	sdelay $0x3  }
0x96: {  	_ =	strace s2  }
0x97: {  	_ =	strace $0x8FFFFFFF  }
0x98: {  	s18 =	sld [smem:$0x3FDB];
	_ =	sdelay $0x1  }
0x99: {  	s19 =	simm.s32 $_scs_section_size  }
0x9a: {  	s4 =	simm.s32 $_size__tile_overlayer_lowered;
	s5 =	simm.s32 $_tile_overlayer_lowered  }
0x9b: {  	s22 =	simm.s32 $0x1BFF;
	s21 =	sshll.u32 s5, $0x1;
	s2 =	sadd.s32 s19, s18  }
0x9c: {  	s6 =	simm.s32 $0x0;
	s20 =	sshll.u32 s4, $0x1;
	s4 =	sadd.s32 s21, s2  }
0x9d: {  	[timem:s6], [sflag:s22] =	dma.local [hbm:s4], s20  }
0x9e: {  	_ =	swait.ge [sflag:s22], s20  }
0x9f: {  	s3 =	ssub.s32 $0x0, s20;
	[sflag:s22] =	ssyncset.done $0x0  }
0xa0: {  	[sflag:s22] =	ssyncadd.s32 s3;
	_ =	sdelay $0x1  }
0xa1: {  	s23 =	simm.s32 $0x1B8B  }
0xa2: {  	_ =	swait.ge [sflag:s23], $0x1  }
0xa3: {  	[sflag:s23] =	ssyncset.done $0x0  }
0xa4: {  	s25 =	simm.s32 $0x1B8E;
	s24 =	sld [smem:$0x3FFE];
	[sflag:s23] =	ssyncadd.s32 $0xFFFFFFFF  }
0xa5: {  	s26 =	simm.s32 $execute0_lowered;
	[smem:$0x3FD2] =	sst s25  }
0xa6: {  	s4 =	sshll.u32 s26, $0x1;
	_ =	strace $0x80000049;
	[dreg:$0x1] =	wrdreg $0xFFFFFFFF  }
0xa7: {  	s28 =	simm.s32 $_size_execute0_lowered;
	s2 =	sadd.s32 s2, s4;
	[dreg:$0x0] =	wrdreg $0x0  }
0xa8: {  	s4 =	sshll.u32 s28, $0x1;
	[dreg:$0x2] =	wrdreg s2  }
0xa9: {  	[dreg:$0x3] =	wrdreg s4  }
0xaa: {  	[dreg:$0x4] =	wrdreg $0xC0  }
0xab: {  	_ =	task [dreg:s6], $0x5FFFF  }
0xac: {  	[dreg:$0x1] =	wrdreg $0xFFFFFFFF  }
0xad: {  	[dreg:$0x0] =	wrdreg $0x60  }
0xae: {  	[dreg:$0x2] =	wrdreg s24  }
0xaf: {  	[dreg:$0x3] =	wrdreg $0xC6200  }
0xb0: {  	[dreg:$0x4] =	wrdreg $0x9  }
0xb1: {  	_ =	task.clear_ibuf [dreg:s6], $0x5FFFF;
	_ =	strace $0x90000049  }
0xb2: {  	s29 =	simm.s32 $0x9;
	_ =	strace $0x8000004B  }
0xb3: {  	_ =	swait.ge [sflag:s29], $0x1  }
0xb4: {  	[sflag:s29] =	ssyncadd.s32 $0xFFFFFFFF  }
0xb5: {  	_ =	strace $0x9000004B  }
0xb6: {  	_ =	sfence  }
0xb7: {  	s30 =	sld [smem:$0x0];
	_ =	sdelay $0x2  }
0xb8: {  	s31 =	sshll.u32 s1, $0xD;
	s1 =	sshrl.u32 s1, $0x2  }
0xb9: {  	s3 =	sand.u32 $0x4000, s31;
	s1 =	sadd.s32 s1, s30  }
0xba: {  	s0 =	sor.u32 s3, s0;
	s1 =	sshll.u32 s1, $0x11  }
0xbb: {  	s0 =	sor.u32 s1, s0  }
0xbc: {  	s0 =	sadd.s32 $0x8F2B, s0  }
0xbd: {  	[sflag:s0] =	ssyncadd.remote.s32 $0x1  }
0xbe: {  	_ =	sfence.sel $0xFFFF  }
0xbf: {  	[dreg:$0x0] =	wrdreg $0xFFFFFFFF;
	(pc) =	sbr.abs _section_cstart, $3  }
0xc0: {  	[dreg:$0x1] =	wrdreg $0xFFFFFFFF  }
0xc1: {  	_ =	task.clear_ibuf [dreg:s6], $0x2FFFF;
	_ =	strace $0x9FFFFFFF  }
0xc2: {  	(tm) =	ssettm $0x7FFFFFFF  }
0xc3: {  	_ =	shalt  }
tec
execute0_lowered:
.L_overlay_start_1:
0x0: {  	(tag) =	ssettag $0x1  }
0x1: {  	s12 =	rddreg [dreg:$0x0]  }
0x2: {  	s0 =	srdreg.scid;
	s2 =	rddreg [dreg:$0x1];
	s16 =	simm.s32 $0x4  }
0x3: {  	s22 =	simm.s32 $0x50;
	s23 =	simm.s32 $0x4E20;
	s24 =	simm.s32 $0x7620  }
0x4: {  	s26 =	simm.s32 $0x9E20;
	s28 =	simm.s32 $0x1;
	s29 =	simm.s32 $0x2  }
0x5: {  	s30 =	simm.s32 $0x3;
	s25 =	simm.s32 $0x0;
	s1 =	sand.u32 $0x1, s0  }
0x6: {  	s0 =	stileid.u32;
	s14 =	sadd.s32 $0xBC000, s12;
	s9 =	sadd.s32 $0x128400, s2  }
0x7: {  	s10 =	sadd.s32 $0x92C80, s12;
	s3 =	sshll.u32 s1, $0x4;
	s13 =	smul.u32 $0x13C00, s0  }
0x8: {  	s31 =	ssub.s32 $0x2, s1;
	p3 =	seq.s32 s1, $0x1;
	s1 =	smul.u32 $0x138800, s1  }
0x9: {  	s4 =	sor.u32 s0, s3;
	s3 =	simm.s32 $0x0;
	s7 =	sshrl.u32 s31, $0x1  }
0xa: {  	p1 =	seq.s32 @p3 s0, $0xF;
	p4 =	seq.s32 @!p3 s0, $0xF;
	s5 =	smul.u32 $0x4E2, s4  }
0xb: {  	[smem:$0x7FF] =	sst s3;
	s4 =	sadd.s32 $0x6DC00, s12;
	s8 =	sshrl.u32 s13, $0x3  }
0xc: {  	s15 =	ssub.s32 s31, s7;
	s7 =	sadd.s32 s13, s2;
	s13 =	sadd.s32 s13, s1  }
0xd: {  	s1 =	sshrl.u32 s1, $0x3;
	p0 =	por !p1, !p3;
	p1 =	por p1, !p3  }
0xe: {  	p2 =	por !p4, p3;
	p3 =	por p4, p3;
	p4 =	seq.s32 s0, $0xF  }
0xf: {  	_ =	strace $0x8000004A;
	s11 =	sadd.s32 s8, s12;
	s8 =	sadd.s32 s4, s8  }
0x10: {  	s13 =	sshrl.u32 s13, $0x3;
	s1 =	sadd.s32 s14, s1;
	s15 =	smax.u32 s15, $0x1  }
0x11: {  	s18 =	sshrl.u32 @!p0 s9, $0x3;
	s20 =	sshrl.u32 @!p1 s7, $0x3;
	s21 =	sshrl.u32 @!p2 s9, $0x3  }
0x12: {  	s6 =	sadd.s32 s5, s12;
	s11 =	sadd.s32 $0x94E00, s11;
	s12 =	sadd.s32 $0xB9E80, s12  }
0x13: {  	s13 =	sadd.s32 s14, s13;
	s14 =	sadd.s32 $0x25080, s1;
	s1 =	sshll.u32 @!p1 s0, $0x6  }
0x14: {  	s5 =	sadd.s32 $0x1E00, s6;
	s6 =	sadd.s32 $0xBC00, s6;
	s19 =	sor.u32 @!p1 $0x1C04, s1  }
.LBB2_1:
0x15: {  	[tilespmem:s3], [sflag:$0x4] =	stream.linear.gather [hbm4b:s5+s3], $0x2710, $0x38;
	[tilespmem:$0x1FEA0] =	vst v63  }
0x16: {  	_ =	swait.ge [sflag:s16], $0x2710  }
0x17: {  	[sflag:s16] =	ssyncset.done $0x0  }
0x18: {  	s1 =	simm.s32 $0x2710;
	[sflag:s16] =	ssyncadd.s32 $0xFFFFD8F0  }
0x19: {  	[tilespmem:s1], [sflag:$0x4] =	stream.linear.gather [hbm4b:s6+s3], $0x2710, $0x38;
	[tilespmem:$0x1FEA0] =	vst v63  }
0x1a: {  	_ =	swait.ge [sflag:s16], $0x2710  }
0x1b: {  	[sflag:s16] =	ssyncset.done $0x0  }
0x1c: {  	s1 =	simm.s32 @!p0 $0x1FC4;
	[sflag:s16] =	ssyncadd.s32 $0xFFFFD8F0  }
0x1d: {  	[spmem:s18], [sflag:s1] =	dma.local @!p0 [hbm:s12], $0x2080  }
0x1e: {  	s1 =	simm.s32 @!p0 $0x4  }
0x1f: {  	_ =	swait.ge @!p0 [sflag:s1], $0x2080  }
0x20: {  	[sflag:s1] =	ssyncset.done @!p0 $0x0  }
0x21: {  	[sflag:s1] =	ssyncadd.s32 @!p0 $0xFFFFDF80;
	s1 =	simm.s32 @!p1 $0x4  }
0x22: {  	[spmem:s20], [sflag:s19] =	dma.local @!p1 [hbm:s11], $0x2780  }
0x23: {  	_ =	swait.ge @!p1 [sflag:s1], $0x2780  }
0x24: {  	[sflag:s1] =	ssyncset.done @!p1 $0x0  }
0x25: {  	[sflag:s1] =	ssyncadd.s32 @!p1 $0xFFFFD880;
	s1 =	simm.s32 @!p2 $0x1FC4  }
0x26: {  	[spmem:s21], [sflag:s1] =	dma.local @!p2 [hbm:s10], $0x2080  }
0x27: {  	s1 =	simm.s32 @!p2 $0x4  }
0x28: {  	_ =	swait.ge @!p2 [sflag:s1], $0x2080  }
0x29: {  	s31 =	sshll.u32 @!p3 s0, $0x6;
	[sflag:s1] =	ssyncset.done @!p2 $0x0  }
0x2a: {  	[sflag:s1] =	ssyncadd.s32 @!p2 $0xFFFFDF80;
	s1 =	sor.u32 @!p3 $0x1C04, s31;
	s31 =	sshrl.u32 @!p3 s7, $0x3  }
0x2b: {  	[spmem:s31], [sflag:s1] =	dma.local @!p3 [hbm:s8], $0x2780  }
0x2c: {  	s1 =	simm.s32 @!p3 $0x4  }
0x2d: {  	_ =	swait.ge @!p3 [sflag:s1], $0x2780  }
0x2e: {  	[sflag:s1] =	ssyncset.done @!p3 $0x0  }
0x2f: {  	[sflag:s1] =	ssyncadd.s32 @!p3 $0xFFFFD880  }
0x30: {  	[bflag:$0x0] =	sbarrier.arrive $0xFFFF  }
0x31: {  	[tilespmem:s23], [sflag:$0x1] =	stream.indirect.gather [hbm4b:s4+s22], $0x80, s3, s22, $0xb8;
	[tilespmem:$0x1FEA0] =	vst v63  }
0x32: {  	_ = 	snop  }
0x33: {  	[tilespmem:s24], [sflag:$0x2] =	stream.indirect.gather [hbm4b:s4+s22], $0x80, s22, s22, $0xb8;
	[tilespmem:$0x1FEA0] =	vst v63  }
0x34: {  	s17 =	simm.s32 $0xA0  }
0x35: {  	[tilespmem:s26], [sflag:$0x3] =	stream.indirect.gather [hbm4b:s4+s22], $0x80, s17, s22, $0xb8;
	[tilespmem:$0x1FEA0] =	vst v63  }
0x36: {  	_ =	swait.ge [sflag:s28], $0x2800  }
0x37: {  	[sflag:s28] =	ssyncset.done $0x0  }
0x38: {  	s17 =	simm.s32 $0x2710;
	[sflag:s28] =	ssyncadd.s32 $0xFFFFD800  }
0x39: {  	[spmem:s2] =	stream.indirect.scatter.add.f32 [tilespmem:s23], [sflag:$0x4], $0x80, s17, s22, $0xb8;
	[tilespmem:$0x1FEA0] =	vst v63  }
0x3a: {  	_ =	swait.ge [sflag:s16], $0x2800  }
0x3b: {  	[sflag:s16] =	ssyncset.done $0x0  }
0x3c: {  	s17 =	simm.s32 $0xF0;
	[sflag:s16] =	ssyncadd.s32 $0xFFFFD800  }
0x3d: {  	[tilespmem:s23], [sflag:$0x1] =	stream.indirect.gather [hbm4b:s4+s22], $0x80, s17, s22, $0xb8;
	[tilespmem:$0x1FEA0] =	vst v63  }
0x3e: {  	_ =	swait.ge [sflag:s29], $0x2800  }
0x3f: {  	[sflag:s29] =	ssyncset.done $0x0  }
0x40: {  	s17 =	simm.s32 $0x2760;
	[sflag:s29] =	ssyncadd.s32 $0xFFFFD800  }
0x41: {  	[spmem:s2] =	stream.indirect.scatter.add.f32 [tilespmem:s24], [sflag:$0x4], $0x80, s17, s22, $0xb8;
	[tilespmem:$0x1FEA0] =	vst v63  }
0x42: {  	_ =	swait.ge [sflag:s16], $0x2800  }
0x43: {  	[sflag:s16] =	ssyncset.done $0x0  }
0x44: {  	s17 =	simm.s32 $0x140;
	[sflag:s16] =	ssyncadd.s32 $0xFFFFD800  }
0x45: {  	[tilespmem:s24], [sflag:$0x2] =	stream.indirect.gather [hbm4b:s4+s22], $0x80, s17, s22, $0xb8;
	[tilespmem:$0x1FEA0] =	vst v63  }
0x46: {  	_ =	swait.ge [sflag:s30], $0x2800  }
0x47: {  	[sflag:s30] =	ssyncset.done $0x0  }
0x48: {  	s17 =	simm.s32 $0x27B0;
	[sflag:s30] =	ssyncadd.s32 $0xFFFFD800  }
0x49: {  	[spmem:s2] =	stream.indirect.scatter.add.f32 [tilespmem:s26], [sflag:$0x4], $0x80, s17, s22, $0xb8;
	[tilespmem:$0x1FEA0] =	vst v63  }
0x4a: {  	_ =	swait.ge [sflag:s16], $0x2800  }
0x4b: {  	[sflag:s16] =	ssyncset.done $0x0  }
0x4c: {  	s31 =	simm.s32 $0x3C0;
	s1 =	simm.s32 $0x190;
	[sflag:s16] =	ssyncadd.s32 $0xFFFFD800  }
.LBB2_2:
0x4d: {  	[tilespmem:s26], [sflag:$0x3] =	stream.indirect.gather [hbm4b:s4+s22], $0x80, s1, s22, $0xb8;
	[tilespmem:$0x1FEA0] =	vst v63  }
0x4e: {  	s1 =	smov.u32 s31  }
0x4f: {  	p5 =	sne.s32 s31, $0x9240;
	s31 =	sadd.s32 $0x3C0, s31;
	_ =	swait.ge [sflag:s28], $0x2800  }
0x50: {  	s1 =	sshra.s32 s1, $0x2;
	[sflag:s28] =	ssyncset.done $0x0  }
0x51: {  	s17 =	sadd.s32 $0x2710, s1;
	[sflag:s28] =	ssyncadd.s32 $0xFFFFD800  }
0x52: {  	[spmem:s2] =	stream.indirect.scatter.add.f32 [tilespmem:s23], [sflag:$0x4], $0x80, s17, s22, $0xb8;
	[tilespmem:$0x1FEA0] =	vst v63  }
0x53: {  	_ =	swait.ge [sflag:s16], $0x2800  }
0x54: {  	[sflag:s16] =	ssyncset.done $0x0  }
0x55: {  	s17 =	sadd.s32 $0xF0, s1;
	[sflag:s16] =	ssyncadd.s32 $0xFFFFD800  }
0x56: {  	[tilespmem:s23], [sflag:$0x1] =	stream.indirect.gather [hbm4b:s4+s22], $0x80, s17, s22, $0xb8;
	[tilespmem:$0x1FEA0] =	vst v63  }
0x57: {  	_ =	swait.ge [sflag:s29], $0x2800  }
0x58: {  	[sflag:s29] =	ssyncset.done $0x0  }
0x59: {  	s17 =	sadd.s32 $0x2760, s1;
	[sflag:s29] =	ssyncadd.s32 $0xFFFFD800  }
0x5a: {  	[spmem:s2] =	stream.indirect.scatter.add.f32 [tilespmem:s24], [sflag:$0x4], $0x80, s17, s22, $0xb8;
	[tilespmem:$0x1FEA0] =	vst v63  }
0x5b: {  	_ =	swait.ge [sflag:s16], $0x2800  }
0x5c: {  	[sflag:s16] =	ssyncset.done $0x0  }
0x5d: {  	s17 =	sadd.s32 $0x140, s1;
	[sflag:s16] =	ssyncadd.s32 $0xFFFFD800  }
0x5e: {  	[tilespmem:s24], [sflag:$0x2] =	stream.indirect.gather [hbm4b:s4+s22], $0x80, s17, s22, $0xb8;
	[tilespmem:$0x1FEA0] =	vst v63  }
0x5f: {  	_ =	swait.ge [sflag:s30], $0x2800  }
0x60: {  	[sflag:s30] =	ssyncset.done $0x0  }
.Ltmp0:
0x61: {  	s17 =	sadd.s32 $0x27B0, s1;
	[sflag:s30] =	ssyncadd.s32 $0xFFFFD800;
	(pc) =	sbr.rel @p5 .LBB2_2-.Ltmp0, $4  }
0x62: {  	[spmem:s2] =	stream.indirect.scatter.add.f32 [tilespmem:s26], [sflag:$0x4], $0x80, s17, s22, $0xb8;
	[tilespmem:$0x1FEA0] =	vst v63  }
0x63: {  	_ =	swait.ge [sflag:s16], $0x2800  }
0x64: {  	[sflag:s16] =	ssyncset.done $0x0  }
0x65: {  	s1 =	sadd.s32 $0x190, s1;
	[sflag:s16] =	ssyncadd.s32 $0xFFFFD800  }
0x66: {  	[tilespmem:s26], [sflag:$0x3] =	stream.indirect.gather [hbm4b:s4+s22], $0x80, s1, s22, $0xb8;
	[tilespmem:$0x1FEA0] =	vst v63  }
0x67: {  	_ =	swait.ge [sflag:s28], $0x2800  }
0x68: {  	[sflag:s28] =	ssyncset.done $0x0  }
0x69: {  	s31 =	simm.s32 $0x4C90;
	[sflag:s28] =	ssyncadd.s32 $0xFFFFD800  }
0x6a: {  	[spmem:s2] =	stream.indirect.scatter.add.f32 [tilespmem:s23], [sflag:$0x4], $0x80, s31, s22, $0xb8;
	[tilespmem:$0x1FEA0] =	vst v63  }
0x6b: {  	_ =	swait.ge [sflag:s16], $0x2800  }
0x6c: {  	[sflag:s16] =	ssyncset.done $0x0  }
0x6d: {  	s17 =	simm.s32 $0x2670;
	[sflag:s16] =	ssyncadd.s32 $0xFFFFD800  }
0x6e: {  	[tilespmem:s23], [sflag:$0x1] =	stream.indirect.gather [hbm4b:s4+s22], $0x80, s17, s22, $0xb8;
	[tilespmem:$0x1FEA0] =	vst v63  }
0x6f: {  	_ =	swait.ge [sflag:s29], $0x2800  }
0x70: {  	[sflag:s29] =	ssyncset.done $0x0  }
0x71: {  	s31 =	simm.s32 $0x4CE0;
	[sflag:s29] =	ssyncadd.s32 $0xFFFFD800  }
0x72: {  	[spmem:s2] =	stream.indirect.scatter.add.f32 [tilespmem:s24], [sflag:$0x4], $0x80, s31, s22, $0xb8;
	[tilespmem:$0x1FEA0] =	vst v63  }
0x73: {  	_ =	swait.ge [sflag:s16], $0x2800  }
0x74: {  	[sflag:s16] =	ssyncset.done $0x0  }
0x75: {  	s17 =	simm.s32 $0x26C0;
	[sflag:s16] =	ssyncadd.s32 $0xFFFFD800  }
0x76: {  	[tilespmem:s24], [sflag:$0x2] =	stream.indirect.gather [hbm4b:s4+s22], $0x80, s17, s22, $0xb8;
	[tilespmem:$0x1FEA0] =	vst v63  }
0x77: {  	_ =	swait.ge [sflag:s30], $0x2800  }
0x78: {  	[sflag:s30] =	ssyncset.done $0x0  }
0x79: {  	s31 =	simm.s32 $0x4D30;
	[sflag:s30] =	ssyncadd.s32 $0xFFFFD800  }
0x7a: {  	[spmem:s2] =	stream.indirect.scatter.add.f32 [tilespmem:s26], [sflag:$0x4], $0x80, s31, s22, $0xb8;
	[tilespmem:$0x1FEA0] =	vst v63  }
0x7b: {  	_ =	swait.ge [sflag:s16], $0x2800  }
0x7c: {  	[sflag:s16] =	ssyncset.done $0x0  }
0x7d: {  	[sflag:s16] =	ssyncadd.s32 $0xFFFFD800  }
0x7e: {  	_ =	swait.ge [sflag:s28], $0x2800  }
0x7f: {  	[sflag:s28] =	ssyncset.done $0x0  }
0x80: {  	s17 =	simm.s32 $0x4D80;
	[sflag:s28] =	ssyncadd.s32 $0xFFFFD800  }
0x81: {  	[spmem:s2] =	stream.indirect.scatter.add.f32 [tilespmem:s23], [sflag:$0x4], $0x80, s17, s22, $0xb8;
	[tilespmem:$0x1FEA0] =	vst v63  }
0x82: {  	_ =	swait.ge [sflag:s16], $0x2800  }
0x83: {  	[sflag:s16] =	ssyncset.done $0x0  }
0x84: {  	[sflag:s16] =	ssyncadd.s32 $0xFFFFD800  }
0x85: {  	_ =	swait.ge [sflag:s29], $0x2800  }
0x86: {  	[sflag:s29] =	ssyncset.done $0x0  }
0x87: {  	s31 =	simm.s32 $0x4DD0;
	[sflag:s29] =	ssyncadd.s32 $0xFFFFD800  }
0x88: {  	[spmem:s2] =	stream.indirect.scatter.add.f32 [tilespmem:s24], [sflag:$0x4], $0x80, s31, s22, $0xb8;
	[tilespmem:$0x1FEA0] =	vst v63  }
0x89: {  	_ =	swait.ge [sflag:s16], $0x2800  }
0x8a: {  	[sflag:s16] =	ssyncset.done $0x0  }
0x8b: {  	[sflag:s16] =	ssyncadd.s32 $0xFFFFD800  }
0x8c: {  	s1 =	sshrl.u32 @p4 s9, $0x3;
	s17 =	simm.s32 @p4 $0x1FC4;
	[bflag:$0x0] =	sbarrier.arrive $0xFFFF  }
0x8d: {  	[hbm:s14], [sflag:s17] =	dma.local @p4 [spmem:s1], $0x2080  }
0x8e: {  	s1 =	simm.s32 @p4 $0x4  }
0x8f: {  	s25 =	sadd.s32 $0x1, s25;
	_ =	swait.ge @p4 [sflag:s1], $0x2080  }
0x90: {  	p5 =	sne.s32 s25, s15;
	s17 =	sshll.u32 @!p4 s0, $0x6;
	[sflag:s1] =	ssyncset.done @p4 $0x0  }
0x91: {  	[sflag:s1] =	ssyncadd.s32 @p4 $0xFFFFDF80;
	s1 =	sor.u32 @!p4 $0x1C04, s17;
	s17 =	sshrl.u32 @!p4 s7, $0x3  }
0x92: {  	[hbm:s13], [sflag:s1] =	dma.local @!p4 [spmem:s17], $0x2780  }
.Ltmp1:
0x93: {  	_ = 	snop;
	(pc) =	sbr.rel @p5 .LBB2_1-.Ltmp1, $4  }
0x94: {  	s1 =	simm.s32 @!p4 $0x4  }
0x95: {  	_ =	swait.ge @!p4 [sflag:s1], $0x2780  }
0x96: {  	[sflag:s1] =	ssyncset.done @!p4 $0x0  }
0x97: {  	[sflag:s1] =	ssyncadd.s32 @!p4 $0xFFFFD880  }
0x98: {  	_ =	sfence.sel $0x180000  }
0x99: {  	[bflag:$0x0] =	sbarrier.arrive $0xFFFF  }
0x9a: {  	_ =	strace $0x9000004A  }
0x9b: {  	[bflag:$0x2] =	sbarrier.arrive $0xFFFF  }
0x9c: {  	p0 =	sne.s32 s0, $0x0;
	s0 =	rddreg [dreg:$0x2]  }
0x9d: {  	s0 =	sadd.s32 @!p0 $0x100000, s0  }
0x9e: {  	[sflag:s0] =	ssyncadd.tile.s32 @!p0 $0x1;
	_ =	shalt  }
.Lfunc_end2:
_tile_overlayer_lowered:
.L_overlay_start_2:
0x9f: {  	(tag) =	ssettag $0x2  }
0xa0: {  	s0 =	rddreg [dreg:$0x0];
	s2 =	stileid.u32  }
0xa1: {  	s1 =	rddreg [dreg:$0x1];
	p0 =	sne.s32 s2, $0x0  }
0xa2: {  	s3 =	rddreg [dreg:$0x2];
	[bflag:$0x3] =	sbarrier.arrive $0xFFFF;
	s2 =	simm.s32 @!p0 $0x1C04  }
0xa3: {  	[timem:s3], [sflag:s2] =	dma.local @!p0 [hbm:s0], s1  }
0xa4: {  	s0 =	simm.s32 @!p0 $0x4  }
0xa5: {  	_ =	swait.ge @!p0 [sflag:s0], s1  }
0xa6: {  	s1 =	ssub.s32 @!p0 $0x0, s1;
	[sflag:s0] =	ssyncset.done @!p0 $0x0  }
0xa7: {  	[sflag:s0] =	ssyncadd.s32 @!p0 s1  }
0xa8: {  	[bflag:$0x3] =	sbarrier.arrive $0xFFFF  }
0xa9: {  	_ =	shalt  }

// kernel: kernel.14.cloned.1.call-start
scs
__scs_entry_jumppad:
0x0: {  	(pc) =	sbr.rel $0x88, $3  }
0x1: {  	(tag) =	ssettag $0x0;
	lr =	simm.s32 $0x1  }
0x2: {  	[smem:$0x3F9B] =	sst lr;
	_ =	strace $0xD0000000  }
0x3: {  	_ = 	snop  }
0x4: {  	_ = 	snop  }
0x5: {  	_ = 	snop  }
0x6: {  	_ = 	snop  }
0x7: {  	_ = 	snop  }
__scs_overlays_trampoline_lowered:
0x8: {  	[smem:$0x3FAA] =	sst s0  }
0x9: {  	[smem:$0x3FAB] =	sst s1  }
0xa: {  	[smem:$0x3FAC] =	sst s2  }
0xb: {  	[smem:$0x3FAD] =	sst s3  }
0xc: {  	[smem:$0x3FAE] =	sst s4  }
0xd: {  	[smem:$0x3FAF] =	sst s5  }
0xe: {  	[smem:$0x3FB0] =	sst s6  }
0xf: {  	[smem:$0x3FB1] =	sst s7  }
0x10: {  	[smem:$0x3FB2] =	sst s8  }
0x11: {  	[smem:$0x3FB3] =	sst s9;
	s0 =	simm.s32 @!p0 $0x0  }
0x12: {  	s1 =	sld [smem:$0x3F99];
	s0 =	simm.s32 @p0 $0x1  }
0x13: {  	[smem:$0x3FB4] =	sst s0;
	s0 =	simm.s32 @!p1 $0x0  }
0x14: {  	s2 =	sld [smem:$0x3F98];
	s0 =	simm.s32 @p1 $0x1  }
0x15: {  	[smem:$0x3FB5] =	sst s0;
	s0 =	simm.s32 @!p2 $0x0  }
0x16: {  	s3 =	sld [smem:$0x3FDB];
	s0 =	simm.s32 @p2 $0x1  }
0x17: {  	s4 =	simm.s32 $0x1BF5;
	[smem:$0x3FB7] =	sst s0  }
0x18: {  	s0 =	sld [smem:$0x3F9A];
	_ =	swait.ge [sflag:s4], $0x0  }
0x19: {  	s7 =	sld [smem:$0x3F9B]  }
0x1a: {  	s8 =	sadd.s32 $0xFFFFE003, lr  }
0x1b: {  	s9 =	sadd.s32 $0xFFFFFEF7, lr;
	s5 =	simm.s32 $0xFFFFFFFF;
	p2 =	slt.u32 s8, $0xFFFFF086  }
0x1c: {  	p1 =	slt.u32 s9, $0xF7A;
	s5 =	simm.s32 @!p2 $0x0  }
0x1d: {  	s5 =	simm.s32 @p1 $0x1;
	p0 =	seq.s32 s7, s2  }
0x1e: {  	s7 =	smul.u32 @!p0 $0xF7A, s2;
	p2 =	seq.s32 @!p0 s5, $0x0  }
0x1f: {  	s9 =	smul.u32 $0xF7A, s1;
	s8 =	simm.s32 @!p0 $0x1BF5;
	p2 =	por !p2, p0  }
0x20: {  	[sflag:s8] =	ssyncset.s32 @!p0 $0xFFFFF086;
	s6 =	sadd.s32 @!p0 s3, s7;
	s7 =	simm.s32 @!p0 $0x108  }
0x21: {  	s3 =	sadd.s32 s3, s9;
	s6 =	sadd.s32 @!p0 $0x88, s6;
	s7 =	simm.s32 @p2 $0x1082  }
0x22: {  	[simem:s7], [sflag:s8] =	dma.local @!p0 [hbm:s6], $0xF7A  }
0x23: {  	s9 =	sor.u32 $0xD0000000, s2;
	s6 =	simm.s32 $0x108;
	_ =	swait.ge @!p0 [sflag:s8], $0x0  }
0x24: {  	s3 =	sadd.s32 $0x88, s3;
	s6 =	simm.s32 @!p1 $0x1082;
	[sflag:s4] =	ssyncset.s32 $0xFFFFF086  }
0x25: {  	[simem:s6], [sflag:s4] =	dma.local [hbm:s3], $0xF7A  }
0x26: {  	[smem:$0x3F9B] =	sst s1;
	(tag) =	ssettag s2;
	_ =	strace s9  }
0x27: {  	s1 =	sld [smem:$0x3FAB]  }
0x28: {  	s2 =	sld [smem:$0x3FAC]  }
0x29: {  	s4 =	sld [smem:$0x3FAE]  }
0x2a: {  	p0 =	seq.s32 s5, $0x0;
	s5 =	sld [smem:$0x3FAF]  }
0x2b: {  	s6 =	sld [smem:$0x3FB0]  }
0x2c: {  	s7 =	sld [smem:$0x3FB1]  }
0x2d: {  	s3 =	simm.s32 $0x108;
	s8 =	sld [smem:$0x3FB2]  }
0x2e: {  	s3 =	simm.s32 @!p0 $0x1082;
	s9 =	sld [smem:$0x3FB3]  }
0x2f: {  	lr =	sadd.s32 s0, s3;
	s0 =	sld [smem:$0x3FAA]  }
0x30: {  	s3 =	sld [smem:$0x3FAD]  }
0x31: {  	[smem:$0x3FB6] =	sst s10  }
0x32: {  	s10 =	sld [smem:$0x3FB4];
	_ =	sdelay $0x3  }
0x33: {  	p0 =	seq.s32 s10, $0x1;
	s10 =	sld [smem:$0x3FB6];
	_ =	sdelay $0x3  }
0x34: {  	[smem:$0x3FB6] =	sst s10  }
0x35: {  	s10 =	sld [smem:$0x3FB5];
	_ =	sdelay $0x3  }
0x36: {  	p1 =	seq.s32 s10, $0x1;
	s10 =	sld [smem:$0x3FB6];
	_ =	sdelay $0x3  }
0x37: {  	[smem:$0x3FB6] =	sst s10  }
0x38: {  	s10 =	sld [smem:$0x3FB7]  }
0x39: {  	_ = 	snop;
	(pc) =	sbr.ind lr, $3  }
0x3a: {  	_ = 	snop  }
0x3b: {  	_ = 	snop  }
0x3c: {  	p2 =	seq.s32 s10, $0x1;
	s10 =	sld [smem:$0x3FB6]  }
0x3d: {  	_ =	shalt  }
0x3e: {  	_ =	shalt  }
0x3f: {  	_ =	shalt  }
0x40: {  	_ =	shalt  }
0x41: {  	_ =	shalt  }
0x42: {  	_ =	shalt  }
0x43: {  	_ =	shalt  }
0x44: {  	_ =	shalt  }
0x45: {  	_ =	shalt  }
0x46: {  	_ =	shalt  }
0x47: {  	_ =	shalt  }
0x48: {  	_ =	shalt  }
0x49: {  	_ =	shalt  }
0x4a: {  	_ =	shalt  }
0x4b: {  	_ =	shalt  }
0x4c: {  	_ =	shalt  }
0x4d: {  	_ =	shalt  }
0x4e: {  	_ =	shalt  }
0x4f: {  	_ =	shalt  }
0x50: {  	_ =	shalt  }
0x51: {  	_ =	shalt  }
0x52: {  	_ =	shalt  }
0x53: {  	_ =	shalt  }
0x54: {  	_ =	shalt  }
0x55: {  	_ =	shalt  }
0x56: {  	_ =	shalt  }
0x57: {  	_ =	shalt  }
0x58: {  	_ =	shalt  }
0x59: {  	_ =	shalt  }
0x5a: {  	_ =	shalt  }
0x5b: {  	_ =	shalt  }
0x5c: {  	_ =	shalt  }
0x5d: {  	_ =	shalt  }
0x5e: {  	_ =	shalt  }
0x5f: {  	_ =	shalt  }
0x60: {  	_ =	shalt  }
0x61: {  	_ =	shalt  }
0x62: {  	_ =	shalt  }
0x63: {  	_ =	shalt  }
0x64: {  	_ =	shalt  }
0x65: {  	_ =	shalt  }
0x66: {  	_ =	shalt  }
0x67: {  	_ =	shalt  }
0x68: {  	_ =	shalt  }
0x69: {  	_ =	shalt  }
0x6a: {  	_ =	shalt  }
0x6b: {  	_ =	shalt  }
0x6c: {  	_ =	shalt  }
0x6d: {  	_ =	shalt  }
0x6e: {  	_ =	shalt  }
0x6f: {  	_ =	shalt  }
0x70: {  	_ =	shalt  }
0x71: {  	_ =	shalt  }
0x72: {  	_ =	shalt  }
0x73: {  	_ =	shalt  }
0x74: {  	_ =	shalt  }
0x75: {  	_ =	shalt  }
0x76: {  	_ =	shalt  }
0x77: {  	_ =	shalt  }
0x78: {  	_ =	shalt  }
0x79: {  	_ =	shalt  }
0x7a: {  	_ =	shalt  }
0x7b: {  	_ =	shalt  }
0x7c: {  	_ =	shalt  }
0x7d: {  	_ =	shalt  }
0x7e: {  	_ =	shalt  }
0x7f: {  	_ =	shalt  }
0x80: {  	_ =	shalt  }
0x81: {  	_ =	shalt  }
0x82: {  	_ =	shalt  }
0x83: {  	_ =	shalt  }
0x84: {  	_ =	shalt  }
0x85: {  	_ =	shalt  }
0x86: {  	_ =	shalt  }
0x87: {  	_ =	shalt  }
.Lfunc_end0:
.L_simem_size_0:
called_computation.2_lowered:
.L_overlay_start_0:
0x88: {  	s2 =	sld [smem:$0x3FD9]  }
0x89: {  	s3 =	sld [smem:$0x3FFE];
	_ =	sdelay $0x1  }
0x8a: {  	s1 =	srdreg.scid  }
0x8b: {  	s0 =	sand.u32 $0x1, s1  }
0x8c: {  	s17 =	sshll.u32 s0, $0xA;
	s2 =	sadd.s32 s3, s2  }
0x8d: {  	s2 =	sadd.s32 s2, s17  }
0x8e: {  	[smem:$0x3FC2] =	sst s2  }
0x8f: {  	_ = 	snop  }
0x90: {  	s2 =	sld [smem:$0x3FD0];
	(tm) =	ssettm $0x1  }
0x91: {  	s18 =	sld [smem:$0x3FFB];
	_ =	sdelay $0x3  }
0x92: {  	_ =	strace s18  }
0x93: {  	s3 =	sld [smem:$0x3FFC];
	_ =	sdelay $0x3  }
0x94: {  	_ =	strace s3  }
0x95: {  	s3 =	sld [smem:$0x3FFD];
	_ =	sdelay $0x3  }
0x96: {  	_ =	strace s3  }
0x97: {  	_ =	strace $0x8FFFFFFF  }
0x98: {  	s19 =	sld [smem:$0x3FDB];
	_ =	sdelay $0x1  }
0x99: {  	s4 =	simm.s32 $_scs_section_size  }
0x9a: {  	s5 =	simm.s32 $_size__tile_overlayer_lowered;
	s6 =	simm.s32 $_tile_overlayer_lowered  }
0x9b: {  	s22 =	simm.s32 $0x1BFF;
	s21 =	sshll.u32 s6, $0x1;
	s3 =	sadd.s32 s4, s19  }
0x9c: {  	s7 =	simm.s32 $0x0;
	s20 =	sshll.u32 s5, $0x1;
	s5 =	sadd.s32 s21, s3  }
0x9d: {  	[timem:s7], [sflag:s22] =	dma.local [hbm:s5], s20  }
0x9e: {  	_ =	swait.ge [sflag:s22], s20  }
0x9f: {  	s4 =	ssub.s32 $0x0, s20;
	[sflag:s22] =	ssyncset.done $0x0  }
0xa0: {  	[sflag:s22] =	ssyncadd.s32 s4;
	_ =	sdelay $0x1  }
0xa1: {  	s23 =	simm.s32 $0x1B8B  }
0xa2: {  	_ =	swait.ge [sflag:s23], $0x1  }
0xa3: {  	[sflag:s23] =	ssyncset.done $0x0  }
0xa4: {  	s25 =	simm.s32 $0x1B8E;
	s24 =	sld [smem:$0x3FFE];
	[sflag:s23] =	ssyncadd.s32 $0xFFFFFFFF  }
0xa5: {  	s26 =	simm.s32 $execute0_lowered;
	[smem:$0x3FD2] =	sst s25  }
0xa6: {  	s5 =	sshll.u32 s26, $0x1;
	_ =	strace $0x8000004C;
	[dreg:$0x1] =	wrdreg $0xFFFFFFFF  }
0xa7: {  	s28 =	simm.s32 $_size_execute0_lowered;
	s3 =	sadd.s32 s3, s5;
	[dreg:$0x0] =	wrdreg $0x0  }
0xa8: {  	s5 =	sshll.u32 s28, $0x1;
	[dreg:$0x2] =	wrdreg s3  }
0xa9: {  	[dreg:$0x3] =	wrdreg s5  }
0xaa: {  	[dreg:$0x4] =	wrdreg $0xC0  }
0xab: {  	_ =	task [dreg:s7], $0x5FFFF  }
0xac: {  	[dreg:$0x1] =	wrdreg $0xFFFFFFFF  }
0xad: {  	[dreg:$0x0] =	wrdreg $0x60  }
0xae: {  	[dreg:$0x2] =	wrdreg s2  }
0xaf: {  	[dreg:$0x3] =	wrdreg s24  }
0xb0: {  	[dreg:$0x4] =	wrdreg $0x8E800  }
0xb1: {  	[dreg:$0x5] =	wrdreg $0x9  }
0xb2: {  	_ =	task.clear_ibuf [dreg:s7], $0x6FFFF;
	_ =	strace $0x9000004C  }
0xb3: {  	s29 =	simm.s32 $0x9;
	_ =	strace $0x8000004E  }
0xb4: {  	_ =	swait.ge [sflag:s29], $0x1  }
0xb5: {  	[sflag:s29] =	ssyncadd.s32 $0xFFFFFFFF  }
0xb6: {  	_ =	strace $0x9000004E  }
0xb7: {  	_ =	sfence  }
0xb8: {  	s30 =	sld [smem:$0x0];
	_ =	sdelay $0x2  }
0xb9: {  	s31 =	sshll.u32 s1, $0xD;
	s1 =	sshrl.u32 s1, $0x2  }
0xba: {  	s3 =	sand.u32 $0x4000, s31;
	s1 =	sadd.s32 s1, s30  }
0xbb: {  	s0 =	sor.u32 s3, s0;
	s1 =	sshll.u32 s1, $0x11  }
0xbc: {  	s0 =	sor.u32 s1, s0  }
0xbd: {  	s0 =	sadd.s32 $0x8F2B, s0  }
0xbe: {  	[sflag:s0] =	ssyncadd.remote.s32 $0x1  }
0xbf: {  	_ =	sfence.sel $0xFFFF  }
0xc0: {  	[dreg:$0x0] =	wrdreg $0xFFFFFFFF;
	(pc) =	sbr.abs _section_cstart, $3  }
0xc1: {  	[dreg:$0x1] =	wrdreg $0xFFFFFFFF  }
0xc2: {  	_ =	task.clear_ibuf [dreg:s7], $0x2FFFF;
	_ =	strace $0x9FFFFFFF  }
0xc3: {  	(tm) =	ssettm $0x7FFFFFFF  }
tec
execute0_lowered:
.L_overlay_start_1:
0x0: {  	(tag) =	ssettag $0x1  }
0x1: {  	s1 =	rddreg [dreg:$0x0]  }
0x2: {  	s0 =	srdreg.scid;
	s2 =	rddreg [dreg:$0x1]  }
0x3: {  	s13 =	stileid.u32;
	s3 =	rddreg [dreg:$0x2]  }
0x4: {  	s16 =	simm.s32 $0x9;
	s28 =	simm.s32 $0x5FA0;
	s30 =	simm.s32 $0x86B0  }
0x5: {  	s31 =	simm.s32 $0x1;
	s17 =	simm.s32 $0x3;
	s29 =	simm.s32 $0x8  }
0x6: {  	s0 =	sand.u32 $0x1, s0;
	s6 =	smul.u32 $0x2780, s13;
	s11 =	sadd.s32 $0x6E00, s2  }
0x7: {  	s22 =	sadd.s32 $0x4A10, s1;
	s4 =	sshll.u32 s0, $0x4;
	s7 =	ssub.s32 $0x2, s0  }
0x8: {  	p3 =	seq.s32 s0, $0x1;
	s0 =	smul.u32 $0x27100, s0;
	s5 =	sor.u32 s13, s4  }
0x9: {  	s4 =	simm.s32 $0x0;
	s8 =	sshrl.u32 s6, $0x3;
	s9 =	sshrl.u32 s7, $0x1  }
0xa: {  	p1 =	seq.s32 @p3 s13, $0xF;
	p4 =	seq.s32 @!p3 s13, $0xF;
	s5 =	smul.u32 $0x500, s5  }
0xb: {  	[smem:$0x7FF] =	sst s4;
	s10 =	sadd.s32 s8, s2;
	s12 =	ssub.s32 s7, s9  }
0xc: {  	s7 =	sadd.s32 s6, s3;
	s21 =	sadd.s32 s1, s8;
	s8 =	sadd.s32 $0x25080, s3  }
0xd: {  	s24 =	sadd.s32 s6, s0;
	s0 =	sshrl.u32 s0, $0x3;
	p0 =	por !p1, !p3  }
0xe: {  	p1 =	por p1, !p3;
	p2 =	por !p4, p3;
	p3 =	por p4, p3  }
0xf: {  	p4 =	seq.s32 s13, $0xF;
	_ =	strace $0x8000004D;
	[dreg:$0x6] =	wrdreg s21  }
0x10: {  	[dreg:$0x7] =	wrdreg s22;
	s23 =	sadd.s32 $0x1E00, s10;
	s25 =	sshrl.u32 s24, $0x3  }
0x11: {  	s0 =	sadd.s32 s11, s0;
	s26 =	smax.u32 s12, $0x1;
	s18 =	smov.u32 s8  }
0x12: {  	s21 =	sshrl.u32 @!p2 s8, $0x3;
	s22 =	simm.s32 $0x7D;
	[dreg:$0x8] =	wrdreg s23  }
0x13: {  	s5 =	sadd.s32 s5, s2;
	s2 =	sadd.s32 $0x6810, s2;
	[dreg:$0xc] =	wrdreg s26  }
0x14: {  	s24 =	simm.s32 $0x5;
	s0 =	sadd.s32 $0x4A10, s0;
	[dreg:$0x9] =	wrdreg s2  }
0x15: {  	s23 =	simm.s32 $0x5000;
	s20 =	sadd.s32 $0x10A200, s5;
	[dreg:$0xb] =	wrdreg s0  }
.Ltmp0:
0x16: {  	s5 =	sadd.s32 $0x15A00, s5;
	[dreg:$0x4] =	wrdreg s20;
	(pc) =	sbr.rel .LBB2_1-.Ltmp0, $4  }
0x17: {  	s26 =	simm.s32 $0x7EE0;
	s2 =	sadd.s32 s11, s25;
	[dreg:$0x5] =	wrdreg s5  }
0x18: {  	s0 =	sshrl.u32 @!p0 s8, $0x3;
	s25 =	simm.s32 $0x7;
	[dreg:$0xa] =	wrdreg s2  }
0x19: {  	[dreg:$0xd] =	wrdreg s0;
	s0 =	sshll.u32 @!p1 s13, $0x6;
	s20 =	sshrl.u32 @!p1 s7, $0x3  }
0x1a: {  	s2 =	simm.s32 $0x6F40;
	s5 =	simm.s32 $0x0;
	s19 =	sor.u32 @!p1 $0x1C09, s0  }
.LBB2_4:
0x1b: {  	_ =	swait.ge [sflag:s29], $0x7D0  }
0x1c: {  	[sflag:s29] =	ssyncset.done $0x0  }
0x1d: {  	[sflag:s29] =	ssyncadd.s32 $0xFFFFF830  }
0x1e: {  	[spmem:s3] =	stream.indirect.scatter.add.f32 [tilespmem:s30], [sflag:$0x9], $0x10, s8, s22, $0xb8;
	[tilespmem:$0xB590] =	vst v63  }
0x1f: {  	_ =	swait.ge [sflag:s16], $0x7D0  }
0x20: {  	[sflag:s16] =	ssyncset.done $0x0  }
0x21: {  	[sflag:s16] =	ssyncadd.s32 $0xFFFFF830  }
0x22: {  	[bflag:$0x0] =	sbarrier.arrive $0xFFFF  }
0x23: {  	s0 =	sshrl.u32 @p4 s18, $0x3;
	s6 =	simm.s32 @p4 $0x1FC9;
	s8 =	rddreg [dreg:$0xb]  }
0x24: {  	[hbm:s8], [sflag:s6] =	dma.local @p4 [spmem:s0], $0x410  }
0x25: {  	s0 =	simm.s32 @p4 $0x9  }
0x26: {  	s13 =	stileid.u32;
	_ =	swait.ge @p4 [sflag:s0], $0x410  }
0x27: {  	s6 =	sshll.u32 @!p4 s13, $0x6;
	[sflag:s0] =	ssyncset.done @p4 $0x0;
	s8 =	rddreg [dreg:$0xa]  }
0x28: {  	[sflag:s0] =	ssyncadd.s32 @p4 $0xFFFFFBF0;
	s0 =	sor.u32 @!p4 $0x1C09, s6;
	s6 =	sshrl.u32 @!p4 s7, $0x3  }
0x29: {  	[hbm:s8], [sflag:s0] =	dma.local @!p4 [spmem:s6], $0x4F0  }
0x2a: {  	s0 =	simm.s32 @!p4 $0x9  }
0x2b: {  	_ =	swait.ge @!p4 [sflag:s0], $0x4F0  }
0x2c: {  	s5 =	sadd.s32 $0x1, s5;
	s15 =	rddreg [dreg:$0xc]  }
0x2d: {  	p5 =	sne.s32 s5, s15  }
.Ltmp1:
0x2e: {  	_ = 	snop;
	(pc) =	sbr.rel @!p5 .LBB2_5-.Ltmp1, $3  }
0x2f: {  	_ =	sdelay $0x1  }
0x30: {  	[sflag:s0] =	ssyncset.done @!p4 $0x0  }
0x31: {  	[sflag:s0] =	ssyncadd.s32 @!p4 $0xFFFFFB10  }
.LBB2_1:
0x32: {  	s0 =	rddreg [dreg:$0x4]  }
0x33: {  	[tilespmem:s4], [sflag:$0x9] =	stream.linear.gather [hbm4b:s0+s4], $0x2800, $0x38;
	[tilespmem:$0xB590] =	vst v63  }
0x34: {  	_ =	swait.ge [sflag:s16], $0x2800  }
0x35: {  	[sflag:s16] =	ssyncset.done $0x0  }
0x36: {  	s6 =	simm.s32 $0x2800;
	s12 =	rddreg [dreg:$0x5];
	[sflag:s16] =	ssyncadd.s32 $0xFFFFD800  }
0x37: {  	[tilespmem:s6], [sflag:$0x9] =	stream.linear.gather [hbm4b:s12+s4], $0x2800, $0x38;
	[tilespmem:$0xB590] =	vst v63  }
0x38: {  	_ =	swait.ge [sflag:s16], $0x2800  }
0x39: {  	[sflag:s16] =	ssyncset.done $0x0;
	s6 =	rddreg [dreg:$0x9]  }
0x3a: {  	s0 =	simm.s32 @!p0 $0x1FC9;
	s8 =	rddreg [dreg:$0xd];
	[sflag:s16] =	ssyncadd.s32 $0xFFFFD800  }
0x3b: {  	[spmem:s8], [sflag:s0] =	dma.local @!p0 [hbm:s6], $0x410  }
0x3c: {  	s0 =	simm.s32 @!p0 $0x9  }
0x3d: {  	_ =	swait.ge @!p0 [sflag:s0], $0x410  }
0x3e: {  	[sflag:s0] =	ssyncset.done @!p0 $0x0  }
0x3f: {  	[sflag:s0] =	ssyncadd.s32 @!p0 $0xFFFFFBF0;
	s0 =	rddreg [dreg:$0x8]  }
0x40: {  	[spmem:s20], [sflag:s19] =	dma.local @!p1 [hbm:s0], $0x4F0  }
0x41: {  	s0 =	simm.s32 @!p1 $0x9  }
0x42: {  	_ =	swait.ge @!p1 [sflag:s0], $0x4F0  }
0x43: {  	[sflag:s0] =	ssyncset.done @!p1 $0x0  }
0x44: {  	s6 =	rddreg [dreg:$0x7];
	[sflag:s0] =	ssyncadd.s32 @!p1 $0xFFFFFB10;
	s0 =	simm.s32 @!p2 $0x1FC9  }
0x45: {  	[spmem:s21], [sflag:s0] =	dma.local @!p2 [hbm:s6], $0x410  }
0x46: {  	s0 =	simm.s32 @!p2 $0x9  }
0x47: {  	_ =	swait.ge @!p2 [sflag:s0], $0x410  }
0x48: {  	s6 =	sshll.u32 @!p3 s13, $0x6;
	[sflag:s0] =	ssyncset.done @!p2 $0x0;
	s8 =	rddreg [dreg:$0x6]  }
0x49: {  	[sflag:s0] =	ssyncadd.s32 @!p2 $0xFFFFFBF0;
	s0 =	sor.u32 @!p3 $0x1C09, s6;
	s6 =	sshrl.u32 @!p3 s7, $0x3  }
0x4a: {  	[spmem:s6], [sflag:s0] =	dma.local @!p3 [hbm:s8], $0x4F0  }
0x4b: {  	s0 =	simm.s32 @!p3 $0x9  }
0x4c: {  	_ =	swait.ge @!p3 [sflag:s0], $0x4F0  }
0x4d: {  	[sflag:s0] =	ssyncset.done @!p3 $0x0  }
0x4e: {  	[sflag:s0] =	ssyncadd.s32 @!p3 $0xFFFFFB10  }
0x4f: {  	[bflag:$0x0] =	sbarrier.arrive $0xFFFF  }
0x50: {  	[tilespmem:s23], [sflag:$0x1] =	stream.indirect.gather [hbm4b:s1+s22], $0x10, s4, s22, $0xb8;
	[tilespmem:$0xB590] =	vst v63  }
0x51: {  	s14 =	simm.s32 $0x80;
	s15 =	simm.s32 $0x57D0  }
0x52: {  	[tilespmem:s15], [sflag:$0x2] =	stream.indirect.gather [hbm4b:s1+s22], $0x10, s14, s22, $0xb8;
	[tilespmem:$0xB590] =	vst v63  }
0x53: {  	s8 =	simm.s32 $0x100  }
0x54: {  	[tilespmem:s28], [sflag:$0x3] =	stream.indirect.gather [hbm4b:s1+s22], $0x10, s8, s22, $0xb8;
	[tilespmem:$0xB590] =	vst v63  }
0x55: {  	s9 =	simm.s32 $0x180;
	s10 =	simm.s32 $0x6770  }
0x56: {  	[tilespmem:s10], [sflag:$0x4] =	stream.indirect.gather [hbm4b:s1+s22], $0x10, s9, s22, $0xb8;
	[tilespmem:$0xB590] =	vst v63  }
0x57: {  	s11 =	simm.s32 $0x200  }
0x58: {  	[tilespmem:s2], [sflag:$0x5] =	stream.indirect.gather [hbm4b:s1+s22], $0x10, s11, s22, $0xb8;
	[tilespmem:$0xB590] =	vst v63  }
0x59: {  	s12 =	simm.s32 $0x280;
	s13 =	simm.s32 $0x7710  }
0x5a: {  	[tilespmem:s13], [sflag:$0x6] =	stream.indirect.gather [hbm4b:s1+s22], $0x10, s12, s22, $0xb8;
	[tilespmem:$0xB590] =	vst v63  }
0x5b: {  	s14 =	simm.s32 $0x300  }
0x5c: {  	[tilespmem:s26], [sflag:$0x7] =	stream.indirect.gather [hbm4b:s1+s22], $0x10, s14, s22, $0xb8;
	[tilespmem:$0xB590] =	vst v63  }
0x5d: {  	s6 =	simm.s32 $0x0;
	s15 =	simm.s32 $0x380  }
0x5e: {  	[tilespmem:s30], [sflag:$0x8] =	stream.indirect.gather [hbm4b:s1+s22], $0x10, s15, s22, $0xb8;
	[tilespmem:$0xB590] =	vst v63  }
.LBB2_2:
0x5f: {  	_ =	swait.ge [sflag:s31], $0x7D0  }
0x60: {  	s0 =	sshra.s32 s6, $0x2;
	[sflag:s31] =	ssyncset.done $0x0  }
0x61: {  	s8 =	sadd.s32 $0x2800, s0;
	[sflag:s31] =	ssyncadd.s32 $0xFFFFF830  }
0x62: {  	[spmem:s3] =	stream.indirect.scatter.add.f32 [tilespmem:s23], [sflag:$0x9], $0x10, s8, s22, $0xb8;
	[tilespmem:$0xB590] =	vst v63  }
0x63: {  	_ =	swait.ge [sflag:s16], $0x7D0  }
0x64: {  	p5 =	seq.s32 s6, $0x9000;
	[sflag:s16] =	ssyncset.done $0x0  }
0x65: {  	s8 =	simm.s32 @p5 $0x2;
	[sflag:s16] =	ssyncadd.s32 $0xFFFFF830  }
0x66: {  	s11 =	sshra.s32 @p5 s6, $0x2;
	_ =	swait.ge @p5 [sflag:s8], $0x7D0  }
0x67: {  	s12 =	simm.s32 @p5 $0x7D;
	s10 =	simm.s32 @p5 $0x57D0;
	[sflag:s8] =	ssyncset.done @p5 $0x0  }
0x68: {  	s13 =	simm.s32 @p5 $0x9;
	[sflag:s8] =	ssyncadd.s32 @p5 $0xFFFFF830;
	s8 =	sadd.s32 @p5 $0x2880, s11  }
0x69: {  	[spmem:s3] =	stream.indirect.scatter.add.f32 @p5 [tilespmem:s10], [sflag:$0x9], $0x10, s8, s12, $0xb8;
	[tilespmem:$0xB590] =	vst v63  }
0x6a: {  	_ =	swait.ge @p5 [sflag:s13], $0x7D0  }
0x6b: {  	s15 =	simm.s32 @!p5 $0x5000;
	s8 =	sshra.s32 @!p5 s6, $0x2;
	[sflag:s13] =	ssyncset.done @p5 $0x0  }
0x6c: {  	s10 =	simm.s32 @!p5 $0x7D;
	s14 =	sadd.s32 @!p5 $0x400, s8;
	[sflag:s13] =	ssyncadd.s32 @p5 $0xFFFFF830  }
0x6d: {  	[tilespmem:s15], [sflag:$0x1] =	stream.indirect.gather @!p5 [hbm4b:s1+s10], $0x10, s14, s10, $0xb8;
	[tilespmem:$0xB590] =	vst v63  }
0x6e: {  	s14 =	simm.s32 @!p5 $0x2  }
0x6f: {  	_ =	swait.ge @!p5 [sflag:s14], $0x7D0  }
0x70: {  	[sflag:s14] =	ssyncset.done @!p5 $0x0  }
0x71: {  	s15 =	simm.s32 @!p5 $0x57D0;
	[sflag:s14] =	ssyncadd.s32 @!p5 $0xFFFFF830;
	s14 =	sadd.s32 @!p5 $0x2880, s8  }
0x72: {  	[spmem:s3] =	stream.indirect.scatter.add.f32 @!p5 [tilespmem:s15], [sflag:$0x9], $0x10, s14, s10, $0xb8;
	[tilespmem:$0xB590] =	vst v63  }
0x73: {  	s14 =	simm.s32 @!p5 $0x9  }
0x74: {  	_ =	swait.ge @!p5 [sflag:s14], $0x7D0  }
0x75: {  	[sflag:s14] =	ssyncset.done @!p5 $0x0  }
0x76: {  	s9 =	sadd.s32 @!p5 $0x480, s8;
	[sflag:s14] =	ssyncadd.s32 @!p5 $0xFFFFF830  }
0x77: {  	[tilespmem:s15], [sflag:$0x2] =	stream.indirect.gather @!p5 [hbm4b:s1+s10], $0x10, s9, s10, $0xb8;
	[tilespmem:$0xB590] =	vst v63  }
0x78: {  	_ =	swait.ge [sflag:s17], $0x7D0  }
0x79: {  	[sflag:s17] =	ssyncset.done $0x0  }
0x7a: {  	s15 =	sadd.s32 $0x2900, s0;
	[sflag:s17] =	ssyncadd.s32 $0xFFFFF830  }
0x7b: {  	[spmem:s3] =	stream.indirect.scatter.add.f32 [tilespmem:s28], [sflag:$0x9], $0x10, s15, s22, $0xb8;
	[tilespmem:$0xB590] =	vst v63  }
0x7c: {  	_ =	swait.ge [sflag:s16], $0x7D0  }
0x7d: {  	[sflag:s16] =	ssyncset.done $0x0  }
0x7e: {  	s9 =	simm.s32 @p5 $0x4;
	[sflag:s16] =	ssyncadd.s32 $0xFFFFF830  }
0x7f: {  	_ =	swait.ge @p5 [sflag:s9], $0x7D0  }
0x80: {  	[sflag:s9] =	ssyncset.done @p5 $0x0  }
0x81: {  	s15 =	simm.s32 @p5 $0x6770;
	[sflag:s9] =	ssyncadd.s32 @p5 $0xFFFFF830;
	s9 =	sadd.s32 @p5 $0x2980, s11  }
0x82: {  	[spmem:s3] =	stream.indirect.scatter.add.f32 @p5 [tilespmem:s15], [sflag:$0x9], $0x10, s9, s12, $0xb8;
	[tilespmem:$0xB590] =	vst v63  }
0x83: {  	_ =	swait.ge @p5 [sflag:s13], $0x7D0  }
0x84: {  	[sflag:s13] =	ssyncset.done @p5 $0x0  }
0x85: {  	s9 =	sadd.s32 @!p5 $0x500, s8;
	s15 =	simm.s32 @!p5 $0x5FA0;
	[sflag:s13] =	ssyncadd.s32 @p5 $0xFFFFF830  }
0x86: {  	[tilespmem:s15], [sflag:$0x3] =	stream.indirect.gather @!p5 [hbm4b:s1+s10], $0x10, s9, s10, $0xb8;
	[tilespmem:$0xB590] =	vst v63  }
0x87: {  	s9 =	simm.s32 @!p5 $0x4  }
0x88: {  	_ =	swait.ge @!p5 [sflag:s9], $0x7D0  }
0x89: {  	[sflag:s9] =	ssyncset.done @!p5 $0x0  }
0x8a: {  	s15 =	simm.s32 @!p5 $0x6770;
	[sflag:s9] =	ssyncadd.s32 @!p5 $0xFFFFF830;
	s9 =	sadd.s32 @!p5 $0x2980, s8  }
0x8b: {  	[spmem:s3] =	stream.indirect.scatter.add.f32 @!p5 [tilespmem:s15], [sflag:$0x9], $0x10, s9, s10, $0xb8;
	[tilespmem:$0xB590] =	vst v63  }
0x8c: {  	_ =	swait.ge @!p5 [sflag:s14], $0x7D0  }
0x8d: {  	[sflag:s14] =	ssyncset.done @!p5 $0x0  }
0x8e: {  	s9 =	sadd.s32 @!p5 $0x580, s8;
	[sflag:s14] =	ssyncadd.s32 @!p5 $0xFFFFF830  }
0x8f: {  	[tilespmem:s15], [sflag:$0x4] =	stream.indirect.gather @!p5 [hbm4b:s1+s10], $0x10, s9, s10, $0xb8;
	[tilespmem:$0xB590] =	vst v63  }
0x90: {  	_ =	swait.ge [sflag:s24], $0x7D0  }
0x91: {  	[sflag:s24] =	ssyncset.done $0x0  }
0x92: {  	s15 =	sadd.s32 $0x2A00, s0;
	[sflag:s24] =	ssyncadd.s32 $0xFFFFF830  }
0x93: {  	[spmem:s3] =	stream.indirect.scatter.add.f32 [tilespmem:s2], [sflag:$0x9], $0x10, s15, s22, $0xb8;
	[tilespmem:$0xB590] =	vst v63  }
0x94: {  	_ =	swait.ge [sflag:s16], $0x7D0  }
0x95: {  	[sflag:s16] =	ssyncset.done $0x0  }
0x96: {  	s9 =	simm.s32 @p5 $0x6;
	[sflag:s16] =	ssyncadd.s32 $0xFFFFF830  }
0x97: {  	_ =	swait.ge @p5 [sflag:s9], $0x7D0  }
0x98: {  	[sflag:s9] =	ssyncset.done @p5 $0x0  }
0x99: {  	[sflag:s9] =	ssyncadd.s32 @p5 $0xFFFFF830;
	s9 =	sadd.s32 @p5 $0x2A80, s11;
	s11 =	simm.s32 @p5 $0x7710  }
0x9a: {  	[spmem:s3] =	stream.indirect.scatter.add.f32 @p5 [tilespmem:s11], [sflag:$0x9], $0x10, s9, s12, $0xb8;
	[tilespmem:$0xB590] =	vst v63  }
0x9b: {  	_ =	swait.ge @p5 [sflag:s13], $0x7D0  }
0x9c: {  	[sflag:s13] =	ssyncset.done @p5 $0x0  }
0x9d: {  	s9 =	sadd.s32 @!p5 $0x600, s8;
	s11 =	simm.s32 @!p5 $0x6F40;
	[sflag:s13] =	ssyncadd.s32 @p5 $0xFFFFF830  }
0x9e: {  	[tilespmem:s11], [sflag:$0x5] =	stream.indirect.gather @!p5 [hbm4b:s1+s10], $0x10, s9, s10, $0xb8;
	[tilespmem:$0xB590] =	vst v63  }
0x9f: {  	s9 =	simm.s32 @!p5 $0x6  }
0xa0: {  	_ =	swait.ge @!p5 [sflag:s9], $0x7D0  }
0xa1: {  	[sflag:s9] =	ssyncset.done @!p5 $0x0  }
0xa2: {  	s11 =	simm.s32 @!p5 $0x7710;
	[sflag:s9] =	ssyncadd.s32 @!p5 $0xFFFFF830;
	s9 =	sadd.s32 @!p5 $0x2A80, s8  }
0xa3: {  	[spmem:s3] =	stream.indirect.scatter.add.f32 @!p5 [tilespmem:s11], [sflag:$0x9], $0x10, s9, s10, $0xb8;
	[tilespmem:$0xB590] =	vst v63  }
0xa4: {  	_ =	swait.ge @!p5 [sflag:s14], $0x7D0  }
0xa5: {  	[sflag:s14] =	ssyncset.done @!p5 $0x0  }
0xa6: {  	s8 =	sadd.s32 @!p5 $0x680, s8;
	[sflag:s14] =	ssyncadd.s32 @!p5 $0xFFFFF830  }
0xa7: {  	[tilespmem:s11], [sflag:$0x6] =	stream.indirect.gather @!p5 [hbm4b:s1+s10], $0x10, s8, s10, $0xb8;
	[tilespmem:$0xB590] =	vst v63  }
0xa8: {  	_ =	swait.ge [sflag:s25], $0x7D0  }
0xa9: {  	[sflag:s25] =	ssyncset.done $0x0  }
.Ltmp2:
0xaa: {  	s15 =	sadd.s32 $0x2B00, s0;
	[sflag:s25] =	ssyncadd.s32 $0xFFFFF830;
	(pc) =	sbr.rel @p5 .LBB2_4-.Ltmp2, $4  }
0xab: {  	[spmem:s3] =	stream.indirect.scatter.add.f32 [tilespmem:s26], [sflag:$0x9], $0x10, s15, s22, $0xb8;
	[tilespmem:$0xB590] =	vst v63  }
0xac: {  	_ =	swait.ge [sflag:s16], $0x7D0  }
0xad: {  	[sflag:s16] =	ssyncset.done $0x0  }
0xae: {  	s8 =	sadd.s32 $0x2B80, s0;
	[sflag:s16] =	ssyncadd.s32 $0xFFFFF830  }
0xaf: {  	s9 =	sadd.s32 $0x700, s0  }
0xb0: {  	[tilespmem:s26], [sflag:$0x7] =	stream.indirect.gather [hbm4b:s1+s22], $0x10, s9, s22, $0xb8;
	[tilespmem:$0xB590] =	vst v63  }
0xb1: {  	_ =	swait.ge [sflag:s29], $0x7D0  }
0xb2: {  	[sflag:s29] =	ssyncset.done $0x0  }
0xb3: {  	[sflag:s29] =	ssyncadd.s32 $0xFFFFF830  }
0xb4: {  	[spmem:s3] =	stream.indirect.scatter.add.f32 [tilespmem:s30], [sflag:$0x9], $0x10, s8, s22, $0xb8;
	[tilespmem:$0xB590] =	vst v63  }
.Ltmp3:
0xb5: {  	_ = 	snop;
	(pc) =	sbr.rel .LBB2_2-.Ltmp3, $4  }
0xb6: {  	_ =	swait.ge [sflag:s16], $0x7D0  }
0xb7: {  	[sflag:s16] =	ssyncset.done $0x0  }
0xb8: {  	s15 =	sadd.s32 $0x780, s0;
	s6 =	sadd.s32 $0x1000, s6;
	[sflag:s16] =	ssyncadd.s32 $0xFFFFF830  }
0xb9: {  	[tilespmem:s30], [sflag:$0x8] =	stream.indirect.gather [hbm4b:s1+s22], $0x10, s15, s22, $0xb8;
	[tilespmem:$0xB590] =	vst v63  }
.LBB2_5:
0xba: {  	_ =	sfence.sel $0x180000  }
0xbb: {  	[bflag:$0x0] =	sbarrier.arrive $0xFFFF  }
0xbc: {  	_ =	strace $0x9000004D  }
0xbd: {  	[bflag:$0x2] =	sbarrier.arrive $0xFFFF  }
0xbe: {  	p0 =	sne.s32 s13, $0x0;
	s0 =	rddreg [dreg:$0x3]  }
0xbf: {  	s0 =	sadd.s32 @!p0 $0x100000, s0  }
0xc0: {  	[sflag:s0] =	ssyncadd.tile.s32 @!p0 $0x1;
	_ =	shalt  }
.Lfunc_end2:
_tile_overlayer_lowered:
.L_overlay_start_2:
0xc1: {  	(tag) =	ssettag $0x2  }
0xc2: {  	s0 =	rddreg [dreg:$0x0];
	s2 =	stileid.u32  }
0xc3: {  	s1 =	rddreg [dreg:$0x1];
	p0 =	sne.s32 s2, $0x0  }
0xc4: {  	s3 =	rddreg [dreg:$0x2];
	[bflag:$0x3] =	sbarrier.arrive $0xFFFF;
	s2 =	simm.s32 @!p0 $0x1C09  }
0xc5: {  	[timem:s3], [sflag:s2] =	dma.local @!p0 [hbm:s0], s1  }
0xc6: {  	s0 =	simm.s32 @!p0 $0x9  }
0xc7: {  	_ =	swait.ge @!p0 [sflag:s0], s1  }
0xc8: {  	s1 =	ssub.s32 @!p0 $0x0, s1;
	[sflag:s0] =	ssyncset.done @!p0 $0x0  }
0xc9: {  	[sflag:s0] =	ssyncadd.s32 @!p0 s1  }
0xca: {  	[bflag:$0x3] =	sbarrier.arrive $0xFFFF  }
0xcb: {  	_ =	shalt  }

// kernel: kernel.8.cloned.1.call-start
scs
__scs_entry_jumppad:
0x0: {  	(pc) =	sbr.rel $0x88, $3  }
0x1: {  	(tag) =	ssettag $0x0;
	lr =	simm.s32 $0x1  }
0x2: {  	[smem:$0x3F9B] =	sst lr;
	_ =	strace $0xD0000000  }
0x3: {  	_ = 	snop  }
0x4: {  	_ = 	snop  }
0x5: {  	_ = 	snop  }
0x6: {  	_ = 	snop  }
0x7: {  	_ = 	snop  }
__scs_overlays_trampoline_lowered:
0x8: {  	[smem:$0x3FAA] =	sst s0  }
0x9: {  	[smem:$0x3FAB] =	sst s1  }
0xa: {  	[smem:$0x3FAC] =	sst s2  }
0xb: {  	[smem:$0x3FAD] =	sst s3  }
0xc: {  	[smem:$0x3FAE] =	sst s4  }
0xd: {  	[smem:$0x3FAF] =	sst s5  }
0xe: {  	[smem:$0x3FB0] =	sst s6  }
0xf: {  	[smem:$0x3FB1] =	sst s7  }
0x10: {  	[smem:$0x3FB2] =	sst s8  }
0x11: {  	[smem:$0x3FB3] =	sst s9;
	s0 =	simm.s32 @!p0 $0x0  }
0x12: {  	s1 =	sld [smem:$0x3F99];
	s0 =	simm.s32 @p0 $0x1  }
0x13: {  	[smem:$0x3FB4] =	sst s0;
	s0 =	simm.s32 @!p1 $0x0  }
0x14: {  	s2 =	sld [smem:$0x3F98];
	s0 =	simm.s32 @p1 $0x1  }
0x15: {  	[smem:$0x3FB5] =	sst s0;
	s0 =	simm.s32 @!p2 $0x0  }
0x16: {  	s3 =	sld [smem:$0x3FDB];
	s0 =	simm.s32 @p2 $0x1  }
0x17: {  	s4 =	simm.s32 $0x1BF5;
	[smem:$0x3FB7] =	sst s0  }
0x18: {  	s0 =	sld [smem:$0x3F9A];
	_ =	swait.ge [sflag:s4], $0x0  }
0x19: {  	s7 =	sld [smem:$0x3F9B]  }
0x1a: {  	s8 =	sadd.s32 $0xFFFFE003, lr  }
0x1b: {  	s9 =	sadd.s32 $0xFFFFFEF7, lr;
	s5 =	simm.s32 $0xFFFFFFFF;
	p2 =	slt.u32 s8, $0xFFFFF086  }
0x1c: {  	p1 =	slt.u32 s9, $0xF7A;
	s5 =	simm.s32 @!p2 $0x0  }
0x1d: {  	s5 =	simm.s32 @p1 $0x1;
	p0 =	seq.s32 s7, s2  }
0x1e: {  	s7 =	smul.u32 @!p0 $0xF7A, s2;
	p2 =	seq.s32 @!p0 s5, $0x0  }
0x1f: {  	s9 =	smul.u32 $0xF7A, s1;
	s8 =	simm.s32 @!p0 $0x1BF5;
	p2 =	por !p2, p0  }
0x20: {  	[sflag:s8] =	ssyncset.s32 @!p0 $0xFFFFF086;
	s6 =	sadd.s32 @!p0 s3, s7;
	s7 =	simm.s32 @!p0 $0x108  }
0x21: {  	s3 =	sadd.s32 s3, s9;
	s6 =	sadd.s32 @!p0 $0x88, s6;
	s7 =	simm.s32 @p2 $0x1082  }
0x22: {  	[simem:s7], [sflag:s8] =	dma.local @!p0 [hbm:s6], $0xF7A  }
0x23: {  	s9 =	sor.u32 $0xD0000000, s2;
	s6 =	simm.s32 $0x108;
	_ =	swait.ge @!p0 [sflag:s8], $0x0  }
0x24: {  	s3 =	sadd.s32 $0x88, s3;
	s6 =	simm.s32 @!p1 $0x1082;
	[sflag:s4] =	ssyncset.s32 $0xFFFFF086  }
0x25: {  	[simem:s6], [sflag:s4] =	dma.local [hbm:s3], $0xF7A  }
0x26: {  	[smem:$0x3F9B] =	sst s1;
	(tag) =	ssettag s2;
	_ =	strace s9  }
0x27: {  	s1 =	sld [smem:$0x3FAB]  }
0x28: {  	s2 =	sld [smem:$0x3FAC]  }
0x29: {  	s4 =	sld [smem:$0x3FAE]  }
0x2a: {  	p0 =	seq.s32 s5, $0x0;
	s5 =	sld [smem:$0x3FAF]  }
0x2b: {  	s6 =	sld [smem:$0x3FB0]  }
0x2c: {  	s7 =	sld [smem:$0x3FB1]  }
0x2d: {  	s3 =	simm.s32 $0x108;
	s8 =	sld [smem:$0x3FB2]  }
0x2e: {  	s3 =	simm.s32 @!p0 $0x1082;
	s9 =	sld [smem:$0x3FB3]  }
0x2f: {  	lr =	sadd.s32 s0, s3;
	s0 =	sld [smem:$0x3FAA]  }
0x30: {  	s3 =	sld [smem:$0x3FAD]  }
0x31: {  	[smem:$0x3FB6] =	sst s10  }
0x32: {  	s10 =	sld [smem:$0x3FB4];
	_ =	sdelay $0x3  }
0x33: {  	p0 =	seq.s32 s10, $0x1;
	s10 =	sld [smem:$0x3FB6];
	_ =	sdelay $0x3  }
0x34: {  	[smem:$0x3FB6] =	sst s10  }
0x35: {  	s10 =	sld [smem:$0x3FB5];
	_ =	sdelay $0x3  }
0x36: {  	p1 =	seq.s32 s10, $0x1;
	s10 =	sld [smem:$0x3FB6];
	_ =	sdelay $0x3  }
0x37: {  	[smem:$0x3FB6] =	sst s10  }
0x38: {  	s10 =	sld [smem:$0x3FB7]  }
0x39: {  	_ = 	snop;
	(pc) =	sbr.ind lr, $3  }
0x3a: {  	_ = 	snop  }
0x3b: {  	_ = 	snop  }
0x3c: {  	p2 =	seq.s32 s10, $0x1;
	s10 =	sld [smem:$0x3FB6]  }
0x3d: {  	_ =	shalt  }
0x3e: {  	_ =	shalt  }
0x3f: {  	_ =	shalt  }
0x40: {  	_ =	shalt  }
0x41: {  	_ =	shalt  }
0x42: {  	_ =	shalt  }
0x43: {  	_ =	shalt  }
0x44: {  	_ =	shalt  }
0x45: {  	_ =	shalt  }
0x46: {  	_ =	shalt  }
0x47: {  	_ =	shalt  }
0x48: {  	_ =	shalt  }
0x49: {  	_ =	shalt  }
0x4a: {  	_ =	shalt  }
0x4b: {  	_ =	shalt  }
0x4c: {  	_ =	shalt  }
0x4d: {  	_ =	shalt  }
0x4e: {  	_ =	shalt  }
0x4f: {  	_ =	shalt  }
0x50: {  	_ =	shalt  }
0x51: {  	_ =	shalt  }
0x52: {  	_ =	shalt  }
0x53: {  	_ =	shalt  }
0x54: {  	_ =	shalt  }
0x55: {  	_ =	shalt  }
0x56: {  	_ =	shalt  }
0x57: {  	_ =	shalt  }
0x58: {  	_ =	shalt  }
0x59: {  	_ =	shalt  }
0x5a: {  	_ =	shalt  }
0x5b: {  	_ =	shalt  }
0x5c: {  	_ =	shalt  }
0x5d: {  	_ =	shalt  }
0x5e: {  	_ =	shalt  }
0x5f: {  	_ =	shalt  }
0x60: {  	_ =	shalt  }
0x61: {  	_ =	shalt  }
0x62: {  	_ =	shalt  }
0x63: {  	_ =	shalt  }
0x64: {  	_ =	shalt  }
0x65: {  	_ =	shalt  }
0x66: {  	_ =	shalt  }
0x67: {  	_ =	shalt  }
0x68: {  	_ =	shalt  }
0x69: {  	_ =	shalt  }
0x6a: {  	_ =	shalt  }
0x6b: {  	_ =	shalt  }
0x6c: {  	_ =	shalt  }
0x6d: {  	_ =	shalt  }
0x6e: {  	_ =	shalt  }
0x6f: {  	_ =	shalt  }
0x70: {  	_ =	shalt  }
0x71: {  	_ =	shalt  }
0x72: {  	_ =	shalt  }
0x73: {  	_ =	shalt  }
0x74: {  	_ =	shalt  }
0x75: {  	_ =	shalt  }
0x76: {  	_ =	shalt  }
0x77: {  	_ =	shalt  }
0x78: {  	_ =	shalt  }
0x79: {  	_ =	shalt  }
0x7a: {  	_ =	shalt  }
0x7b: {  	_ =	shalt  }
0x7c: {  	_ =	shalt  }
0x7d: {  	_ =	shalt  }
0x7e: {  	_ =	shalt  }
0x7f: {  	_ =	shalt  }
0x80: {  	_ =	shalt  }
0x81: {  	_ =	shalt  }
0x82: {  	_ =	shalt  }
0x83: {  	_ =	shalt  }
0x84: {  	_ =	shalt  }
0x85: {  	_ =	shalt  }
0x86: {  	_ =	shalt  }
0x87: {  	_ =	shalt  }
.Lfunc_end0:
.L_simem_size_0:
called_computation_lowered:
.L_overlay_start_0:
0x88: {  	s2 =	sld [smem:$0x3FD9]  }
0x89: {  	s3 =	sld [smem:$0x3FFE];
	_ =	sdelay $0x1  }
0x8a: {  	s1 =	srdreg.scid  }
0x8b: {  	s0 =	sand.u32 $0x1, s1  }
0x8c: {  	s17 =	sshll.u32 s0, $0xA;
	s2 =	sadd.s32 s3, s2  }
0x8d: {  	s2 =	sadd.s32 s2, s17  }
0x8e: {  	[smem:$0x3FC2] =	sst s2  }
0x8f: {  	_ = 	snop  }
0x90: {  	s2 =	sld [smem:$0x3FD0];
	(tm) =	ssettm $0x1  }
0x91: {  	s18 =	sld [smem:$0x3FFB];
	_ =	sdelay $0x3  }
0x92: {  	_ =	strace s18  }
0x93: {  	s3 =	sld [smem:$0x3FFC];
	_ =	sdelay $0x3  }
0x94: {  	_ =	strace s3  }
0x95: {  	s3 =	sld [smem:$0x3FFD];
	_ =	sdelay $0x3  }
0x96: {  	_ =	strace s3  }
0x97: {  	_ =	strace $0x8FFFFFFF  }
0x98: {  	s19 =	sld [smem:$0x3FDB];
	_ =	sdelay $0x1  }
0x99: {  	s4 =	simm.s32 $_scs_section_size  }
0x9a: {  	s5 =	simm.s32 $_size__tile_overlayer_lowered;
	s6 =	simm.s32 $_tile_overlayer_lowered  }
0x9b: {  	s22 =	simm.s32 $0x1BFF;
	s21 =	sshll.u32 s6, $0x1;
	s3 =	sadd.s32 s4, s19  }
0x9c: {  	s7 =	simm.s32 $0x0;
	s20 =	sshll.u32 s5, $0x1;
	s5 =	sadd.s32 s21, s3  }
0x9d: {  	[timem:s7], [sflag:s22] =	dma.local [hbm:s5], s20  }
0x9e: {  	_ =	swait.ge [sflag:s22], s20  }
0x9f: {  	s4 =	ssub.s32 $0x0, s20;
	[sflag:s22] =	ssyncset.done $0x0  }
0xa0: {  	[sflag:s22] =	ssyncadd.s32 s4;
	_ =	sdelay $0x1  }
0xa1: {  	s23 =	simm.s32 $0x1B8B  }
0xa2: {  	_ =	swait.ge [sflag:s23], $0x1  }
0xa3: {  	[sflag:s23] =	ssyncset.done $0x0  }
0xa4: {  	s25 =	simm.s32 $0x1B8E;
	s24 =	sld [smem:$0x3FFE];
	[sflag:s23] =	ssyncadd.s32 $0xFFFFFFFF  }
0xa5: {  	s26 =	simm.s32 $execute0_lowered;
	[smem:$0x3FD2] =	sst s25  }
0xa6: {  	s5 =	sshll.u32 s26, $0x1;
	_ =	strace $0x80000046;
	[dreg:$0x1] =	wrdreg $0xFFFFFFFF  }
0xa7: {  	s28 =	simm.s32 $_size_execute0_lowered;
	s3 =	sadd.s32 s3, s5;
	[dreg:$0x0] =	wrdreg $0x0  }
0xa8: {  	s5 =	sshll.u32 s28, $0x1;
	[dreg:$0x2] =	wrdreg s3  }
0xa9: {  	[dreg:$0x3] =	wrdreg s5  }
0xaa: {  	[dreg:$0x4] =	wrdreg $0xC0  }
0xab: {  	_ =	task [dreg:s7], $0x5FFFF  }
0xac: {  	[dreg:$0x1] =	wrdreg $0xFFFFFFFF  }
0xad: {  	[dreg:$0x0] =	wrdreg $0x60  }
0xae: {  	[dreg:$0x2] =	wrdreg s24  }
0xaf: {  	[dreg:$0x3] =	wrdreg s2  }
0xb0: {  	[dreg:$0x4] =	wrdreg $0x2BE80  }
0xb1: {  	[dreg:$0x5] =	wrdreg $0x9  }
0xb2: {  	_ =	task.clear_ibuf [dreg:s7], $0x6FFFF;
	_ =	strace $0x90000046  }
0xb3: {  	s29 =	simm.s32 $0x9;
	_ =	strace $0x80000048  }
0xb4: {  	_ =	swait.ge [sflag:s29], $0x1  }
0xb5: {  	[sflag:s29] =	ssyncadd.s32 $0xFFFFFFFF  }
0xb6: {  	_ =	strace $0x90000048  }
0xb7: {  	_ =	sfence  }
0xb8: {  	s30 =	sld [smem:$0x0];
	_ =	sdelay $0x2  }
0xb9: {  	s31 =	sshll.u32 s1, $0xD;
	s1 =	sshrl.u32 s1, $0x2  }
0xba: {  	s3 =	sand.u32 $0x4000, s31;
	s1 =	sadd.s32 s1, s30  }
0xbb: {  	s0 =	sor.u32 s3, s0;
	s1 =	sshll.u32 s1, $0x11  }
0xbc: {  	s0 =	sor.u32 s1, s0  }
0xbd: {  	s0 =	sadd.s32 $0x8F2B, s0  }
0xbe: {  	[sflag:s0] =	ssyncadd.remote.s32 $0x1  }
0xbf: {  	_ =	sfence.sel $0xFFFF  }
0xc0: {  	[dreg:$0x0] =	wrdreg $0xFFFFFFFF;
	(pc) =	sbr.abs _section_cstart, $3  }
0xc1: {  	[dreg:$0x1] =	wrdreg $0xFFFFFFFF  }
0xc2: {  	_ =	task.clear_ibuf [dreg:s7], $0x2FFFF;
	_ =	strace $0x9FFFFFFF  }
0xc3: {  	(tm) =	ssettm $0x7FFFFFFF  }
tec
execute0_lowered:
.L_overlay_start_1:
0x0: {  	(tag) =	ssettag $0x1  }
0x1: {  	s7 =	rddreg [dreg:$0x0]  }
0x2: {  	s9 =	rddreg [dreg:$0x1]  }
0x3: {  	s0 =	srdreg.scid;
	s2 =	rddreg [dreg:$0x2];
	s3 =	simm.s32 $0x0  }
0x4: {  	s16 =	simm.s32 $0x7D;
	s17 =	simm.s32 $0x1;
	s18 =	simm.s32 $0x0  }
0x5: {  	s4 =	sand.u32 $0x1, s0;
	s0 =	stileid.u32;
	[smem:$0x7FF] =	sst s3  }
0x6: {  	s13 =	sadd.s32 $0x12840, s2;
	s1 =	sshll.u32 s4, $0x4;
	s8 =	smul.u32 $0x13C0, s0  }
0x7: {  	s10 =	ssub.s32 $0x2, s4;
	s12 =	smul.u32 $0x13880, s4;
	s4 =	sadd.s32 $0x22200, s7  }
0x8: {  	p0 =	seq.s32 s0, $0xF;
	s5 =	sor.u32 s0, s1;
	s1 =	rddreg [dreg:$0x3]  }
0x9: {  	_ =	strace $0x80000047;
	s11 =	sshrl.u32 s10, $0x1;
	s14 =	sshll.u32 @!p0 s0, $0x6  }
0xa: {  	s13 =	sshrl.u32 @p0 s13, $0x3;
	s5 =	smul.u32 $0x500, s5;
	s6 =	sshrl.u32 s8, $0x3  }
0xb: {  	s10 =	ssub.s32 s10, s11;
	s15 =	sadd.s32 s8, s2;
	s8 =	sadd.s32 s8, s12  }
0xc: {  	s31 =	sshrl.u32 s12, $0x3;
	s11 =	simm.s32 $0x2800;
	s12 =	simm.s32 $0x2  }
0xd: {  	s14 =	sor.u32 @!p0 $0x1C02, s14;
	s6 =	sadd.s32 s6, s7;
	s8 =	sshrl.u32 s8, $0x3  }
0xe: {  	s10 =	smax.u32 s10, $0x1;
	s15 =	sshrl.u32 @!p0 s15, $0x3;
	s5 =	sadd.s32 s5, s7  }
0xf: {  	s6 =	sadd.s32 $0x1FA00, s6;
	s8 =	sadd.s32 s9, s8;
	s9 =	sadd.s32 s9, s31  }
0x10: {  	s7 =	sadd.s32 $0x21F08, s7;
	s5 =	sadd.s32 $0x15A00, s5;
	s9 =	sadd.s32 $0x2508, s9  }
.LBB2_1:
0x11: {  	[tilespmem:s11], [sflag:$0x2] =	stream.linear.gather [hbm4b:s4+s3], $0x3E8, $0x38;
	[tilespmem:$0x3F70] =	vst v63  }
0x12: {  	_ =	swait.ge [sflag:s12], $0x3E8  }
0x13: {  	[sflag:s12] =	ssyncset.done $0x0  }
0x14: {  	[sflag:s12] =	ssyncadd.s32 $0xFFFFFC18  }
0x15: {  	[tilespmem:s3], [sflag:$0x2] =	stream.linear.gather [hbm4b:s5+s3], $0x2800, $0x38;
	[tilespmem:$0x3F70] =	vst v63  }
0x16: {  	_ =	swait.ge [sflag:s12], $0x2800  }
0x17: {  	[sflag:s12] =	ssyncset.done $0x0  }
0x18: {  	s19 =	simm.s32 @p0 $0x1FC2;
	[sflag:s12] =	ssyncadd.s32 $0xFFFFD800  }
0x19: {  	[spmem:s13], [sflag:s19] =	dma.local @p0 [hbm:s7], $0x208  }
0x1a: {  	s19 =	simm.s32 @p0 $0x2  }
0x1b: {  	_ =	swait.ge @p0 [sflag:s19], $0x208  }
0x1c: {  	[sflag:s19] =	ssyncset.done @p0 $0x0  }
0x1d: {  	[sflag:s19] =	ssyncadd.s32 @p0 $0xFFFFFDF8;
	s19 =	simm.s32 @!p0 $0x2  }
0x1e: {  	[spmem:s15], [sflag:s14] =	dma.local @!p0 [hbm:s6], $0x278  }
0x1f: {  	_ =	swait.ge @!p0 [sflag:s19], $0x278  }
0x20: {  	[sflag:s19] =	ssyncset.done @!p0 $0x0  }
0x21: {  	[sflag:s19] =	ssyncadd.s32 @!p0 $0xFFFFFD88  }
0x22: {  	s23 =	simm.s32 $0x0;
	[bflag:$0x0] =	sbarrier.arrive $0xFFFF  }
0x23: {  	[spmem:s2] =	stream.indirect.scatter.add.f32 [tilespmem:s11], [sflag:$0x1], $0x8, s23, s16, $0xb8;
	[tilespmem:$0x3F70] =	vst v63  }
0x24: {  	s24 =	simm.s32 $0x80  }
0x25: {  	[spmem:s2] =	stream.indirect.scatter.add.f32 [tilespmem:s11], [sflag:$0x1], $0x8, s24, s16, $0xb8;
	[tilespmem:$0x3F70] =	vst v63  }
0x26: {  	s25 =	simm.s32 $0x100  }
0x27: {  	[spmem:s2] =	stream.indirect.scatter.add.f32 [tilespmem:s11], [sflag:$0x1], $0x8, s25, s16, $0xb8;
	[tilespmem:$0x3F70] =	vst v63  }
0x28: {  	s26 =	simm.s32 $0x180  }
0x29: {  	[spmem:s2] =	stream.indirect.scatter.add.f32 [tilespmem:s11], [sflag:$0x1], $0x8, s26, s16, $0xb8;
	[tilespmem:$0x3F70] =	vst v63  }
0x2a: {  	s28 =	simm.s32 $0x200  }
0x2b: {  	[spmem:s2] =	stream.indirect.scatter.add.f32 [tilespmem:s11], [sflag:$0x1], $0x8, s28, s16, $0xb8;
	[tilespmem:$0x3F70] =	vst v63  }
0x2c: {  	s29 =	simm.s32 $0x280  }
0x2d: {  	[spmem:s2] =	stream.indirect.scatter.add.f32 [tilespmem:s11], [sflag:$0x1], $0x8, s29, s16, $0xb8;
	[tilespmem:$0x3F70] =	vst v63  }
0x2e: {  	s30 =	simm.s32 $0x300  }
0x2f: {  	[spmem:s2] =	stream.indirect.scatter.add.f32 [tilespmem:s11], [sflag:$0x1], $0x8, s30, s16, $0xb8;
	[tilespmem:$0x3F70] =	vst v63  }
0x30: {  	s31 =	simm.s32 $0x380  }
0x31: {  	[spmem:s2] =	stream.indirect.scatter.add.f32 [tilespmem:s11], [sflag:$0x1], $0x8, s31, s16, $0xb8;
	[tilespmem:$0x3F70] =	vst v63  }
0x32: {  	_ =	swait.ge [sflag:s17], $0x3E8  }
0x33: {  	[sflag:s17] =	ssyncset.done $0x0  }
0x34: {  	[sflag:s17] =	ssyncadd.s32 $0xFFFFFC18  }
0x35: {  	_ =	swait.ge [sflag:s17], $0x3E8  }
0x36: {  	[sflag:s17] =	ssyncset.done $0x0  }
0x37: {  	[sflag:s17] =	ssyncadd.s32 $0xFFFFFC18  }
0x38: {  	_ =	swait.ge [sflag:s17], $0x3E8  }
0x39: {  	[sflag:s17] =	ssyncset.done $0x0  }
0x3a: {  	[sflag:s17] =	ssyncadd.s32 $0xFFFFFC18  }
0x3b: {  	_ =	swait.ge [sflag:s17], $0x3E8  }
0x3c: {  	[sflag:s17] =	ssyncset.done $0x0  }
0x3d: {  	[sflag:s17] =	ssyncadd.s32 $0xFFFFFC18  }
0x3e: {  	_ =	swait.ge [sflag:s17], $0x3E8  }
0x3f: {  	[sflag:s17] =	ssyncset.done $0x0  }
0x40: {  	[sflag:s17] =	ssyncadd.s32 $0xFFFFFC18  }
0x41: {  	_ =	swait.ge [sflag:s17], $0x3E8  }
0x42: {  	[sflag:s17] =	ssyncset.done $0x0  }
0x43: {  	[sflag:s17] =	ssyncadd.s32 $0xFFFFFC18  }
0x44: {  	_ =	swait.ge [sflag:s17], $0x3E8  }
0x45: {  	[sflag:s17] =	ssyncset.done $0x0  }
0x46: {  	[sflag:s17] =	ssyncadd.s32 $0xFFFFFC18  }
0x47: {  	_ =	swait.ge [sflag:s17], $0x3E8  }
0x48: {  	s21 =	simm.s32 $0x2000;
	s19 =	simm.s32 $0x1000;
	[sflag:s17] =	ssyncset.done $0x0  }
.LBB2_2:
0x49: {  	s22 =	sshra.s32 s19, $0x2  }
0x4a: {  	[sflag:s17] =	ssyncadd.s32 $0xFFFFFC18;
	s19 =	smov.u32 s21;
	s20 =	sadd.s32 $0x1000, s21  }
0x4b: {  	[spmem:s2] =	stream.indirect.scatter.add.f32 [tilespmem:s11], [sflag:$0x1], $0x8, s22, s16, $0xb8;
	[tilespmem:$0x3F70] =	vst v63  }
0x4c: {  	p1 =	sne.s32 s21, $0x9000;
	s21 =	sadd.s32 $0x80, s22  }
0x4d: {  	[spmem:s2] =	stream.indirect.scatter.add.f32 [tilespmem:s11], [sflag:$0x1], $0x8, s21, s16, $0xb8;
	[tilespmem:$0x3F70] =	vst v63  }
0x4e: {  	s21 =	sadd.s32 $0x100, s22  }
0x4f: {  	[spmem:s2] =	stream.indirect.scatter.add.f32 [tilespmem:s11], [sflag:$0x1], $0x8, s21, s16, $0xb8;
	[tilespmem:$0x3F70] =	vst v63  }
0x50: {  	s21 =	sadd.s32 $0x180, s22  }
0x51: {  	[spmem:s2] =	stream.indirect.scatter.add.f32 [tilespmem:s11], [sflag:$0x1], $0x8, s21, s16, $0xb8;
	[tilespmem:$0x3F70] =	vst v63  }
0x52: {  	s21 =	sadd.s32 $0x200, s22  }
0x53: {  	[spmem:s2] =	stream.indirect.scatter.add.f32 [tilespmem:s11], [sflag:$0x1], $0x8, s21, s16, $0xb8;
	[tilespmem:$0x3F70] =	vst v63  }
0x54: {  	s21 =	sadd.s32 $0x280, s22  }
0x55: {  	[spmem:s2] =	stream.indirect.scatter.add.f32 [tilespmem:s11], [sflag:$0x1], $0x8, s21, s16, $0xb8;
	[tilespmem:$0x3F70] =	vst v63  }
0x56: {  	s21 =	sadd.s32 $0x300, s22  }
0x57: {  	[spmem:s2] =	stream.indirect.scatter.add.f32 [tilespmem:s11], [sflag:$0x1], $0x8, s21, s16, $0xb8;
	[tilespmem:$0x3F70] =	vst v63  }
0x58: {  	s21 =	sadd.s32 $0x380, s22  }
0x59: {  	[spmem:s2] =	stream.indirect.scatter.add.f32 [tilespmem:s11], [sflag:$0x1], $0x8, s21, s16, $0xb8;
	[tilespmem:$0x3F70] =	vst v63  }
0x5a: {  	_ =	swait.ge [sflag:s17], $0x3E8  }
0x5b: {  	[sflag:s17] =	ssyncset.done $0x0  }
0x5c: {  	[sflag:s17] =	ssyncadd.s32 $0xFFFFFC18  }
0x5d: {  	_ =	swait.ge [sflag:s17], $0x3E8  }
0x5e: {  	[sflag:s17] =	ssyncset.done $0x0  }
0x5f: {  	[sflag:s17] =	ssyncadd.s32 $0xFFFFFC18  }
0x60: {  	_ =	swait.ge [sflag:s17], $0x3E8  }
0x61: {  	[sflag:s17] =	ssyncset.done $0x0  }
0x62: {  	[sflag:s17] =	ssyncadd.s32 $0xFFFFFC18  }
0x63: {  	_ =	swait.ge [sflag:s17], $0x3E8  }
0x64: {  	[sflag:s17] =	ssyncset.done $0x0  }
0x65: {  	[sflag:s17] =	ssyncadd.s32 $0xFFFFFC18  }
0x66: {  	_ =	swait.ge [sflag:s17], $0x3E8  }
0x67: {  	[sflag:s17] =	ssyncset.done $0x0  }
0x68: {  	[sflag:s17] =	ssyncadd.s32 $0xFFFFFC18  }
0x69: {  	_ =	swait.ge [sflag:s17], $0x3E8  }
0x6a: {  	[sflag:s17] =	ssyncset.done $0x0  }
0x6b: {  	[sflag:s17] =	ssyncadd.s32 $0xFFFFFC18  }
.Ltmp0:
0x6c: {  	_ =	swait.ge [sflag:s17], $0x3E8;
	(pc) =	sbr.rel @p1 .LBB2_2-.Ltmp0, $4  }
0x6d: {  	[sflag:s17] =	ssyncset.done $0x0  }
0x6e: {  	[sflag:s17] =	ssyncadd.s32 $0xFFFFFC18  }
0x6f: {  	_ =	swait.ge [sflag:s17], $0x3E8  }
0x70: {  	s21 =	smov.u32 s20;
	[sflag:s17] =	ssyncset.done $0x0  }
0x71: {  	s19 =	sshra.s32 s19, $0x2;
	[sflag:s17] =	ssyncadd.s32 $0xFFFFFC18  }
0x72: {  	[spmem:s2] =	stream.indirect.scatter.add.f32 [tilespmem:s11], [sflag:$0x1], $0x8, s19, s16, $0xb8;
	[tilespmem:$0x3F70] =	vst v63  }
0x73: {  	s20 =	sadd.s32 $0x80, s19  }
0x74: {  	[spmem:s2] =	stream.indirect.scatter.add.f32 [tilespmem:s11], [sflag:$0x1], $0x8, s20, s16, $0xb8;
	[tilespmem:$0x3F70] =	vst v63  }
0x75: {  	s26 =	sadd.s32 $0x100, s19  }
0x76: {  	[spmem:s2] =	stream.indirect.scatter.add.f32 [tilespmem:s11], [sflag:$0x1], $0x8, s26, s16, $0xb8;
	[tilespmem:$0x3F70] =	vst v63  }
0x77: {  	s28 =	sadd.s32 $0x180, s19  }
0x78: {  	[spmem:s2] =	stream.indirect.scatter.add.f32 [tilespmem:s11], [sflag:$0x1], $0x8, s28, s16, $0xb8;
	[tilespmem:$0x3F70] =	vst v63  }
0x79: {  	s29 =	sadd.s32 $0x200, s19  }
0x7a: {  	[spmem:s2] =	stream.indirect.scatter.add.f32 [tilespmem:s11], [sflag:$0x1], $0x8, s29, s16, $0xb8;
	[tilespmem:$0x3F70] =	vst v63  }
0x7b: {  	s30 =	sadd.s32 $0x280, s19  }
0x7c: {  	[spmem:s2] =	stream.indirect.scatter.add.f32 [tilespmem:s11], [sflag:$0x1], $0x8, s30, s16, $0xb8;
	[tilespmem:$0x3F70] =	vst v63  }
0x7d: {  	s31 =	sadd.s32 $0x300, s19  }
0x7e: {  	[spmem:s2] =	stream.indirect.scatter.add.f32 [tilespmem:s11], [sflag:$0x1], $0x8, s31, s16, $0xb8;
	[tilespmem:$0x3F70] =	vst v63  }
0x7f: {  	s19 =	sadd.s32 $0x380, s19  }
0x80: {  	[spmem:s2] =	stream.indirect.scatter.add.f32 [tilespmem:s11], [sflag:$0x1], $0x8, s19, s16, $0xb8;
	[tilespmem:$0x3F70] =	vst v63  }
0x81: {  	_ =	swait.ge [sflag:s17], $0x3E8  }
0x82: {  	[sflag:s17] =	ssyncset.done $0x0  }
0x83: {  	[sflag:s17] =	ssyncadd.s32 $0xFFFFFC18  }
0x84: {  	_ =	swait.ge [sflag:s17], $0x3E8  }
0x85: {  	[sflag:s17] =	ssyncset.done $0x0  }
0x86: {  	[sflag:s17] =	ssyncadd.s32 $0xFFFFFC18  }
0x87: {  	_ =	swait.ge [sflag:s17], $0x3E8  }
0x88: {  	[sflag:s17] =	ssyncset.done $0x0  }
0x89: {  	[sflag:s17] =	ssyncadd.s32 $0xFFFFFC18  }
0x8a: {  	_ =	swait.ge [sflag:s17], $0x3E8  }
0x8b: {  	[sflag:s17] =	ssyncset.done $0x0  }
0x8c: {  	[sflag:s17] =	ssyncadd.s32 $0xFFFFFC18  }
0x8d: {  	_ =	swait.ge [sflag:s17], $0x3E8  }
0x8e: {  	[sflag:s17] =	ssyncset.done $0x0  }
0x8f: {  	[sflag:s17] =	ssyncadd.s32 $0xFFFFFC18  }
0x90: {  	_ =	swait.ge [sflag:s17], $0x3E8  }
0x91: {  	[sflag:s17] =	ssyncset.done $0x0  }
0x92: {  	[sflag:s17] =	ssyncadd.s32 $0xFFFFFC18  }
0x93: {  	_ =	swait.ge [sflag:s17], $0x3E8  }
0x94: {  	[sflag:s17] =	ssyncset.done $0x0  }
0x95: {  	[sflag:s17] =	ssyncadd.s32 $0xFFFFFC18  }
0x96: {  	_ =	swait.ge [sflag:s17], $0x3E8  }
0x97: {  	[sflag:s17] =	ssyncset.done $0x0  }
0x98: {  	[sflag:s17] =	ssyncadd.s32 $0xFFFFFC18  }
0x99: {  	s19 =	simm.s32 @p0 $0x1FC2;
	[bflag:$0x0] =	sbarrier.arrive $0xFFFF  }
0x9a: {  	[hbm:s9], [sflag:s19] =	dma.local @p0 [spmem:s13], $0x208  }
0x9b: {  	s19 =	simm.s32 @p0 $0x2  }
0x9c: {  	s18 =	sadd.s32 $0x1, s18;
	_ =	swait.ge @p0 [sflag:s19], $0x208  }
0x9d: {  	p1 =	sne.s32 s18, s10;
	[sflag:s19] =	ssyncset.done @p0 $0x0  }
.Ltmp1:
0x9e: {  	[sflag:s19] =	ssyncadd.s32 @p0 $0xFFFFFDF8;
	s19 =	simm.s32 @!p0 $0x2;
	(pc) =	sbr.rel @p1 .LBB2_1-.Ltmp1, $4  }
0x9f: {  	[hbm:s8], [sflag:s14] =	dma.local @!p0 [spmem:s15], $0x278  }
0xa0: {  	_ =	swait.ge @!p0 [sflag:s19], $0x278  }
0xa1: {  	[sflag:s19] =	ssyncset.done @!p0 $0x0  }
0xa2: {  	[sflag:s19] =	ssyncadd.s32 @!p0 $0xFFFFFD88  }
0xa3: {  	_ =	sfence.sel $0x180000  }
0xa4: {  	[bflag:$0x0] =	sbarrier.arrive $0xFFFF  }
0xa5: {  	p0 =	sne.s32 s0, $0x0;
	_ =	strace $0x90000047  }
0xa6: {  	s0 =	sadd.s32 @!p0 $0x100000, s1;
	[bflag:$0x2] =	sbarrier.arrive $0xFFFF  }
0xa7: {  	[sflag:s0] =	ssyncadd.tile.s32 @!p0 $0x1;
	_ =	shalt  }
.Lfunc_end2:
_tile_overlayer_lowered:
.L_overlay_start_2:
0xa8: {  	(tag) =	ssettag $0x2  }
0xa9: {  	s0 =	rddreg [dreg:$0x0];
	s2 =	stileid.u32  }
0xaa: {  	s1 =	rddreg [dreg:$0x1];
	p0 =	sne.s32 s2, $0x0  }
0xab: {  	s3 =	rddreg [dreg:$0x2];
	[bflag:$0x3] =	sbarrier.arrive $0xFFFF;
	s2 =	simm.s32 @!p0 $0x1C02  }
0xac: {  	[timem:s3], [sflag:s2] =	dma.local @!p0 [hbm:s0], s1  }
0xad: {  	s0 =	simm.s32 @!p0 $0x2  }
0xae: {  	_ =	swait.ge @!p0 [sflag:s0], s1  }
0xaf: {  	s1 =	ssub.s32 @!p0 $0x0, s1;
	[sflag:s0] =	ssyncset.done @!p0 $0x0  }
0xb0: {  	[sflag:s0] =	ssyncadd.s32 @!p0 s1  }
0xb1: {  	[bflag:$0x3] =	sbarrier.arrive $0xFFFF  }
0xb2: {  	_ =	shalt  }

</sc_bundles>
